<compile_context>
chip_gen: v7x
topology: tpu7x:2x2x1
jax: 0.10.2.dev20260603
libtpu: 0.0.44.dev20260713+nightly
codegen_flags: <defaults>
</compile_context>

<pallas_src>
import functools

import jax
import jax.numpy as jnp
from jax import lax
from jax.experimental import pallas as pl
from jax.experimental.pallas import tpu as pltpu
from jax.experimental.pallas import tpu_sc as plsc

B, C, H, W = 8, 384, 14, 14
T = B * H * W
TQ = 2048
E, K, R = 8, 2, 4
DH = R * C
CAP = int(1.25 * T * K / E)
NCAP = 512
NQ = E * NCAP

_info = plsc.get_sparse_core_info()
NC, NS, L = _info.num_cores, _info.num_subcores, _info.num_lanes
NW = NC * NS
CHUNK = TQ // NW


def _f_body(x_ref, w_ref, dwb_ref, lnw_ref, lnb_ref, rw_ref,
            xpad_ref, res_ref, p1_ref, p2_ref, g1b_ref, g2b_ref, pad_ref):
    pad_ref[...] = jnp.zeros((H + 6, W + 6, B, C), jnp.float32)
    pad_ref[3:3 + H, 3:3 + W, :, :] = x_ref[...]
    acc = jnp.zeros((H, W, B, C), jnp.float32)
    for dh in range(7):
        for dw in range(7):
            wv = w_ref[dh * 7 + dw, :]
            acc = acc + pad_ref[dh:dh + H, dw:dw + W, :, :] * wv
    acc = acc + dwb_ref[...]
    mu = jnp.mean(acc, axis=-1, keepdims=True)
    xc = acc - mu
    var = jnp.mean(xc * xc, axis=-1, keepdims=True)
    xln = xc / jnp.sqrt(var + 1e-6) * lnw_ref[...] + lnb_ref[...]
    xs = xln.reshape(T, C)
    zpad = jnp.zeros((TQ - T, C), jnp.float32)
    xpad_ref[...] = jnp.concatenate([xs, zpad], axis=0)
    res_ref[...] = jnp.concatenate(
        [xs + x_ref[...].reshape(T, C), zpad], axis=0)
    logits = jnp.dot(xs, rw_ref[...], preferred_element_type=jnp.float32)
    lane = jax.lax.broadcasted_iota(jnp.int32, (T, E), 1)
    m = jnp.max(logits, axis=-1, keepdims=True)
    p = jnp.exp(logits - m)
    probs = p / jnp.sum(p, axis=-1, keepdims=True)
    m1 = jnp.max(probs, axis=-1, keepdims=True)
    i1t = jnp.min(jnp.where(probs == m1, lane, E), axis=-1, keepdims=True)
    pm = jnp.where(lane == i1t, -1.0, probs)
    m2 = jnp.max(pm, axis=-1, keepdims=True)
    i2t = jnp.min(jnp.where(pm == m2, lane, E), axis=-1, keepdims=True)
    ssum = m1 + m2
    colpad = jnp.zeros((TQ - T, 1), jnp.float32)
    pri = jnp.concatenate([m1, colpad - 1.0], axis=0)
    ipad = jnp.zeros((TQ - T, 1), jnp.int32)
    i1 = jnp.concatenate([i1t, ipad], axis=0)
    i2 = jnp.concatenate([i2t, ipad], axis=0)
    w1n = jnp.concatenate([m1 / ssum, colpad], axis=0)
    w2n = jnp.concatenate([m2 / ssum, colpad], axis=0)
    amat = jnp.concatenate(
        [((lane == i1t) | (lane == i2t)).astype(jnp.float32),
         jnp.zeros((TQ - T, E), jnp.float32)], axis=0)
    prow = jnp.transpose(pri, (1, 0))
    cparts = []
    for rb in range(TQ // 128):
        r0 = rb * 128
        pcol = pri[r0:r0 + 128, :]
        tcol = jax.lax.broadcasted_iota(jnp.int32, (128, TQ), 1)
        trow = jax.lax.broadcasted_iota(jnp.int32, (128, TQ), 0) + r0
        gt = prow > pcol
        eq = (prow == pcol) & (tcol < trow)
        mblk = jnp.where(gt | eq, 1.0, 0.0)
        cparts.append(jnp.dot(mblk, amat,
                              preferred_element_type=jnp.float32))
    cnt = jnp.concatenate(cparts, axis=0)
    lan2 = jax.lax.broadcasted_iota(jnp.int32, (TQ, E), 1)
    r1 = jnp.sum(jnp.where(lan2 == i1, cnt, 0.0), axis=-1, keepdims=True)
    r2 = jnp.sum(jnp.where(lan2 == i2, cnt, 0.0), axis=-1, keepdims=True)
    vrow = jax.lax.broadcasted_iota(jnp.int32, (TQ, 1), 0) < T
    k1 = (r1 < CAP) & vrow
    k2 = (r2 < CAP) & vrow
    ones16 = jnp.ones((1, 16), jnp.float32)
    g1b_ref[...] = (w1n * k1.astype(jnp.float32)) * ones16
    g2b_ref[...] = (w2n * k2.astype(jnp.float32)) * ones16
    p1_ref[...] = jnp.where(k1, i1 * NCAP + r1.astype(jnp.int32), NQ - 1)
    p2_ref[...] = jnp.where(k2, i2 * NCAP + r2.astype(jnp.int32), NQ - 1)


_mesh = plsc.VectorSubcoreMesh(core_axis_name="c", subcore_axis_name="s")


@functools.partial(
    pl.kernel, mesh=_mesh,
    out_type=jax.ShapeDtypeStruct((NQ, C), jnp.float32),
    scratch_types=[
        pltpu.VMEM((CHUNK, C), jnp.float32),
        pltpu.VMEM((CHUNK,), jnp.int32),
        pltpu.VMEM((CHUNK,), jnp.int32),
        pltpu.SemaphoreType.DMA,
    ],
)
def _sc_dispatch(x_hbm, p1_hbm, p2_hbm, d_hbm, xbuf, i1b, i2b, sem):
    wid = lax.axis_index("s") * NC + lax.axis_index("c")
    t0 = wid * CHUNK
    pltpu.sync_copy(p1_hbm.at[pl.ds(t0, CHUNK)], i1b)
    pltpu.sync_copy(p2_hbm.at[pl.ds(t0, CHUNK)], i2b)
    pltpu.sync_copy(x_hbm.at[pl.ds(t0, CHUNK)], xbuf)
    pltpu.async_copy(xbuf, d_hbm.at[i1b], sem).wait()
    pltpu.async_copy(xbuf, d_hbm.at[i2b], sem).wait()


@functools.partial(
    pl.kernel, mesh=_mesh,
    out_type=jax.ShapeDtypeStruct((TQ, C), jnp.float32),
    scratch_types=[
        pltpu.VMEM((CHUNK, C), jnp.float32),
        pltpu.VMEM((CHUNK, C), jnp.float32),
        pltpu.VMEM((CHUNK, C), jnp.float32),
        pltpu.VMEM((CHUNK,), jnp.int32),
        pltpu.VMEM((CHUNK,), jnp.int32),
        pltpu.VMEM((CHUNK, 16), jnp.float32),
        pltpu.VMEM((CHUNK, 16), jnp.float32),
        pltpu.SemaphoreType.DMA,
    ],
)
def _sc_combine(y_hbm, p1_hbm, p2_hbm, g1_hbm, g2_hbm, r_hbm, o_hbm,
                b1v, b2v, rbuf, i1b, i2b, g1buf, g2buf, sem):
    wid = lax.axis_index("s") * NC + lax.axis_index("c")
    t0 = wid * CHUNK
    pltpu.sync_copy(p1_hbm.at[pl.ds(t0, CHUNK)], i1b)
    pltpu.sync_copy(p2_hbm.at[pl.ds(t0, CHUNK)], i2b)
    pltpu.async_copy(y_hbm.at[i1b], b1v, sem).wait()
    pltpu.async_copy(y_hbm.at[i2b], b2v, sem).wait()
    pltpu.sync_copy(r_hbm.at[pl.ds(t0, CHUNK)], rbuf)
    pltpu.sync_copy(g1_hbm.at[pl.ds(t0, CHUNK)], g1buf)
    pltpu.sync_copy(g2_hbm.at[pl.ds(t0, CHUNK)], g2buf)

    def body(t, carry):
        gv1 = g1buf[t, :]
        gv2 = g2buf[t, :]
        for j in range(C // 16):
            sl = pl.ds(j * 16, 16)
            rbuf[t, sl] = rbuf[t, sl] + b1v[t, sl] * gv1 + b2v[t, sl] * gv2
        return carry

    lax.fori_loop(0, CHUNK, body, 0)
    pltpu.sync_copy(rbuf, o_hbm.at[pl.ds(t0, CHUNK)])


def _cd_body(d_ref, w1_ref, b1_ref, w2_ref, b2_ref, ls_ref, y_ref):
    d = d_ref[...].astype(jnp.bfloat16)
    h = jnp.dot(d, w1_ref[0].astype(jnp.bfloat16),
                preferred_element_type=jnp.float32) + b1_ref[0]
    g = 0.5 * h * (1.0 + jax.lax.erf(h * 0.7071067811865476))
    y = jnp.dot(g.astype(jnp.bfloat16), w2_ref[0].astype(jnp.bfloat16),
                preferred_element_type=jnp.float32) + b2_ref[0]
    y_ref[...] = y * ls_ref[...]


def kernel(input, dw_w, dw_b, ln_w, ln_b, router_w, w1, b1, w2, b2,
           layer_scale):
    f32 = jnp.float32
    x_t = jnp.transpose(input, (2, 3, 0, 1))
    wconv = jnp.transpose(dw_w[:, 0], (1, 2, 0)).reshape(49, C)

    col_i = jax.ShapeDtypeStruct((TQ, 1), jnp.int32)
    lanes = jax.ShapeDtypeStruct((TQ, 16), f32)
    xpad, resid, pos1, pos2, g1b, g2b = pl.pallas_call(
        _f_body,
        out_shape=[jax.ShapeDtypeStruct((TQ, C), f32),
                   jax.ShapeDtypeStruct((TQ, C), f32),
                   col_i, col_i, lanes, lanes],
        scratch_shapes=[pltpu.VMEM((H + 6, W + 6, B, C), f32)],
    )(x_t, wconv, dw_b, ln_w, ln_b, router_w)

    p1f = pos1.reshape(TQ)
    p2f = pos2.reshape(TQ)
    disp = _sc_dispatch(xpad, p1f, p2f)

    yout = pl.pallas_call(
        _cd_body,
        grid=(E,),
        in_specs=[
            pl.BlockSpec((NCAP, C), lambda e: (e, 0)),
            pl.BlockSpec((1, C, DH), lambda e: (e, 0, 0)),
            pl.BlockSpec((1, 1, DH), lambda e: (e, 0, 0)),
            pl.BlockSpec((1, DH, C), lambda e: (e, 0, 0)),
            pl.BlockSpec((1, 1, C), lambda e: (e, 0, 0)),
            pl.BlockSpec((1, C), lambda e: (0, 0)),
        ],
        out_specs=pl.BlockSpec((NCAP, C), lambda e: (e, 0)),
        out_shape=jax.ShapeDtypeStruct((NQ, C), f32),
    )(disp, w1, b1.reshape(E, 1, DH), w2, b2.reshape(E, 1, C),
      layer_scale.reshape(1, C))

    out_s = _sc_combine(yout, p1f, p2f, g1b, g2b, resid)

    out = out_s[:T].reshape(H, W, B, C)
    return jnp.transpose(out, (2, 3, 0, 1))

# --- scband reference (transcript-rebuilt; emitter-appended) ---
"""Pipeline reference for scband-mo-ecnblock-7868380086756 (READ-ONLY COPY).

The authoritative reference and input builder live on the scoring server;
editing this copy changes nothing except your own understanding.
"""

import jax
import jax.numpy as jnp
import numpy as np

B, C, H, W = 8, 384, 14, 14
E, K, R = 8, 2, 4
CAP_RATIO = 1.25


def setup_inputs(seed: int = 0) -> dict:
    key = jax.random.key(seed)
    ks = jax.random.split(key, 8)
    inp = {}
    inp["input"] = jax.random.normal(ks[0], (B, C, H, W), dtype=jnp.float32)
    inp["dw_w"] = jax.random.normal(ks[1], (C, 1, 7, 7), dtype=jnp.float32) * 0.02
    inp["dw_b"] = jnp.zeros((C,), dtype=jnp.float32)
    inp["ln_w"] = jnp.ones((C,), dtype=jnp.float32)
    inp["ln_b"] = jnp.zeros((C,), dtype=jnp.float32)
    inp["router_w"] = jax.random.normal(ks[2], (C, E), dtype=jnp.float32) * 0.02
    inp["w1"] = jax.random.normal(ks[3], (E, C, R * C), dtype=jnp.float32) * 0.02
    inp["b1"] = jnp.zeros((E, R * C), dtype=jnp.float32)
    inp["w2"] = jax.random.normal(ks[4], (E, R * C, C), dtype=jnp.float32) * 0.02
    inp["b2"] = jnp.zeros((E, C), dtype=jnp.float32)
    inp["layer_scale"] = jnp.full((C, 1, 1), 1e-06, dtype=jnp.float32)
    return inp


def _forward(input, dw_w, dw_b, ln_w, ln_b, router_w, w1, b1, w2, b2, layer_scale):
    # depthwise conv 7x7, pad 3, groups=C
    x = jax.lax.conv_general_dilated(
        input, dw_w, window_strides=(1, 1), padding=((3, 3), (3, 3)),
        dimension_numbers=("NCHW", "OIHW", "NCHW"), feature_group_count=input.shape[1])
    x = x + dw_b[None, :, None, None]
    # Permute([0,2,3,1]) -> NHWC, then LayerNorm(eps=1e-6)
    x = jnp.transpose(x, (0, 2, 3, 1))
    mu = jnp.mean(x, axis=-1, keepdims=True)
    var = jnp.var(x, axis=-1, keepdims=True)
    x = (x - mu) / jnp.sqrt(var + 1e-06) * ln_w + ln_b
    N, Hh, Ww, Cc = x.shape
    x_flat = x.reshape(-1, Cc)
    T = x_flat.shape[0]
    # NoisyTopKRouter in eval mode: no noise, no aux loss
    logits = x_flat @ router_w
    probs = jax.nn.softmax(logits, axis=-1)
    topv, topi = jax.lax.top_k(probs, K)
    weights = topv / jnp.sum(topv, axis=-1, keepdims=True)
    priority = topv[:, 0]
    order = jnp.argsort(-priority)
    capacity = int(CAP_RATIO * T * K / E)
    # capacity-constrained dispatch in priority order
    topi_sorted = topi[order].reshape(-1)
    oh = jax.nn.one_hot(topi_sorted, E, dtype=jnp.float32)
    rank = jnp.sum((jnp.cumsum(oh, axis=0) - 1.0) * oh, axis=1)
    keep_sorted = (rank < capacity).reshape(T, K)
    keep = jnp.zeros((T, K), dtype=bool).at[order].set(keep_sorted)
    gates = jnp.zeros((T, E), dtype=x_flat.dtype).at[
        jnp.arange(T)[:, None], topi].add(weights * keep)
    # experts: Linear -> GELU(exact) -> Linear
    moe_flat = jnp.zeros_like(x_flat)
    for e in range(E):
        h = x_flat @ w1[e] + b1[e]
        h = jax.nn.gelu(h, approximate=False)
        y = h @ w2[e] + b2[e]
        moe_flat = moe_flat + gates[:, e:e + 1] * y
    x_skip = jnp.transpose(x, (0, 3, 1, 2))
    moe_out = moe_flat.reshape(N, Hh, Ww, Cc)
    moe_out = jnp.transpose(moe_out, (0, 3, 1, 2))
    moe_out = layer_scale[None] * moe_out
    return input + x_skip + moe_out


def reference(input, dw_w, dw_b, ln_w, ln_b, router_w, w1, b1, w2, b2, layer_scale):
    return _forward(input, dw_w, dw_b, ln_w, ln_b, router_w, w1, b1, w2, b2, layer_scale)

if __name__ == "__main__":
    import jax
    _d = setup_inputs()
    print(jax.jit(kernel)(*tuple(_d.values())))

</pallas_src>

<mosaic_0001>
#map = affine_map<(d0, d1) -> (0, 0)>
#map1 = affine_map<(d0, d1) -> (0)>
module attributes {stable_mosaic.version = 14 : i64} {
  func.func @_sc_dispatch(%arg0: i32, %arg1: i32, %arg2: memref<2048x384xf32, #tpu.memory_space<hbm>>, %arg3: memref<2048xi32, #tpu.memory_space<hbm>>, %arg4: memref<2048xi32, #tpu.memory_space<hbm>>, %arg5: memref<4096x384xf32, #tpu.memory_space<hbm>>, %arg6: memref<64x384xf32, #tpu.memory_space<vmem>>, %arg7: memref<64xi32, #tpu.memory_space<vmem>>, %arg8: memref<64xi32, #tpu.memory_space<vmem>>, %arg9: memref<!tpu.dma_semaphore, #tpu.memory_space<semaphore_mem>>) attributes {dimension_semantics = [#tpu.dimension_semantics<core_parallel>, #tpu.dimension_semantics<subcore_parallel>], iteration_bounds = array<i64: 2, 16>, scalar_prefetch = 0 : i64, scratch_operands = 4 : i64, tpu.core_type = #tpu.core_type<sc_vector_subcore>, window_params = [{transform_indices = #map}, {transform_indices = #map1}, {transform_indices = #map1}, {transform_indices = #map}]} {
    %mul3A = arith.constant 2 : i32
    %mul3A_0 = arith.muli %arg1, %mul3A : i32
    %add3A = arith.addi %mul3A_0, %arg0 : i32
    %mul3A_1 = arith.constant 64 : i32
    %mul3A_2 = arith.muli %add3A, %mul3A_1 : i32
    "tpu.region"() ({
      %run_scoped3A = tpu.sem_alloc : memref<!tpu.dma_semaphore, #tpu.memory_space<semaphore_mem>>
      %dma_start3A_13 = tpu.memref_slice %arg3[%mul3A_2] : memref<2048xi32, #tpu.memory_space<hbm>> -> memref<64xi32, #tpu.memory_space<hbm>>
      %dma_start3A_14 = tpu.memref_slice %arg3[%mul3A_2] : memref<2048xi32, #tpu.memory_space<hbm>> -> memref<64xi32, #tpu.memory_space<hbm>>
      tpu.enqueue_dma source(%dma_start3A_14 : memref<64xi32, #tpu.memory_space<hbm>>) target(%arg7 : memref<64xi32, #tpu.memory_space<vmem>>) target_semaphore(%run_scoped3A : memref<!tpu.dma_semaphore, #tpu.memory_space<semaphore_mem>>)
      %dma_wait3A_15 = tpu.memref_slice %arg3[%mul3A_2] : memref<2048xi32, #tpu.memory_space<hbm>> -> memref<64xi32, #tpu.memory_space<hbm>>
      %dma_wait3A_16 = tpu.memref_slice %arg3[%mul3A_2] : memref<2048xi32, #tpu.memory_space<hbm>> -> memref<64xi32, #tpu.memory_space<hbm>>
      tpu.wait_dma2 semaphore(%run_scoped3A : memref<!tpu.dma_semaphore, #tpu.memory_space<semaphore_mem>>) src(%dma_wait3A_16 : memref<64xi32, #tpu.memory_space<hbm>>) dst(%arg7 : memref<64xi32, #tpu.memory_space<vmem>>)
      tpu.yield
    }) : () -> ()
    "tpu.region"() ({
      %run_scoped3A = tpu.sem_alloc : memref<!tpu.dma_semaphore, #tpu.memory_space<semaphore_mem>>
      %dma_start3A_13 = tpu.memref_slice %arg4[%mul3A_2] : memref<2048xi32, #tpu.memory_space<hbm>> -> memref<64xi32, #tpu.memory_space<hbm>>
      %dma_start3A_14 = tpu.memref_slice %arg4[%mul3A_2] : memref<2048xi32, #tpu.memory_space<hbm>> -> memref<64xi32, #tpu.memory_space<hbm>>
      tpu.enqueue_dma source(%dma_start3A_14 : memref<64xi32, #tpu.memory_space<hbm>>) target(%arg8 : memref<64xi32, #tpu.memory_space<vmem>>) target_semaphore(%run_scoped3A : memref<!tpu.dma_semaphore, #tpu.memory_space<semaphore_mem>>)
      %dma_wait3A_15 = tpu.memref_slice %arg4[%mul3A_2] : memref<2048xi32, #tpu.memory_space<hbm>> -> memref<64xi32, #tpu.memory_space<hbm>>
      %dma_wait3A_16 = tpu.memref_slice %arg4[%mul3A_2] : memref<2048xi32, #tpu.memory_space<hbm>> -> memref<64xi32, #tpu.memory_space<hbm>>
      tpu.wait_dma2 semaphore(%run_scoped3A : memref<!tpu.dma_semaphore, #tpu.memory_space<semaphore_mem>>) src(%dma_wait3A_16 : memref<64xi32, #tpu.memory_space<hbm>>) dst(%arg8 : memref<64xi32, #tpu.memory_space<vmem>>)
      tpu.yield
    }) : () -> ()
    "tpu.region"() ({
      %run_scoped3A = tpu.sem_alloc : memref<!tpu.dma_semaphore, #tpu.memory_space<semaphore_mem>>
      %dma_start3A_13 = arith.constant 0 : i32
      %dma_start3A_14 = tpu.memref_slice %arg2[%mul3A_2, %dma_start3A_13] : memref<2048x384xf32, #tpu.memory_space<hbm>> -> memref<64x384xf32, #tpu.memory_space<hbm>>
      %dma_start3A_15 = arith.constant 0 : i32
      %dma_start3A_16 = tpu.memref_slice %arg2[%mul3A_2, %dma_start3A_15] : memref<2048x384xf32, #tpu.memory_space<hbm>> -> memref<64x384xf32, #tpu.memory_space<hbm>>
      tpu.enqueue_dma source(%dma_start3A_16 : memref<64x384xf32, #tpu.memory_space<hbm>>) target(%arg6 : memref<64x384xf32, #tpu.memory_space<vmem>>) target_semaphore(%run_scoped3A : memref<!tpu.dma_semaphore, #tpu.memory_space<semaphore_mem>>)
      %dma_wait3A_17 = arith.constant 0 : i32
      %dma_wait3A_18 = tpu.memref_slice %arg2[%mul3A_2, %dma_wait3A_17] : memref<2048x384xf32, #tpu.memory_space<hbm>> -> memref<64x384xf32, #tpu.memory_space<hbm>>
      %dma_wait3A_19 = arith.constant 0 : i32
      %dma_wait3A_20 = tpu.memref_slice %arg2[%mul3A_2, %dma_wait3A_19] : memref<2048x384xf32, #tpu.memory_space<hbm>> -> memref<64x384xf32, #tpu.memory_space<hbm>>
      tpu.wait_dma2 semaphore(%run_scoped3A : memref<!tpu.dma_semaphore, #tpu.memory_space<semaphore_mem>>) src(%dma_wait3A_20 : memref<64x384xf32, #tpu.memory_space<hbm>>) dst(%arg6 : memref<64x384xf32, #tpu.memory_space<vmem>>)
      tpu.yield
    }) : () -> ()
    %dma_start3A = arith.constant 0 : i32
    %dma_start3A_3 = arith.constant 0 : i32
    %dma_start3A_4 = tpu.memref_slice %arg5[%dma_start3A, %dma_start3A_3] : memref<4096x384xf32, #tpu.memory_space<hbm>> -> memref<4096x384xf32, #tpu.memory_space<hbm>>
    tpu.enqueue_indirect_dma source(%arg6 : memref<64x384xf32, #tpu.memory_space<vmem>>) target(%dma_start3A_4 : memref<4096x384xf32, #tpu.memory_space<hbm>>) offsets(%arg7 : memref<64xi32, #tpu.memory_space<vmem>>) semaphore(%arg9 : memref<!tpu.dma_semaphore, #tpu.memory_space<semaphore_mem>>)
    %dma_wait3A = arith.constant 0 : i32
    %dma_wait3A_5 = arith.constant 0 : i32
    %dma_wait3A_6 = tpu.memref_slice %arg5[%dma_wait3A, %dma_wait3A_5] : memref<4096x384xf32, #tpu.memory_space<hbm>> -> memref<4096x384xf32, #tpu.memory_space<hbm>>
    tpu.wait_indirect_dma semaphore(%arg9 : memref<!tpu.dma_semaphore, #tpu.memory_space<semaphore_mem>>) src(%arg6 : memref<64x384xf32, #tpu.memory_space<vmem>>) dst(%dma_wait3A_6 : memref<4096x384xf32, #tpu.memory_space<hbm>>)
    %dma_start3A_7 = arith.constant 0 : i32
    %dma_start3A_8 = arith.constant 0 : i32
    %dma_start3A_9 = tpu.memref_slice %arg5[%dma_start3A_7, %dma_start3A_8] : memref<4096x384xf32, #tpu.memory_space<hbm>> -> memref<4096x384xf32, #tpu.memory_space<hbm>>
    tpu.enqueue_indirect_dma source(%arg6 : memref<64x384xf32, #tpu.memory_space<vmem>>) target(%dma_start3A_9 : memref<4096x384xf32, #tpu.memory_space<hbm>>) offsets(%arg8 : memref<64xi32, #tpu.memory_space<vmem>>) semaphore(%arg9 : memref<!tpu.dma_semaphore, #tpu.memory_space<semaphore_mem>>)
    %dma_wait3A_10 = arith.constant 0 : i32
    %dma_wait3A_11 = arith.constant 0 : i32
    %dma_wait3A_12 = tpu.memref_slice %arg5[%dma_wait3A_10, %dma_wait3A_11] : memref<4096x384xf32, #tpu.memory_space<hbm>> -> memref<4096x384xf32, #tpu.memory_space<hbm>>
    tpu.wait_indirect_dma semaphore(%arg9 : memref<!tpu.dma_semaphore, #tpu.memory_space<semaphore_mem>>) src(%arg6 : memref<64x384xf32, #tpu.memory_space<vmem>>) dst(%dma_wait3A_12 : memref<4096x384xf32, #tpu.memory_space<hbm>>)
    return
  }
}

#map = affine_map<(d0, d1) -> (0, 0)>
#map1 = affine_map<(d0, d1) -> (0)>
module attributes {stable_mosaic.version = 14 : i64} {
  func.func @_sc_combine(%arg0: i32, %arg1: i32, %arg2: memref<4096x384xf32, #tpu.memory_space<hbm>>, %arg3: memref<2048xi32, #tpu.memory_space<hbm>>, %arg4: memref<2048xi32, #tpu.memory_space<hbm>>, %arg5: memref<2048x16xf32, #tpu.memory_space<hbm>>, %arg6: memref<2048x16xf32, #tpu.memory_space<hbm>>, %arg7: memref<2048x384xf32, #tpu.memory_space<hbm>>, %arg8: memref<2048x384xf32, #tpu.memory_space<hbm>>, %arg9: memref<64x384xf32, #tpu.memory_space<vmem>>, %arg10: memref<64x384xf32, #tpu.memory_space<vmem>>, %arg11: memref<64x384xf32, #tpu.memory_space<vmem>>, %arg12: memref<64xi32, #tpu.memory_space<vmem>>, %arg13: memref<64xi32, #tpu.memory_space<vmem>>, %arg14: memref<64x16xf32, #tpu.memory_space<vmem>>, %arg15: memref<64x16xf32, #tpu.memory_space<vmem>>, %arg16: memref<!tpu.dma_semaphore, #tpu.memory_space<semaphore_mem>>) attributes {dimension_semantics = [#tpu.dimension_semantics<core_parallel>, #tpu.dimension_semantics<subcore_parallel>], iteration_bounds = array<i64: 2, 16>, scalar_prefetch = 0 : i64, scratch_operands = 8 : i64, tpu.core_type = #tpu.core_type<sc_vector_subcore>, window_params = [{transform_indices = #map}, {transform_indices = #map1}, {transform_indices = #map1}, {transform_indices = #map}, {transform_indices = #map}, {transform_indices = #map}, {transform_indices = #map}]} {
    %mul3A = arith.constant 2 : i32
    %mul3A_0 = arith.muli %arg1, %mul3A : i32
    %add3A = arith.addi %mul3A_0, %arg0 : i32
    %mul3A_1 = arith.constant 64 : i32
    %mul3A_2 = arith.muli %add3A, %mul3A_1 : i32
    "tpu.region"() ({
      %run_scoped3A = tpu.sem_alloc : memref<!tpu.dma_semaphore, #tpu.memory_space<semaphore_mem>>
      %dma_start3A_18 = tpu.memref_slice %arg3[%mul3A_2] : memref<2048xi32, #tpu.memory_space<hbm>> -> memref<64xi32, #tpu.memory_space<hbm>>
      %dma_start3A_19 = tpu.memref_slice %arg3[%mul3A_2] : memref<2048xi32, #tpu.memory_space<hbm>> -> memref<64xi32, #tpu.memory_space<hbm>>
      tpu.enqueue_dma source(%dma_start3A_19 : memref<64xi32, #tpu.memory_space<hbm>>) target(%arg12 : memref<64xi32, #tpu.memory_space<vmem>>) target_semaphore(%run_scoped3A : memref<!tpu.dma_semaphore, #tpu.memory_space<semaphore_mem>>)
      %dma_wait3A_20 = tpu.memref_slice %arg3[%mul3A_2] : memref<2048xi32, #tpu.memory_space<hbm>> -> memref<64xi32, #tpu.memory_space<hbm>>
      %dma_wait3A_21 = tpu.memref_slice %arg3[%mul3A_2] : memref<2048xi32, #tpu.memory_space<hbm>> -> memref<64xi32, #tpu.memory_space<hbm>>
      tpu.wait_dma2 semaphore(%run_scoped3A : memref<!tpu.dma_semaphore, #tpu.memory_space<semaphore_mem>>) src(%dma_wait3A_21 : memref<64xi32, #tpu.memory_space<hbm>>) dst(%arg12 : memref<64xi32, #tpu.memory_space<vmem>>)
      tpu.yield
    }) : () -> ()
    "tpu.region"() ({
      %run_scoped3A = tpu.sem_alloc : memref<!tpu.dma_semaphore, #tpu.memory_space<semaphore_mem>>
      %dma_start3A_18 = tpu.memref_slice %arg4[%mul3A_2] : memref<2048xi32, #tpu.memory_space<hbm>> -> memref<64xi32, #tpu.memory_space<hbm>>
      %dma_start3A_19 = tpu.memref_slice %arg4[%mul3A_2] : memref<2048xi32, #tpu.memory_space<hbm>> -> memref<64xi32, #tpu.memory_space<hbm>>
      tpu.enqueue_dma source(%dma_start3A_19 : memref<64xi32, #tpu.memory_space<hbm>>) target(%arg13 : memref<64xi32, #tpu.memory_space<vmem>>) target_semaphore(%run_scoped3A : memref<!tpu.dma_semaphore, #tpu.memory_space<semaphore_mem>>)
      %dma_wait3A_20 = tpu.memref_slice %arg4[%mul3A_2] : memref<2048xi32, #tpu.memory_space<hbm>> -> memref<64xi32, #tpu.memory_space<hbm>>
      %dma_wait3A_21 = tpu.memref_slice %arg4[%mul3A_2] : memref<2048xi32, #tpu.memory_space<hbm>> -> memref<64xi32, #tpu.memory_space<hbm>>
      tpu.wait_dma2 semaphore(%run_scoped3A : memref<!tpu.dma_semaphore, #tpu.memory_space<semaphore_mem>>) src(%dma_wait3A_21 : memref<64xi32, #tpu.memory_space<hbm>>) dst(%arg13 : memref<64xi32, #tpu.memory_space<vmem>>)
      tpu.yield
    }) : () -> ()
    %dma_start3A = arith.constant 0 : i32
    %dma_start3A_3 = arith.constant 0 : i32
    %dma_start3A_4 = tpu.memref_slice %arg2[%dma_start3A, %dma_start3A_3] : memref<4096x384xf32, #tpu.memory_space<hbm>> -> memref<4096x384xf32, #tpu.memory_space<hbm>>
    tpu.enqueue_indirect_dma source(%dma_start3A_4 : memref<4096x384xf32, #tpu.memory_space<hbm>>) target(%arg9 : memref<64x384xf32, #tpu.memory_space<vmem>>) offsets(%arg12 : memref<64xi32, #tpu.memory_space<vmem>>) semaphore(%arg16 : memref<!tpu.dma_semaphore, #tpu.memory_space<semaphore_mem>>)
    %dma_wait3A = arith.constant 0 : i32
    %dma_wait3A_5 = arith.constant 0 : i32
    %dma_wait3A_6 = tpu.memref_slice %arg2[%dma_wait3A, %dma_wait3A_5] : memref<4096x384xf32, #tpu.memory_space<hbm>> -> memref<4096x384xf32, #tpu.memory_space<hbm>>
    tpu.wait_indirect_dma semaphore(%arg16 : memref<!tpu.dma_semaphore, #tpu.memory_space<semaphore_mem>>) src(%dma_wait3A_6 : memref<4096x384xf32, #tpu.memory_space<hbm>>) dst(%arg9 : memref<64x384xf32, #tpu.memory_space<vmem>>)
    %dma_start3A_7 = arith.constant 0 : i32
    %dma_start3A_8 = arith.constant 0 : i32
    %dma_start3A_9 = tpu.memref_slice %arg2[%dma_start3A_7, %dma_start3A_8] : memref<4096x384xf32, #tpu.memory_space<hbm>> -> memref<4096x384xf32, #tpu.memory_space<hbm>>
    tpu.enqueue_indirect_dma source(%dma_start3A_9 : memref<4096x384xf32, #tpu.memory_space<hbm>>) target(%arg10 : memref<64x384xf32, #tpu.memory_space<vmem>>) offsets(%arg13 : memref<64xi32, #tpu.memory_space<vmem>>) semaphore(%arg16 : memref<!tpu.dma_semaphore, #tpu.memory_space<semaphore_mem>>)
    %dma_wait3A_10 = arith.constant 0 : i32
    %dma_wait3A_11 = arith.constant 0 : i32
    %dma_wait3A_12 = tpu.memref_slice %arg2[%dma_wait3A_10, %dma_wait3A_11] : memref<4096x384xf32, #tpu.memory_space<hbm>> -> memref<4096x384xf32, #tpu.memory_space<hbm>>
    tpu.wait_indirect_dma semaphore(%arg16 : memref<!tpu.dma_semaphore, #tpu.memory_space<semaphore_mem>>) src(%dma_wait3A_12 : memref<4096x384xf32, #tpu.memory_space<hbm>>) dst(%arg10 : memref<64x384xf32, #tpu.memory_space<vmem>>)
    "tpu.region"() ({
      %run_scoped3A = tpu.sem_alloc : memref<!tpu.dma_semaphore, #tpu.memory_space<semaphore_mem>>
      %dma_start3A_18 = arith.constant 0 : i32
      %dma_start3A_19 = tpu.memref_slice %arg7[%mul3A_2, %dma_start3A_18] : memref<2048x384xf32, #tpu.memory_space<hbm>> -> memref<64x384xf32, #tpu.memory_space<hbm>>
      %dma_start3A_20 = arith.constant 0 : i32
      %dma_start3A_21 = tpu.memref_slice %arg7[%mul3A_2, %dma_start3A_20] : memref<2048x384xf32, #tpu.memory_space<hbm>> -> memref<64x384xf32, #tpu.memory_space<hbm>>
      tpu.enqueue_dma source(%dma_start3A_21 : memref<64x384xf32, #tpu.memory_space<hbm>>) target(%arg11 : memref<64x384xf32, #tpu.memory_space<vmem>>) target_semaphore(%run_scoped3A : memref<!tpu.dma_semaphore, #tpu.memory_space<semaphore_mem>>)
      %dma_wait3A_22 = arith.constant 0 : i32
      %dma_wait3A_23 = tpu.memref_slice %arg7[%mul3A_2, %dma_wait3A_22] : memref<2048x384xf32, #tpu.memory_space<hbm>> -> memref<64x384xf32, #tpu.memory_space<hbm>>
      %dma_wait3A_24 = arith.constant 0 : i32
      %dma_wait3A_25 = tpu.memref_slice %arg7[%mul3A_2, %dma_wait3A_24] : memref<2048x384xf32, #tpu.memory_space<hbm>> -> memref<64x384xf32, #tpu.memory_space<hbm>>
      tpu.wait_dma2 semaphore(%run_scoped3A : memref<!tpu.dma_semaphore, #tpu.memory_space<semaphore_mem>>) src(%dma_wait3A_25 : memref<64x384xf32, #tpu.memory_space<hbm>>) dst(%arg11 : memref<64x384xf32, #tpu.memory_space<vmem>>)
      tpu.yield
    }) : () -> ()
    "tpu.region"() ({
      %run_scoped3A = tpu.sem_alloc : memref<!tpu.dma_semaphore, #tpu.memory_space<semaphore_mem>>
      %dma_start3A_18 = arith.constant 0 : i32
      %dma_start3A_19 = tpu.memref_slice %arg5[%mul3A_2, %dma_start3A_18] : memref<2048x16xf32, #tpu.memory_space<hbm>> -> memref<64x16xf32, #tpu.memory_space<hbm>>
      %dma_start3A_20 = arith.constant 0 : i32
      %dma_start3A_21 = tpu.memref_slice %arg5[%mul3A_2, %dma_start3A_20] : memref<2048x16xf32, #tpu.memory_space<hbm>> -> memref<64x16xf32, #tpu.memory_space<hbm>>
      tpu.enqueue_dma source(%dma_start3A_21 : memref<64x16xf32, #tpu.memory_space<hbm>>) target(%arg14 : memref<64x16xf32, #tpu.memory_space<vmem>>) target_semaphore(%run_scoped3A : memref<!tpu.dma_semaphore, #tpu.memory_space<semaphore_mem>>)
      %dma_wait3A_22 = arith.constant 0 : i32
      %dma_wait3A_23 = tpu.memref_slice %arg5[%mul3A_2, %dma_wait3A_22] : memref<2048x16xf32, #tpu.memory_space<hbm>> -> memref<64x16xf32, #tpu.memory_space<hbm>>
      %dma_wait3A_24 = arith.constant 0 : i32
      %dma_wait3A_25 = tpu.memref_slice %arg5[%mul3A_2, %dma_wait3A_24] : memref<2048x16xf32, #tpu.memory_space<hbm>> -> memref<64x16xf32, #tpu.memory_space<hbm>>
      tpu.wait_dma2 semaphore(%run_scoped3A : memref<!tpu.dma_semaphore, #tpu.memory_space<semaphore_mem>>) src(%dma_wait3A_25 : memref<64x16xf32, #tpu.memory_space<hbm>>) dst(%arg14 : memref<64x16xf32, #tpu.memory_space<vmem>>)
      tpu.yield
    }) : () -> ()
    "tpu.region"() ({
      %run_scoped3A = tpu.sem_alloc : memref<!tpu.dma_semaphore, #tpu.memory_space<semaphore_mem>>
      %dma_start3A_18 = arith.constant 0 : i32
      %dma_start3A_19 = tpu.memref_slice %arg6[%mul3A_2, %dma_start3A_18] : memref<2048x16xf32, #tpu.memory_space<hbm>> -> memref<64x16xf32, #tpu.memory_space<hbm>>
      %dma_start3A_20 = arith.constant 0 : i32
      %dma_start3A_21 = tpu.memref_slice %arg6[%mul3A_2, %dma_start3A_20] : memref<2048x16xf32, #tpu.memory_space<hbm>> -> memref<64x16xf32, #tpu.memory_space<hbm>>
      tpu.enqueue_dma source(%dma_start3A_21 : memref<64x16xf32, #tpu.memory_space<hbm>>) target(%arg15 : memref<64x16xf32, #tpu.memory_space<vmem>>) target_semaphore(%run_scoped3A : memref<!tpu.dma_semaphore, #tpu.memory_space<semaphore_mem>>)
      %dma_wait3A_22 = arith.constant 0 : i32
      %dma_wait3A_23 = tpu.memref_slice %arg6[%mul3A_2, %dma_wait3A_22] : memref<2048x16xf32, #tpu.memory_space<hbm>> -> memref<64x16xf32, #tpu.memory_space<hbm>>
      %dma_wait3A_24 = arith.constant 0 : i32
      %dma_wait3A_25 = tpu.memref_slice %arg6[%mul3A_2, %dma_wait3A_24] : memref<2048x16xf32, #tpu.memory_space<hbm>> -> memref<64x16xf32, #tpu.memory_space<hbm>>
      tpu.wait_dma2 semaphore(%run_scoped3A : memref<!tpu.dma_semaphore, #tpu.memory_space<semaphore_mem>>) src(%dma_wait3A_25 : memref<64x16xf32, #tpu.memory_space<hbm>>) dst(%arg15 : memref<64x16xf32, #tpu.memory_space<vmem>>)
      tpu.yield
    }) : () -> ()
    %scan3A = arith.constant 0 : i32
    %scan3A_13 = arith.constant 0 : i32
    %scan3A_14 = arith.constant 64 : i32
    %scan3A_15 = arith.addi %scan3A_13, %scan3A_14 : i32
    %scan3A_16 = arith.constant 1 : i32
    scf.for %scan3A_18 = %scan3A_13 to %scan3A_15 step %scan3A_16  : i32 {
      %get3A = arith.index_cast %scan3A_18 : i32 to index
      %get3A_19 = arith.constant 0 : index
      %get3A_20 = tpu.vector_load %arg14[%get3A, %get3A_19] {strides = array<i32>} : memref<64x16xf32, #tpu.memory_space<vmem>>, vector<1x16xf32>,
      %get3A_21 = vector.shape_cast %get3A_20 : vector<1x16xf32> to vector<16xf32>
      %get3A_22 = arith.index_cast %scan3A_18 : i32 to index
      %get3A_23 = arith.constant 0 : index
      %get3A_24 = tpu.vector_load %arg15[%get3A_22, %get3A_23] {strides = array<i32>} : memref<64x16xf32, #tpu.memory_space<vmem>>, vector<1x16xf32>,
      %get3A_25 = vector.shape_cast %get3A_24 : vector<1x16xf32> to vector<16xf32>
      %get3A_26 = arith.index_cast %scan3A_18 : i32 to index
      %get3A_27 = arith.constant 0 : index
      %get3A_28 = tpu.vector_load %arg11[%get3A_26, %get3A_27] {strides = array<i32>} : memref<64x384xf32, #tpu.memory_space<vmem>>, vector<1x16xf32>,
      %get3A_29 = vector.shape_cast %get3A_28 : vector<1x16xf32> to vector<16xf32>
      %get3A_30 = arith.index_cast %scan3A_18 : i32 to index
      %get3A_31 = arith.constant 0 : index
      %get3A_32 = tpu.vector_load %arg9[%get3A_30, %get3A_31] {strides = array<i32>} : memref<64x384xf32, #tpu.memory_space<vmem>>, vector<1x16xf32>,
      %get3A_33 = vector.shape_cast %get3A_32 : vector<1x16xf32> to vector<16xf32>
      %mul3A_34 = arith.mulf %get3A_33, %get3A_21 : vector<16xf32>
      %add3A_35 = arith.addf %get3A_29, %mul3A_34 : vector<16xf32>
      %get3A_36 = arith.index_cast %scan3A_18 : i32 to index
      %get3A_37 = arith.constant 0 : index
      %get3A_38 = tpu.vector_load %arg10[%get3A_36, %get3A_37] {strides = array<i32>} : memref<64x384xf32, #tpu.memory_space<vmem>>, vector<1x16xf32>,
      %get3A_39 = vector.shape_cast %get3A_38 : vector<1x16xf32> to vector<16xf32>
      %mul3A_40 = arith.mulf %get3A_39, %get3A_25 : vector<16xf32>
      %add3A_41 = arith.addf %add3A_35, %mul3A_40 : vector<16xf32>
      %swap3A = arith.index_cast %scan3A_18 : i32 to index
      %swap3A_42 = arith.constant 0 : index
      %swap3A_43 = tpu.vector_load %arg11[%swap3A, %swap3A_42] {strides = array<i32>} : memref<64x384xf32, #tpu.memory_space<vmem>>, vector<1x16xf32>,
      %swap3A_44 = vector.shape_cast %swap3A_43 : vector<1x16xf32> to vector<16xf32>
      %swap3A_45 = vector.shape_cast %add3A_41 : vector<16xf32> to vector<1x16xf32>
      tpu.vector_store %arg11[%swap3A, %swap3A_42], %swap3A_45 {strides = array<i32>} : memref<64x384xf32, #tpu.memory_space<vmem>>, vector<1x16xf32>,
      %get3A_46 = arith.index_cast %scan3A_18 : i32 to index
      %get3A_47 = arith.constant 16 : index
      %get3A_48 = tpu.vector_load %arg11[%get3A_46, %get3A_47] {strides = array<i32>} : memref<64x384xf32, #tpu.memory_space<vmem>>, vector<1x16xf32>,
      %get3A_49 = vector.shape_cast %get3A_48 : vector<1x16xf32> to vector<16xf32>
      %get3A_50 = arith.index_cast %scan3A_18 : i32 to index
      %get3A_51 = arith.constant 16 : index
      %get3A_52 = tpu.vector_load %arg9[%get3A_50, %get3A_51] {strides = array<i32>} : memref<64x384xf32, #tpu.memory_space<vmem>>, vector<1x16xf32>,
      %get3A_53 = vector.shape_cast %get3A_52 : vector<1x16xf32> to vector<16xf32>
      %mul3A_54 = arith.mulf %get3A_53, %get3A_21 : vector<16xf32>
      %add3A_55 = arith.addf %get3A_49, %mul3A_54 : vector<16xf32>
      %get3A_56 = arith.index_cast %scan3A_18 : i32 to index
      %get3A_57 = arith.constant 16 : index
      %get3A_58 = tpu.vector_load %arg10[%get3A_56, %get3A_57] {strides = array<i32>} : memref<64x384xf32, #tpu.memory_space<vmem>>, vector<1x16xf32>,
      %get3A_59 = vector.shape_cast %get3A_58 : vector<1x16xf32> to vector<16xf32>
      %mul3A_60 = arith.mulf %get3A_59, %get3A_25 : vector<16xf32>
      %add3A_61 = arith.addf %add3A_55, %mul3A_60 : vector<16xf32>
      %swap3A_62 = arith.index_cast %scan3A_18 : i32 to index
      %swap3A_63 = arith.constant 16 : index
      %swap3A_64 = tpu.vector_load %arg11[%swap3A_62, %swap3A_63] {strides = array<i32>} : memref<64x384xf32, #tpu.memory_space<vmem>>, vector<1x16xf32>,
      %swap3A_65 = vector.shape_cast %swap3A_64 : vector<1x16xf32> to vector<16xf32>
      %swap3A_66 = vector.shape_cast %add3A_61 : vector<16xf32> to vector<1x16xf32>
      tpu.vector_store %arg11[%swap3A_62, %swap3A_63], %swap3A_66 {strides = array<i32>} : memref<64x384xf32, #tpu.memory_space<vmem>>, vector<1x16xf32>,
      %get3A_67 = arith.index_cast %scan3A_18 : i32 to index
      %get3A_68 = arith.constant 32 : index
      %get3A_69 = tpu.vector_load %arg11[%get3A_67, %get3A_68] {strides = array<i32>} : memref<64x384xf32, #tpu.memory_space<vmem>>, vector<1x16xf32>,
      %get3A_70 = vector.shape_cast %get3A_69 : vector<1x16xf32> to vector<16xf32>
      %get3A_71 = arith.index_cast %scan3A_18 : i32 to index
      %get3A_72 = arith.constant 32 : index
      %get3A_73 = tpu.vector_load %arg9[%get3A_71, %get3A_72] {strides = array<i32>} : memref<64x384xf32, #tpu.memory_space<vmem>>, vector<1x16xf32>,
      %get3A_74 = vector.shape_cast %get3A_73 : vector<1x16xf32> to vector<16xf32>
      %mul3A_75 = arith.mulf %get3A_74, %get3A_21 : vector<16xf32>
      %add3A_76 = arith.addf %get3A_70, %mul3A_75 : vector<16xf32>
      %get3A_77 = arith.index_cast %scan3A_18 : i32 to index
      %get3A_78 = arith.constant 32 : index
      %get3A_79 = tpu.vector_load %arg10[%get3A_77, %get3A_78] {strides = array<i32>} : memref<64x384xf32, #tpu.memory_space<vmem>>, vector<1x16xf32>,
      %get3A_80 = vector.shape_cast %get3A_79 : vector<1x16xf32> to vector<16xf32>
      %mul3A_81 = arith.mulf %get3A_80, %get3A_25 : vector<16xf32>
      %add3A_82 = arith.addf %add3A_76, %mul3A_81 : vector<16xf32>
      %swap3A_83 = arith.index_cast %scan3A_18 : i32 to index
      %swap3A_84 = arith.constant 32 : index
      %swap3A_85 = tpu.vector_load %arg11[%swap3A_83, %swap3A_84] {strides = array<i32>} : memref<64x384xf32, #tpu.memory_space<vmem>>, vector<1x16xf32>,
      %swap3A_86 = vector.shape_cast %swap3A_85 : vector<1x16xf32> to vector<16xf32>
      %swap3A_87 = vector.shape_cast %add3A_82 : vector<16xf32> to vector<1x16xf32>
      tpu.vector_store %arg11[%swap3A_83, %swap3A_84], %swap3A_87 {strides = array<i32>} : memref<64x384xf32, #tpu.memory_space<vmem>>, vector<1x16xf32>,
      %get3A_88 = arith.index_cast %scan3A_18 : i32 to index
      %get3A_89 = arith.constant 48 : index
      %get3A_90 = tpu.vector_load %arg11[%get3A_88, %get3A_89] {strides = array<i32>} : memref<64x384xf32, #tpu.memory_space<vmem>>, vector<1x16xf32>,
      %get3A_91 = vector.shape_cast %get3A_90 : vector<1x16xf32> to vector<16xf32>
      %get3A_92 = arith.index_cast %scan3A_18 : i32 to index
      %get3A_93 = arith.constant 48 : index
      %get3A_94 = tpu.vector_load %arg9[%get3A_92, %get3A_93] {strides = array<i32>} : memref<64x384xf32, #tpu.memory_space<vmem>>, vector<1x16xf32>,
      %get3A_95 = vector.shape_cast %get3A_94 : vector<1x16xf32> to vector<16xf32>
      %mul3A_96 = arith.mulf %get3A_95, %get3A_21 : vector<16xf32>
      %add3A_97 = arith.addf %get3A_91, %mul3A_96 : vector<16xf32>
      %get3A_98 = arith.index_cast %scan3A_18 : i32 to index
      %get3A_99 = arith.constant 48 : index
      %get3A_100 = tpu.vector_load %arg10[%get3A_98, %get3A_99] {strides = array<i32>} : memref<64x384xf32, #tpu.memory_space<vmem>>, vector<1x16xf32>,
      %get3A_101 = vector.shape_cast %get3A_100 : vector<1x16xf32> to vector<16xf32>
      %mul3A_102 = arith.mulf %get3A_101, %get3A_25 : vector<16xf32>
      %add3A_103 = arith.addf %add3A_97, %mul3A_102 : vector<16xf32>
      %swap3A_104 = arith.index_cast %scan3A_18 : i32 to index
      %swap3A_105 = arith.constant 48 : index
      %swap3A_106 = tpu.vector_load %arg11[%swap3A_104, %swap3A_105] {strides = array<i32>} : memref<64x384xf32, #tpu.memory_space<vmem>>, vector<1x16xf32>,
      %swap3A_107 = vector.shape_cast %swap3A_106 : vector<1x16xf32> to vector<16xf32>
      %swap3A_108 = vector.shape_cast %add3A_103 : vector<16xf32> to vector<1x16xf32>
      tpu.vector_store %arg11[%swap3A_104, %swap3A_105], %swap3A_108 {strides = array<i32>} : memref<64x384xf32, #tpu.memory_space<vmem>>, vector<1x16xf32>,
      %get3A_109 = arith.index_cast %scan3A_18 : i32 to index
      %get3A_110 = arith.constant 64 : index
      %get3A_111 = tpu.vector_load %arg11[%get3A_109, %get3A_110] {strides = array<i32>} : memref<64x384xf32, #tpu.memory_space<vmem>>, vector<1x16xf32>,
      %get3A_112 = vector.shape_cast %get3A_111 : vector<1x16xf32> to vector<16xf32>
      %get3A_113 = arith.index_cast %scan3A_18 : i32 to index
      %get3A_114 = arith.constant 64 : index
      %get3A_115 = tpu.vector_load %arg9[%get3A_113, %get3A_114] {strides = array<i32>} : memref<64x384xf32, #tpu.memory_space<vmem>>, vector<1x16xf32>,
      %get3A_116 = vector.shape_cast %get3A_115 : vector<1x16xf32> to vector<16xf32>
      %mul3A_117 = arith.mulf %get3A_116, %get3A_21 : vector<16xf32>
      %add3A_118 = arith.addf %get3A_112, %mul3A_117 : vector<16xf32>
      %get3A_119 = arith.index_cast %scan3A_18 : i32 to index
      %get3A_120 = arith.constant 64 : index
      %get3A_121 = tpu.vector_load %arg10[%get3A_119, %get3A_120] {strides = array<i32>} : memref<64x384xf32, #tpu.memory_space<vmem>>, vector<1x16xf32>,
      %get3A_122 = vector.shape_cast %get3A_121 : vector<1x16xf32> to vector<16xf32>
      %mul3A_123 = arith.mulf %get3A_122, %get3A_25 : vector<16xf32>
      %add3A_124 = arith.addf %add3A_118, %mul3A_123 : vector<16xf32>
      %swap3A_125 = arith.index_cast %scan3A_18 : i32 to index
      %swap3A_126 = arith.constant 64 : index
      %swap3A_127 = tpu.vector_load %arg11[%swap3A_125, %swap3A_126] {strides = array<i32>} : memref<64x384xf32, #tpu.memory_space<vmem>>, vector<1x16xf32>,
      %swap3A_128 = vector.shape_cast %swap3A_127 : vector<1x16xf32> to vector<16xf32>
      %swap3A_129 = vector.shape_cast %add3A_124 : vector<16xf32> to vector<1x16xf32>
      tpu.vector_store %arg11[%swap3A_125, %swap3A_126], %swap3A_129 {strides = array<i32>} : memref<64x384xf32, #tpu.memory_space<vmem>>, vector<1x16xf32>,
      %get3A_130 = arith.index_cast %scan3A_18 : i32 to index
      %get3A_131 = arith.constant 80 : index
      %get3A_132 = tpu.vector_load %arg11[%get3A_130, %get3A_131] {strides = array<i32>} : memref<64x384xf32, #tpu.memory_space<vmem>>, vector<1x16xf32>,
      %get3A_133 = vector.shape_cast %get3A_132 : vector<1x16xf32> to vector<16xf32>
      %get3A_134 = arith.index_cast %scan3A_18 : i32 to index
      %get3A_135 = arith.constant 80 : index
      %get3A_136 = tpu.vector_load %arg9[%get3A_134, %get3A_135] {strides = array<i32>} : memref<64x384xf32, #tpu.memory_space<vmem>>, vector<1x16xf32>,
      %get3A_137 = vector.shape_cast %get3A_136 : vector<1x16xf32> to vector<16xf32>
      %mul3A_138 = arith.mulf %get3A_137, %get3A_21 : vector<16xf32>
      %add3A_139 = arith.addf %get3A_133, %mul3A_138 : vector<16xf32>
      %get3A_140 = arith.index_cast %scan3A_18 : i32 to index
      %get3A_141 = arith.constant 80 : index
      %get3A_142 = tpu.vector_load %arg10[%get3A_140, %get3A_141] {strides = array<i32>} : memref<64x384xf32, #tpu.memory_space<vmem>>, vector<1x16xf32>,
      %get3A_143 = vector.shape_cast %get3A_142 : vector<1x16xf32> to vector<16xf32>
      %mul3A_144 = arith.mulf %get3A_143, %get3A_25 : vector<16xf32>
      %add3A_145 = arith.addf %add3A_139, %mul3A_144 : vector<16xf32>
      %swap3A_146 = arith.index_cast %scan3A_18 : i32 to index
      %swap3A_147 = arith.constant 80 : index
      %swap3A_148 = tpu.vector_load %arg11[%swap3A_146, %swap3A_147] {strides = array<i32>} : memref<64x384xf32, #tpu.memory_space<vmem>>, vector<1x16xf32>,
      %swap3A_149 = vector.shape_cast %swap3A_148 : vector<1x16xf32> to vector<16xf32>
      %swap3A_150 = vector.shape_cast %add3A_145 : vector<16xf32> to vector<1x16xf32>
      tpu.vector_store %arg11[%swap3A_146, %swap3A_147], %swap3A_150 {strides = array<i32>} : memref<64x384xf32, #tpu.memory_space<vmem>>, vector<1x16xf32>,
      %get3A_151 = arith.index_cast %scan3A_18 : i32 to index
      %get3A_152 = arith.constant 96 : index
      %get3A_153 = tpu.vector_load %arg11[%get3A_151, %get3A_152] {strides = array<i32>} : memref<64x384xf32, #tpu.memory_space<vmem>>, vector<1x16xf32>,
      %get3A_154 = vector.shape_cast %get3A_153 : vector<1x16xf32> to vector<16xf32>
      %get3A_155 = arith.index_cast %scan3A_18 : i32 to index
      %get3A_156 = arith.constant 96 : index
      %get3A_157 = tpu.vector_load %arg9[%get3A_155, %get3A_156] {strides = array<i32>} : memref<64x384xf32, #tpu.memory_space<vmem>>, vector<1x16xf32>,
      %get3A_158 = vector.shape_cast %get3A_157 : vector<1x16xf32> to vector<16xf32>
      %mul3A_159 = arith.mulf %get3A_158, %get3A_21 : vector<16xf32>
      %add3A_160 = arith.addf %get3A_154, %mul3A_159 : vector<16xf32>
      %get3A_161 = arith.index_cast %scan3A_18 : i32 to index
      %get3A_162 = arith.constant 96 : index
      %get3A_163 = tpu.vector_load %arg10[%get3A_161, %get3A_162] {strides = array<i32>} : memref<64x384xf32, #tpu.memory_space<vmem>>, vector<1x16xf32>,
      %get3A_164 = vector.shape_cast %get3A_163 : vector<1x16xf32> to vector<16xf32>
      %mul3A_165 = arith.mulf %get3A_164, %get3A_25 : vector<16xf32>
      %add3A_166 = arith.addf %add3A_160, %mul3A_165 : vector<16xf32>
      %swap3A_167 = arith.index_cast %scan3A_18 : i32 to index
      %swap3A_168 = arith.constant 96 : index
      %swap3A_169 = tpu.vector_load %arg11[%swap3A_167, %swap3A_168] {strides = array<i32>} : memref<64x384xf32, #tpu.memory_space<vmem>>, vector<1x16xf32>,
      %swap3A_170 = vector.shape_cast %swap3A_169 : vector<1x16xf32> to vector<16xf32>
      %swap3A_171 = vector.shape_cast %add3A_166 : vector<16xf32> to vector<1x16xf32>
      tpu.vector_store %arg11[%swap3A_167, %swap3A_168], %swap3A_171 {strides = array<i32>} : memref<64x384xf32, #tpu.memory_space<vmem>>, vector<1x16xf32>,
      %get3A_172 = arith.index_cast %scan3A_18 : i32 to index
      %get3A_173 = arith.constant 112 : index
      %get3A_174 = tpu.vector_load %arg11[%get3A_172, %get3A_173] {strides = array<i32>} : memref<64x384xf32, #tpu.memory_space<vmem>>, vector<1x16xf32>,
      %get3A_175 = vector.shape_cast %get3A_174 : vector<1x16xf32> to vector<16xf32>
      %get3A_176 = arith.index_cast %scan3A_18 : i32 to index
      %get3A_177 = arith.constant 112 : index
      %get3A_178 = tpu.vector_load %arg9[%get3A_176, %get3A_177] {strides = array<i32>} : memref<64x384xf32, #tpu.memory_space<vmem>>, vector<1x16xf32>,
      %get3A_179 = vector.shape_cast %get3A_178 : vector<1x16xf32> to vector<16xf32>
      %mul3A_180 = arith.mulf %get3A_179, %get3A_21 : vector<16xf32>
      %add3A_181 = arith.addf %get3A_175, %mul3A_180 : vector<16xf32>
      %get3A_182 = arith.index_cast %scan3A_18 : i32 to index
      %get3A_183 = arith.constant 112 : index
      %get3A_184 = tpu.vector_load %arg10[%get3A_182, %get3A_183] {strides = array<i32>} : memref<64x384xf32, #tpu.memory_space<vmem>>, vector<1x16xf32>,
      %get3A_185 = vector.shape_cast %get3A_184 : vector<1x16xf32> to vector<16xf32>
      %mul3A_186 = arith.mulf %get3A_185, %get3A_25 : vector<16xf32>
      %add3A_187 = arith.addf %add3A_181, %mul3A_186 : vector<16xf32>
      %swap3A_188 = arith.index_cast %scan3A_18 : i32 to index
      %swap3A_189 = arith.constant 112 : index
      %swap3A_190 = tpu.vector_load %arg11[%swap3A_188, %swap3A_189] {strides = array<i32>} : memref<64x384xf32, #tpu.memory_space<vmem>>, vector<1x16xf32>,
      %swap3A_191 = vector.shape_cast %swap3A_190 : vector<1x16xf32> to vector<16xf32>
      %swap3A_192 = vector.shape_cast %add3A_187 : vector<16xf32> to vector<1x16xf32>
      tpu.vector_store %arg11[%swap3A_188, %swap3A_189], %swap3A_192 {strides = array<i32>} : memref<64x384xf32, #tpu.memory_space<vmem>>, vector<1x16xf32>,
      %get3A_193 = arith.index_cast %scan3A_18 : i32 to index
      %get3A_194 = arith.constant 128 : index
      %get3A_195 = tpu.vector_load %arg11[%get3A_193, %get3A_194] {strides = array<i32>} : memref<64x384xf32, #tpu.memory_space<vmem>>, vector<1x16xf32>,
      %get3A_196 = vector.shape_cast %get3A_195 : vector<1x16xf32> to vector<16xf32>
      %get3A_197 = arith.index_cast %scan3A_18 : i32 to index
      %get3A_198 = arith.constant 128 : index
      %get3A_199 = tpu.vector_load %arg9[%get3A_197, %get3A_198] {strides = array<i32>} : memref<64x384xf32, #tpu.memory_space<vmem>>, vector<1x16xf32>,
      %get3A_200 = vector.shape_cast %get3A_199 : vector<1x16xf32> to vector<16xf32>
      %mul3A_201 = arith.mulf %get3A_200, %get3A_21 : vector<16xf32>
      %add3A_202 = arith.addf %get3A_196, %mul3A_201 : vector<16xf32>
      %get3A_203 = arith.index_cast %scan3A_18 : i32 to index
      %get3A_204 = arith.constant 128 : index
      %get3A_205 = tpu.vector_load %arg10[%get3A_203, %get3A_204] {strides = array<i32>} : memref<64x384xf32, #tpu.memory_space<vmem>>, vector<1x16xf32>,
      %get3A_206 = vector.shape_cast %get3A_205 : vector<1x16xf32> to vector<16xf32>
      %mul3A_207 = arith.mulf %get3A_206, %get3A_25 : vector<16xf32>
      %add3A_208 = arith.addf %add3A_202, %mul3A_207 : vector<16xf32>
      %swap3A_209 = arith.index_cast %scan3A_18 : i32 to index
      %swap3A_210 = arith.constant 128 : index
      %swap3A_211 = tpu.vector_load %arg11[%swap3A_209, %swap3A_210] {strides = array<i32>} : memref<64x384xf32, #tpu.memory_space<vmem>>, vector<1x16xf32>,
      %swap3A_212 = vector.shape_cast %swap3A_211 : vector<1x16xf32> to vector<16xf32>
      %swap3A_213 = vector.shape_cast %add3A_208 : vector<16xf32> to vector<1x16xf32>
      tpu.vector_store %arg11[%swap3A_209, %swap3A_210], %swap3A_213 {strides = array<i32>} : memref<64x384xf32, #tpu.memory_space<vmem>>, vector<1x16xf32>,
      %get3A_214 = arith.index_cast %scan3A_18 : i32 to index
      %get3A_215 = arith.constant 144 : index
      %get3A_216 = tpu.vector_load %arg11[%get3A_214, %get3A_215] {strides = array<i32>} : memref<64x384xf32, #tpu.memory_space<vmem>>, vector<1x16xf32>,
      %get3A_217 = vector.shape_cast %get3A_216 : vector<1x16xf32> to vector<16xf32>
      %get3A_218 = arith.index_cast %scan3A_18 : i32 to index
      %get3A_219 = arith.constant 144 : index
      %get3A_220 = tpu.vector_load %arg9[%get3A_218, %get3A_219] {strides = array<i32>} : memref<64x384xf32, #tpu.memory_space<vmem>>, vector<1x16xf32>,
      %get3A_221 = vector.shape_cast %get3A_220 : vector<1x16xf32> to vector<16xf32>
      %mul3A_222 = arith.mulf %get3A_221, %get3A_21 : vector<16xf32>
      %add3A_223 = arith.addf %get3A_217, %mul3A_222 : vector<16xf32>
      %get3A_224 = arith.index_cast %scan3A_18 : i32 to index
      %get3A_225 = arith.constant 144 : index
      %get3A_226 = tpu.vector_load %arg10[%get3A_224, %get3A_225] {strides = array<i32>} : memref<64x384xf32, #tpu.memory_space<vmem>>, vector<1x16xf32>,
      %get3A_227 = vector.shape_cast %get3A_226 : vector<1x16xf32> to vector<16xf32>
      %mul3A_228 = arith.mulf %get3A_227, %get3A_25 : vector<16xf32>
      %add3A_229 = arith.addf %add3A_223, %mul3A_228 : vector<16xf32>
      %swap3A_230 = arith.index_cast %scan3A_18 : i32 to index
      %swap3A_231 = arith.constant 144 : index
      %swap3A_232 = tpu.vector_load %arg11[%swap3A_230, %swap3A_231] {strides = array<i32>} : memref<64x384xf32, #tpu.memory_space<vmem>>, vector<1x16xf32>,
      %swap3A_233 = vector.shape_cast %swap3A_232 : vector<1x16xf32> to vector<16xf32>
      %swap3A_234 = vector.shape_cast %add3A_229 : vector<16xf32> to vector<1x16xf32>
      tpu.vector_store %arg11[%swap3A_230, %swap3A_231], %swap3A_234 {strides = array<i32>} : memref<64x384xf32, #tpu.memory_space<vmem>>, vector<1x16xf32>,
      %get3A_235 = arith.index_cast %scan3A_18 : i32 to index
      %get3A_236 = arith.constant 160 : index
      %get3A_237 = tpu.vector_load %arg11[%get3A_235, %get3A_236] {strides = array<i32>} : memref<64x384xf32, #tpu.memory_space<vmem>>, vector<1x16xf32>,
      %get3A_238 = vector.shape_cast %get3A_237 : vector<1x16xf32> to vector<16xf32>
      %get3A_239 = arith.index_cast %scan3A_18 : i32 to index
      %get3A_240 = arith.constant 160 : index
      %get3A_241 = tpu.vector_load %arg9[%get3A_239, %get3A_240] {strides = array<i32>} : memref<64x384xf32, #tpu.memory_space<vmem>>, vector<1x16xf32>,
      %get3A_242 = vector.shape_cast %get3A_241 : vector<1x16xf32> to vector<16xf32>
      %mul3A_243 = arith.mulf %get3A_242, %get3A_21 : vector<16xf32>
      %add3A_244 = arith.addf %get3A_238, %mul3A_243 : vector<16xf32>
      %get3A_245 = arith.index_cast %scan3A_18 : i32 to index
      %get3A_246 = arith.constant 160 : index
      %get3A_247 = tpu.vector_load %arg10[%get3A_245, %get3A_246] {strides = array<i32>} : memref<64x384xf32, #tpu.memory_space<vmem>>, vector<1x16xf32>,
      %get3A_248 = vector.shape_cast %get3A_247 : vector<1x16xf32> to vector<16xf32>
      %mul3A_249 = arith.mulf %get3A_248, %get3A_25 : vector<16xf32>
      %add3A_250 = arith.addf %add3A_244, %mul3A_249 : vector<16xf32>
      %swap3A_251 = arith.index_cast %scan3A_18 : i32 to index
      %swap3A_252 = arith.constant 160 : index
      %swap3A_253 = tpu.vector_load %arg11[%swap3A_251, %swap3A_252] {strides = array<i32>} : memref<64x384xf32, #tpu.memory_space<vmem>>, vector<1x16xf32>,
      %swap3A_254 = vector.shape_cast %swap3A_253 : vector<1x16xf32> to vector<16xf32>
      %swap3A_255 = vector.shape_cast %add3A_250 : vector<16xf32> to vector<1x16xf32>
      tpu.vector_store %arg11[%swap3A_251, %swap3A_252], %swap3A_255 {strides = array<i32>} : memref<64x384xf32, #tpu.memory_space<vmem>>, vector<1x16xf32>,
      %get3A_256 = arith.index_cast %scan3A_18 : i32 to index
      %get3A_257 = arith.constant 176 : index
      %get3A_258 = tpu.vector_load %arg11[%get3A_256, %get3A_257] {strides = array<i32>} : memref<64x384xf32, #tpu.memory_space<vmem>>, vector<1x16xf32>,
      %get3A_259 = vector.shape_cast %get3A_258 : vector<1x16xf32> to vector<16xf32>
      %get3A_260 = arith.index_cast %scan3A_18 : i32 to index
      %get3A_261 = arith.constant 176 : index
      %get3A_262 = tpu.vector_load %arg9[%get3A_260, %get3A_261] {strides = array<i32>} : memref<64x384xf32, #tpu.memory_space<vmem>>, vector<1x16xf32>,
      %get3A_263 = vector.shape_cast %get3A_262 : vector<1x16xf32> to vector<16xf32>
      %mul3A_264 = arith.mulf %get3A_263, %get3A_21 : vector<16xf32>
      %add3A_265 = arith.addf %get3A_259, %mul3A_264 : vector<16xf32>
      %get3A_266 = arith.index_cast %scan3A_18 : i32 to index
      %get3A_267 = arith.constant 176 : index
      %get3A_268 = tpu.vector_load %arg10[%get3A_266, %get3A_267] {strides = array<i32>} : memref<64x384xf32, #tpu.memory_space<vmem>>, vector<1x16xf32>,
      %get3A_269 = vector.shape_cast %get3A_268 : vector<1x16xf32> to vector<16xf32>
      %mul3A_270 = arith.mulf %get3A_269, %get3A_25 : vector<16xf32>
      %add3A_271 = arith.addf %add3A_265, %mul3A_270 : vector<16xf32>
      %swap3A_272 = arith.index_cast %scan3A_18 : i32 to index
      %swap3A_273 = arith.constant 176 : index
      %swap3A_274 = tpu.vector_load %arg11[%swap3A_272, %swap3A_273] {strides = array<i32>} : memref<64x384xf32, #tpu.memory_space<vmem>>, vector<1x16xf32>,
      %swap3A_275 = vector.shape_cast %swap3A_274 : vector<1x16xf32> to vector<16xf32>
      %swap3A_276 = vector.shape_cast %add3A_271 : vector<16xf32> to vector<1x16xf32>
      tpu.vector_store %arg11[%swap3A_272, %swap3A_273], %swap3A_276 {strides = array<i32>} : memref<64x384xf32, #tpu.memory_space<vmem>>, vector<1x16xf32>,
      %get3A_277 = arith.index_cast %scan3A_18 : i32 to index
      %get3A_278 = arith.constant 192 : index
      %get3A_279 = tpu.vector_load %arg11[%get3A_277, %get3A_278] {strides = array<i32>} : memref<64x384xf32, #tpu.memory_space<vmem>>, vector<1x16xf32>,
      %get3A_280 = vector.shape_cast %get3A_279 : vector<1x16xf32> to vector<16xf32>
      %get3A_281 = arith.index_cast %scan3A_18 : i32 to index
      %get3A_282 = arith.constant 192 : index
      %get3A_283 = tpu.vector_load %arg9[%get3A_281, %get3A_282] {strides = array<i32>} : memref<64x384xf32, #tpu.memory_space<vmem>>, vector<1x16xf32>,
      %get3A_284 = vector.shape_cast %get3A_283 : vector<1x16xf32> to vector<16xf32>
      %mul3A_285 = arith.mulf %get3A_284, %get3A_21 : vector<16xf32>
      %add3A_286 = arith.addf %get3A_280, %mul3A_285 : vector<16xf32>
      %get3A_287 = arith.index_cast %scan3A_18 : i32 to index
      %get3A_288 = arith.constant 192 : index
      %get3A_289 = tpu.vector_load %arg10[%get3A_287, %get3A_288] {strides = array<i32>} : memref<64x384xf32, #tpu.memory_space<vmem>>, vector<1x16xf32>,
      %get3A_290 = vector.shape_cast %get3A_289 : vector<1x16xf32> to vector<16xf32>
      %mul3A_291 = arith.mulf %get3A_290, %get3A_25 : vector<16xf32>
      %add3A_292 = arith.addf %add3A_286, %mul3A_291 : vector<16xf32>
      %swap3A_293 = arith.index_cast %scan3A_18 : i32 to index
      %swap3A_294 = arith.constant 192 : index
      %swap3A_295 = tpu.vector_load %arg11[%swap3A_293, %swap3A_294] {strides = array<i32>} : memref<64x384xf32, #tpu.memory_space<vmem>>, vector<1x16xf32>,
      %swap3A_296 = vector.shape_cast %swap3A_295 : vector<1x16xf32> to vector<16xf32>
      %swap3A_297 = vector.shape_cast %add3A_292 : vector<16xf32> to vector<1x16xf32>
      tpu.vector_store %arg11[%swap3A_293, %swap3A_294], %swap3A_297 {strides = array<i32>} : memref<64x384xf32, #tpu.memory_space<vmem>>, vector<1x16xf32>,
      %get3A_298 = arith.index_cast %scan3A_18 : i32 to index
      %get3A_299 = arith.constant 208 : index
      %get3A_300 = tpu.vector_load %arg11[%get3A_298, %get3A_299] {strides = array<i32>} : memref<64x384xf32, #tpu.memory_space<vmem>>, vector<1x16xf32>,
      %get3A_301 = vector.shape_cast %get3A_300 : vector<1x16xf32> to vector<16xf32>
      %get3A_302 = arith.index_cast %scan3A_18 : i32 to index
      %get3A_303 = arith.constant 208 : index
      %get3A_304 = tpu.vector_load %arg9[%get3A_302, %get3A_303] {strides = array<i32>} : memref<64x384xf32, #tpu.memory_space<vmem>>, vector<1x16xf32>,
      %get3A_305 = vector.shape_cast %get3A_304 : vector<1x16xf32> to vector<16xf32>
      %mul3A_306 = arith.mulf %get3A_305, %get3A_21 : vector<16xf32>
      %add3A_307 = arith.addf %get3A_301, %mul3A_306 : vector<16xf32>
      %get3A_308 = arith.index_cast %scan3A_18 : i32 to index
      %get3A_309 = arith.constant 208 : index
      %get3A_310 = tpu.vector_load %arg10[%get3A_308, %get3A_309] {strides = array<i32>} : memref<64x384xf32, #tpu.memory_space<vmem>>, vector<1x16xf32>,
      %get3A_311 = vector.shape_cast %get3A_310 : vector<1x16xf32> to vector<16xf32>
      %mul3A_312 = arith.mulf %get3A_311, %get3A_25 : vector<16xf32>
      %add3A_313 = arith.addf %add3A_307, %mul3A_312 : vector<16xf32>
      %swap3A_314 = arith.index_cast %scan3A_18 : i32 to index
      %swap3A_315 = arith.constant 208 : index
      %swap3A_316 = tpu.vector_load %arg11[%swap3A_314, %swap3A_315] {strides = array<i32>} : memref<64x384xf32, #tpu.memory_space<vmem>>, vector<1x16xf32>,
      %swap3A_317 = vector.shape_cast %swap3A_316 : vector<1x16xf32> to vector<16xf32>
      %swap3A_318 = vector.shape_cast %add3A_313 : vector<16xf32> to vector<1x16xf32>
      tpu.vector_store %arg11[%swap3A_314, %swap3A_315], %swap3A_318 {strides = array<i32>} : memref<64x384xf32, #tpu.memory_space<vmem>>, vector<1x16xf32>,
      %get3A_319 = arith.index_cast %scan3A_18 : i32 to index
      %get3A_320 = arith.constant 224 : index
      %get3A_321 = tpu.vector_load %arg11[%get3A_319, %get3A_320] {strides = array<i32>} : memref<64x384xf32, #tpu.memory_space<vmem>>, vector<1x16xf32>,
      %get3A_322 = vector.shape_cast %get3A_321 : vector<1x16xf32> to vector<16xf32>
      %get3A_323 = arith.index_cast %scan3A_18 : i32 to index
      %get3A_324 = arith.constant 224 : index
      %get3A_325 = tpu.vector_load %arg9[%get3A_323, %get3A_324] {strides = array<i32>} : memref<64x384xf32, #tpu.memory_space<vmem>>, vector<1x16xf32>,
      %get3A_326 = vector.shape_cast %get3A_325 : vector<1x16xf32> to vector<16xf32>
      %mul3A_327 = arith.mulf %get3A_326, %get3A_21 : vector<16xf32>
      %add3A_328 = arith.addf %get3A_322, %mul3A_327 : vector<16xf32>
      %get3A_329 = arith.index_cast %scan3A_18 : i32 to index
      %get3A_330 = arith.constant 224 : index
      %get3A_331 = tpu.vector_load %arg10[%get3A_329, %get3A_330] {strides = array<i32>} : memref<64x384xf32, #tpu.memory_space<vmem>>, vector<1x16xf32>,
      %get3A_332 = vector.shape_cast %get3A_331 : vector<1x16xf32> to vector<16xf32>
      %mul3A_333 = arith.mulf %get3A_332, %get3A_25 : vector<16xf32>
      %add3A_334 = arith.addf %add3A_328, %mul3A_333 : vector<16xf32>
      %swap3A_335 = arith.index_cast %scan3A_18 : i32 to index
      %swap3A_336 = arith.constant 224 : index
      %swap3A_337 = tpu.vector_load %arg11[%swap3A_335, %swap3A_336] {strides = array<i32>} : memref<64x384xf32, #tpu.memory_space<vmem>>, vector<1x16xf32>,
      %swap3A_338 = vector.shape_cast %swap3A_337 : vector<1x16xf32> to vector<16xf32>
      %swap3A_339 = vector.shape_cast %add3A_334 : vector<16xf32> to vector<1x16xf32>
      tpu.vector_store %arg11[%swap3A_335, %swap3A_336], %swap3A_339 {strides = array<i32>} : memref<64x384xf32, #tpu.memory_space<vmem>>, vector<1x16xf32>,
      %get3A_340 = arith.index_cast %scan3A_18 : i32 to index
      %get3A_341 = arith.constant 240 : index
      %get3A_342 = tpu.vector_load %arg11[%get3A_340, %get3A_341] {strides = array<i32>} : memref<64x384xf32, #tpu.memory_space<vmem>>, vector<1x16xf32>,
      %get3A_343 = vector.shape_cast %get3A_342 : vector<1x16xf32> to vector<16xf32>
      %get3A_344 = arith.index_cast %scan3A_18 : i32 to index
      %get3A_345 = arith.constant 240 : index
      %get3A_346 = tpu.vector_load %arg9[%get3A_344, %get3A_345] {strides = array<i32>} : memref<64x384xf32, #tpu.memory_space<vmem>>, vector<1x16xf32>,
      %get3A_347 = vector.shape_cast %get3A_346 : vector<1x16xf32> to vector<16xf32>
      %mul3A_348 = arith.mulf %get3A_347, %get3A_21 : vector<16xf32>
      %add3A_349 = arith.addf %get3A_343, %mul3A_348 : vector<16xf32>
      %get3A_350 = arith.index_cast %scan3A_18 : i32 to index
      %get3A_351 = arith.constant 240 : index
      %get3A_352 = tpu.vector_load %arg10[%get3A_350, %get3A_351] {strides = array<i32>} : memref<64x384xf32, #tpu.memory_space<vmem>>, vector<1x16xf32>,
      %get3A_353 = vector.shape_cast %get3A_352 : vector<1x16xf32> to vector<16xf32>
      %mul3A_354 = arith.mulf %get3A_353, %get3A_25 : vector<16xf32>
      %add3A_355 = arith.addf %add3A_349, %mul3A_354 : vector<16xf32>
      %swap3A_356 = arith.index_cast %scan3A_18 : i32 to index
      %swap3A_357 = arith.constant 240 : index
      %swap3A_358 = tpu.vector_load %arg11[%swap3A_356, %swap3A_357] {strides = array<i32>} : memref<64x384xf32, #tpu.memory_space<vmem>>, vector<1x16xf32>,
      %swap3A_359 = vector.shape_cast %swap3A_358 : vector<1x16xf32> to vector<16xf32>
      %swap3A_360 = vector.shape_cast %add3A_355 : vector<16xf32> to vector<1x16xf32>
      tpu.vector_store %arg11[%swap3A_356, %swap3A_357], %swap3A_360 {strides = array<i32>} : memref<64x384xf32, #tpu.memory_space<vmem>>, vector<1x16xf32>,
      %get3A_361 = arith.index_cast %scan3A_18 : i32 to index
      %get3A_362 = arith.constant 256 : index
      %get3A_363 = tpu.vector_load %arg11[%get3A_361, %get3A_362] {strides = array<i32>} : memref<64x384xf32, #tpu.memory_space<vmem>>, vector<1x16xf32>,
      %get3A_364 = vector.shape_cast %get3A_363 : vector<1x16xf32> to vector<16xf32>
      %get3A_365 = arith.index_cast %scan3A_18 : i32 to index
      %get3A_366 = arith.constant 256 : index
      %get3A_367 = tpu.vector_load %arg9[%get3A_365, %get3A_366] {strides = array<i32>} : memref<64x384xf32, #tpu.memory_space<vmem>>, vector<1x16xf32>,
      %get3A_368 = vector.shape_cast %get3A_367 : vector<1x16xf32> to vector<16xf32>
      %mul3A_369 = arith.mulf %get3A_368, %get3A_21 : vector<16xf32>
      %add3A_370 = arith.addf %get3A_364, %mul3A_369 : vector<16xf32>
      %get3A_371 = arith.index_cast %scan3A_18 : i32 to index
      %get3A_372 = arith.constant 256 : index
      %get3A_373 = tpu.vector_load %arg10[%get3A_371, %get3A_372] {strides = array<i32>} : memref<64x384xf32, #tpu.memory_space<vmem>>, vector<1x16xf32>,
      %get3A_374 = vector.shape_cast %get3A_373 : vector<1x16xf32> to vector<16xf32>
      %mul3A_375 = arith.mulf %get3A_374, %get3A_25 : vector<16xf32>
      %add3A_376 = arith.addf %add3A_370, %mul3A_375 : vector<16xf32>
      %swap3A_377 = arith.index_cast %scan3A_18 : i32 to index
      %swap3A_378 = arith.constant 256 : index
      %swap3A_379 = tpu.vector_load %arg11[%swap3A_377, %swap3A_378] {strides = array<i32>} : memref<64x384xf32, #tpu.memory_space<vmem>>, vector<1x16xf32>,
      %swap3A_380 = vector.shape_cast %swap3A_379 : vector<1x16xf32> to vector<16xf32>
      %swap3A_381 = vector.shape_cast %add3A_376 : vector<16xf32> to vector<1x16xf32>
      tpu.vector_store %arg11[%swap3A_377, %swap3A_378], %swap3A_381 {strides = array<i32>} : memref<64x384xf32, #tpu.memory_space<vmem>>, vector<1x16xf32>,
      %get3A_382 = arith.index_cast %scan3A_18 : i32 to index
      %get3A_383 = arith.constant 272 : index
      %get3A_384 = tpu.vector_load %arg11[%get3A_382, %get3A_383] {strides = array<i32>} : memref<64x384xf32, #tpu.memory_space<vmem>>, vector<1x16xf32>,
      %get3A_385 = vector.shape_cast %get3A_384 : vector<1x16xf32> to vector<16xf32>
      %get3A_386 = arith.index_cast %scan3A_18 : i32 to index
      %get3A_387 = arith.constant 272 : index
      %get3A_388 = tpu.vector_load %arg9[%get3A_386, %get3A_387] {strides = array<i32>} : memref<64x384xf32, #tpu.memory_space<vmem>>, vector<1x16xf32>,
      %get3A_389 = vector.shape_cast %get3A_388 : vector<1x16xf32> to vector<16xf32>
      %mul3A_390 = arith.mulf %get3A_389, %get3A_21 : vector<16xf32>
      %add3A_391 = arith.addf %get3A_385, %mul3A_390 : vector<16xf32>
      %get3A_392 = arith.index_cast %scan3A_18 : i32 to index
      %get3A_393 = arith.constant 272 : index
      %get3A_394 = tpu.vector_load %arg10[%get3A_392, %get3A_393] {strides = array<i32>} : memref<64x384xf32, #tpu.memory_space<vmem>>, vector<1x16xf32>,
      %get3A_395 = vector.shape_cast %get3A_394 : vector<1x16xf32> to vector<16xf32>
      %mul3A_396 = arith.mulf %get3A_395, %get3A_25 : vector<16xf32>
      %add3A_397 = arith.addf %add3A_391, %mul3A_396 : vector<16xf32>
      %swap3A_398 = arith.index_cast %scan3A_18 : i32 to index
      %swap3A_399 = arith.constant 272 : index
      %swap3A_400 = tpu.vector_load %arg11[%swap3A_398, %swap3A_399] {strides = array<i32>} : memref<64x384xf32, #tpu.memory_space<vmem>>, vector<1x16xf32>,
      %swap3A_401 = vector.shape_cast %swap3A_400 : vector<1x16xf32> to vector<16xf32>
      %swap3A_402 = vector.shape_cast %add3A_397 : vector<16xf32> to vector<1x16xf32>
      tpu.vector_store %arg11[%swap3A_398, %swap3A_399], %swap3A_402 {strides = array<i32>} : memref<64x384xf32, #tpu.memory_space<vmem>>, vector<1x16xf32>,
      %get3A_403 = arith.index_cast %scan3A_18 : i32 to index
      %get3A_404 = arith.constant 288 : index
      %get3A_405 = tpu.vector_load %arg11[%get3A_403, %get3A_404] {strides = array<i32>} : memref<64x384xf32, #tpu.memory_space<vmem>>, vector<1x16xf32>,
      %get3A_406 = vector.shape_cast %get3A_405 : vector<1x16xf32> to vector<16xf32>
      %get3A_407 = arith.index_cast %scan3A_18 : i32 to index
      %get3A_408 = arith.constant 288 : index
      %get3A_409 = tpu.vector_load %arg9[%get3A_407, %get3A_408] {strides = array<i32>} : memref<64x384xf32, #tpu.memory_space<vmem>>, vector<1x16xf32>,
      %get3A_410 = vector.shape_cast %get3A_409 : vector<1x16xf32> to vector<16xf32>
      %mul3A_411 = arith.mulf %get3A_410, %get3A_21 : vector<16xf32>
      %add3A_412 = arith.addf %get3A_406, %mul3A_411 : vector<16xf32>
      %get3A_413 = arith.index_cast %scan3A_18 : i32 to index
      %get3A_414 = arith.constant 288 : index
      %get3A_415 = tpu.vector_load %arg10[%get3A_413, %get3A_414] {strides = array<i32>} : memref<64x384xf32, #tpu.memory_space<vmem>>, vector<1x16xf32>,
      %get3A_416 = vector.shape_cast %get3A_415 : vector<1x16xf32> to vector<16xf32>
      %mul3A_417 = arith.mulf %get3A_416, %get3A_25 : vector<16xf32>
      %add3A_418 = arith.addf %add3A_412, %mul3A_417 : vector<16xf32>
      %swap3A_419 = arith.index_cast %scan3A_18 : i32 to index
      %swap3A_420 = arith.constant 288 : index
      %swap3A_421 = tpu.vector_load %arg11[%swap3A_419, %swap3A_420] {strides = array<i32>} : memref<64x384xf32, #tpu.memory_space<vmem>>, vector<1x16xf32>,
      %swap3A_422 = vector.shape_cast %swap3A_421 : vector<1x16xf32> to vector<16xf32>
      %swap3A_423 = vector.shape_cast %add3A_418 : vector<16xf32> to vector<1x16xf32>
      tpu.vector_store %arg11[%swap3A_419, %swap3A_420], %swap3A_423 {strides = array<i32>} : memref<64x384xf32, #tpu.memory_space<vmem>>, vector<1x16xf32>,
      %get3A_424 = arith.index_cast %scan3A_18 : i32 to index
      %get3A_425 = arith.constant 304 : index
      %get3A_426 = tpu.vector_load %arg11[%get3A_424, %get3A_425] {strides = array<i32>} : memref<64x384xf32, #tpu.memory_space<vmem>>, vector<1x16xf32>,
      %get3A_427 = vector.shape_cast %get3A_426 : vector<1x16xf32> to vector<16xf32>
      %get3A_428 = arith.index_cast %scan3A_18 : i32 to index
      %get3A_429 = arith.constant 304 : index
      %get3A_430 = tpu.vector_load %arg9[%get3A_428, %get3A_429] {strides = array<i32>} : memref<64x384xf32, #tpu.memory_space<vmem>>, vector<1x16xf32>,
      %get3A_431 = vector.shape_cast %get3A_430 : vector<1x16xf32> to vector<16xf32>
      %mul3A_432 = arith.mulf %get3A_431, %get3A_21 : vector<16xf32>
      %add3A_433 = arith.addf %get3A_427, %mul3A_432 : vector<16xf32>
      %get3A_434 = arith.index_cast %scan3A_18 : i32 to index
      %get3A_435 = arith.constant 304 : index
      %get3A_436 = tpu.vector_load %arg10[%get3A_434, %get3A_435] {strides = array<i32>} : memref<64x384xf32, #tpu.memory_space<vmem>>, vector<1x16xf32>,
      %get3A_437 = vector.shape_cast %get3A_436 : vector<1x16xf32> to vector<16xf32>
      %mul3A_438 = arith.mulf %get3A_437, %get3A_25 : vector<16xf32>
      %add3A_439 = arith.addf %add3A_433, %mul3A_438 : vector<16xf32>
      %swap3A_440 = arith.index_cast %scan3A_18 : i32 to index
      %swap3A_441 = arith.constant 304 : index
      %swap3A_442 = tpu.vector_load %arg11[%swap3A_440, %swap3A_441] {strides = array<i32>} : memref<64x384xf32, #tpu.memory_space<vmem>>, vector<1x16xf32>,
      %swap3A_443 = vector.shape_cast %swap3A_442 : vector<1x16xf32> to vector<16xf32>
      %swap3A_444 = vector.shape_cast %add3A_439 : vector<16xf32> to vector<1x16xf32>
      tpu.vector_store %arg11[%swap3A_440, %swap3A_441], %swap3A_444 {strides = array<i32>} : memref<64x384xf32, #tpu.memory_space<vmem>>, vector<1x16xf32>,
      %get3A_445 = arith.index_cast %scan3A_18 : i32 to index
      %get3A_446 = arith.constant 320 : index
      %get3A_447 = tpu.vector_load %arg11[%get3A_445, %get3A_446] {strides = array<i32>} : memref<64x384xf32, #tpu.memory_space<vmem>>, vector<1x16xf32>,
      %get3A_448 = vector.shape_cast %get3A_447 : vector<1x16xf32> to vector<16xf32>
      %get3A_449 = arith.index_cast %scan3A_18 : i32 to index
      %get3A_450 = arith.constant 320 : index
      %get3A_451 = tpu.vector_load %arg9[%get3A_449, %get3A_450] {strides = array<i32>} : memref<64x384xf32, #tpu.memory_space<vmem>>, vector<1x16xf32>,
      %get3A_452 = vector.shape_cast %get3A_451 : vector<1x16xf32> to vector<16xf32>
      %mul3A_453 = arith.mulf %get3A_452, %get3A_21 : vector<16xf32>
      %add3A_454 = arith.addf %get3A_448, %mul3A_453 : vector<16xf32>
      %get3A_455 = arith.index_cast %scan3A_18 : i32 to index
      %get3A_456 = arith.constant 320 : index
      %get3A_457 = tpu.vector_load %arg10[%get3A_455, %get3A_456] {strides = array<i32>} : memref<64x384xf32, #tpu.memory_space<vmem>>, vector<1x16xf32>,
      %get3A_458 = vector.shape_cast %get3A_457 : vector<1x16xf32> to vector<16xf32>
      %mul3A_459 = arith.mulf %get3A_458, %get3A_25 : vector<16xf32>
      %add3A_460 = arith.addf %add3A_454, %mul3A_459 : vector<16xf32>
      %swap3A_461 = arith.index_cast %scan3A_18 : i32 to index
      %swap3A_462 = arith.constant 320 : index
      %swap3A_463 = tpu.vector_load %arg11[%swap3A_461, %swap3A_462] {strides = array<i32>} : memref<64x384xf32, #tpu.memory_space<vmem>>, vector<1x16xf32>,
      %swap3A_464 = vector.shape_cast %swap3A_463 : vector<1x16xf32> to vector<16xf32>
      %swap3A_465 = vector.shape_cast %add3A_460 : vector<16xf32> to vector<1x16xf32>
      tpu.vector_store %arg11[%swap3A_461, %swap3A_462], %swap3A_465 {strides = array<i32>} : memref<64x384xf32, #tpu.memory_space<vmem>>, vector<1x16xf32>,
      %get3A_466 = arith.index_cast %scan3A_18 : i32 to index
      %get3A_467 = arith.constant 336 : index
      %get3A_468 = tpu.vector_load %arg11[%get3A_466, %get3A_467] {strides = array<i32>} : memref<64x384xf32, #tpu.memory_space<vmem>>, vector<1x16xf32>,
      %get3A_469 = vector.shape_cast %get3A_468 : vector<1x16xf32> to vector<16xf32>
      %get3A_470 = arith.index_cast %scan3A_18 : i32 to index
      %get3A_471 = arith.constant 336 : index
      %get3A_472 = tpu.vector_load %arg9[%get3A_470, %get3A_471] {strides = array<i32>} : memref<64x384xf32, #tpu.memory_space<vmem>>, vector<1x16xf32>,
      %get3A_473 = vector.shape_cast %get3A_472 : vector<1x16xf32> to vector<16xf32>
      %mul3A_474 = arith.mulf %get3A_473, %get3A_21 : vector<16xf32>
      %add3A_475 = arith.addf %get3A_469, %mul3A_474 : vector<16xf32>
      %get3A_476 = arith.index_cast %scan3A_18 : i32 to index
      %get3A_477 = arith.constant 336 : index
      %get3A_478 = tpu.vector_load %arg10[%get3A_476, %get3A_477] {strides = array<i32>} : memref<64x384xf32, #tpu.memory_space<vmem>>, vector<1x16xf32>,
      %get3A_479 = vector.shape_cast %get3A_478 : vector<1x16xf32> to vector<16xf32>
      %mul3A_480 = arith.mulf %get3A_479, %get3A_25 : vector<16xf32>
      %add3A_481 = arith.addf %add3A_475, %mul3A_480 : vector<16xf32>
      %swap3A_482 = arith.index_cast %scan3A_18 : i32 to index
      %swap3A_483 = arith.constant 336 : index
      %swap3A_484 = tpu.vector_load %arg11[%swap3A_482, %swap3A_483] {strides = array<i32>} : memref<64x384xf32, #tpu.memory_space<vmem>>, vector<1x16xf32>,
      %swap3A_485 = vector.shape_cast %swap3A_484 : vector<1x16xf32> to vector<16xf32>
      %swap3A_486 = vector.shape_cast %add3A_481 : vector<16xf32> to vector<1x16xf32>
      tpu.vector_store %arg11[%swap3A_482, %swap3A_483], %swap3A_486 {strides = array<i32>} : memref<64x384xf32, #tpu.memory_space<vmem>>, vector<1x16xf32>,
      %get3A_487 = arith.index_cast %scan3A_18 : i32 to index
      %get3A_488 = arith.constant 352 : index
      %get3A_489 = tpu.vector_load %arg11[%get3A_487, %get3A_488] {strides = array<i32>} : memref<64x384xf32, #tpu.memory_space<vmem>>, vector<1x16xf32>,
      %get3A_490 = vector.shape_cast %get3A_489 : vector<1x16xf32> to vector<16xf32>
      %get3A_491 = arith.index_cast %scan3A_18 : i32 to index
      %get3A_492 = arith.constant 352 : index
      %get3A_493 = tpu.vector_load %arg9[%get3A_491, %get3A_492] {strides = array<i32>} : memref<64x384xf32, #tpu.memory_space<vmem>>, vector<1x16xf32>,
      %get3A_494 = vector.shape_cast %get3A_493 : vector<1x16xf32> to vector<16xf32>
      %mul3A_495 = arith.mulf %get3A_494, %get3A_21 : vector<16xf32>
      %add3A_496 = arith.addf %get3A_490, %mul3A_495 : vector<16xf32>
      %get3A_497 = arith.index_cast %scan3A_18 : i32 to index
      %get3A_498 = arith.constant 352 : index
      %get3A_499 = tpu.vector_load %arg10[%get3A_497, %get3A_498] {strides = array<i32>} : memref<64x384xf32, #tpu.memory_space<vmem>>, vector<1x16xf32>,
      %get3A_500 = vector.shape_cast %get3A_499 : vector<1x16xf32> to vector<16xf32>
      %mul3A_501 = arith.mulf %get3A_500, %get3A_25 : vector<16xf32>
      %add3A_502 = arith.addf %add3A_496, %mul3A_501 : vector<16xf32>
      %swap3A_503 = arith.index_cast %scan3A_18 : i32 to index
      %swap3A_504 = arith.constant 352 : index
      %swap3A_505 = tpu.vector_load %arg11[%swap3A_503, %swap3A_504] {strides = array<i32>} : memref<64x384xf32, #tpu.memory_space<vmem>>, vector<1x16xf32>,
      %swap3A_506 = vector.shape_cast %swap3A_505 : vector<1x16xf32> to vector<16xf32>
      %swap3A_507 = vector.shape_cast %add3A_502 : vector<16xf32> to vector<1x16xf32>
      tpu.vector_store %arg11[%swap3A_503, %swap3A_504], %swap3A_507 {strides = array<i32>} : memref<64x384xf32, #tpu.memory_space<vmem>>, vector<1x16xf32>,
      %get3A_508 = arith.index_cast %scan3A_18 : i32 to index
      %get3A_509 = arith.constant 368 : index
      %get3A_510 = tpu.vector_load %arg11[%get3A_508, %get3A_509] {strides = array<i32>} : memref<64x384xf32, #tpu.memory_space<vmem>>, vector<1x16xf32>,
      %get3A_511 = vector.shape_cast %get3A_510 : vector<1x16xf32> to vector<16xf32>
      %get3A_512 = arith.index_cast %scan3A_18 : i32 to index
      %get3A_513 = arith.constant 368 : index
      %get3A_514 = tpu.vector_load %arg9[%get3A_512, %get3A_513] {strides = array<i32>} : memref<64x384xf32, #tpu.memory_space<vmem>>, vector<1x16xf32>,
      %get3A_515 = vector.shape_cast %get3A_514 : vector<1x16xf32> to vector<16xf32>
      %mul3A_516 = arith.mulf %get3A_515, %get3A_21 : vector<16xf32>
      %add3A_517 = arith.addf %get3A_511, %mul3A_516 : vector<16xf32>
      %get3A_518 = arith.index_cast %scan3A_18 : i32 to index
      %get3A_519 = arith.constant 368 : index
      %get3A_520 = tpu.vector_load %arg10[%get3A_518, %get3A_519] {strides = array<i32>} : memref<64x384xf32, #tpu.memory_space<vmem>>, vector<1x16xf32>,
      %get3A_521 = vector.shape_cast %get3A_520 : vector<1x16xf32> to vector<16xf32>
      %mul3A_522 = arith.mulf %get3A_521, %get3A_25 : vector<16xf32>
      %add3A_523 = arith.addf %add3A_517, %mul3A_522 : vector<16xf32>
      %swap3A_524 = arith.index_cast %scan3A_18 : i32 to index
      %swap3A_525 = arith.constant 368 : index
      %swap3A_526 = tpu.vector_load %arg11[%swap3A_524, %swap3A_525] {strides = array<i32>} : memref<64x384xf32, #tpu.memory_space<vmem>>, vector<1x16xf32>,
      %swap3A_527 = vector.shape_cast %swap3A_526 : vector<1x16xf32> to vector<16xf32>
      %swap3A_528 = vector.shape_cast %add3A_523 : vector<16xf32> to vector<1x16xf32>
      tpu.vector_store %arg11[%swap3A_524, %swap3A_525], %swap3A_528 {strides = array<i32>} : memref<64x384xf32, #tpu.memory_space<vmem>>, vector<1x16xf32>,
    }
    %scan3A_17 = arith.constant 64 : i32
    "tpu.region"() ({
      %run_scoped3A = tpu.sem_alloc : memref<!tpu.dma_semaphore, #tpu.memory_space<semaphore_mem>>
      %dma_start3A_18 = arith.constant 0 : i32
      %dma_start3A_19 = tpu.memref_slice %arg8[%mul3A_2, %dma_start3A_18] : memref<2048x384xf32, #tpu.memory_space<hbm>> -> memref<64x384xf32, #tpu.memory_space<hbm>>
      %dma_start3A_20 = arith.constant 0 : i32
      %dma_start3A_21 = tpu.memref_slice %arg8[%mul3A_2, %dma_start3A_20] : memref<2048x384xf32, #tpu.memory_space<hbm>> -> memref<64x384xf32, #tpu.memory_space<hbm>>
      tpu.enqueue_dma source(%arg11 : memref<64x384xf32, #tpu.memory_space<vmem>>) target(%dma_start3A_21 : memref<64x384xf32, #tpu.memory_space<hbm>>) target_semaphore(%run_scoped3A : memref<!tpu.dma_semaphore, #tpu.memory_space<semaphore_mem>>)
      %dma_wait3A_22 = arith.constant 0 : i32
      %dma_wait3A_23 = tpu.memref_slice %arg8[%mul3A_2, %dma_wait3A_22] : memref<2048x384xf32, #tpu.memory_space<hbm>> -> memref<64x384xf32, #tpu.memory_space<hbm>>
      %dma_wait3A_24 = arith.constant 0 : i32
      %dma_wait3A_25 = tpu.memref_slice %arg8[%mul3A_2, %dma_wait3A_24] : memref<2048x384xf32, #tpu.memory_space<hbm>> -> memref<64x384xf32, #tpu.memory_space<hbm>>
      tpu.wait_dma2 semaphore(%run_scoped3A : memref<!tpu.dma_semaphore, #tpu.memory_space<semaphore_mem>>) src(%arg11 : memref<64x384xf32, #tpu.memory_space<vmem>>) dst(%dma_wait3A_25 : memref<64x384xf32, #tpu.memory_space<hbm>>)
      tpu.yield
    }) : () -> ()
    return
  }
}

module attributes {stable_mosaic.version = 14 : i64} {
  func.func @_f_body(%arg0: memref<14x14x8x384xf32, #tpu.memory_space<vmem>>, %arg1: memref<49x384xf32, #tpu.memory_space<vmem>>, %arg2: memref<384xf32, #tpu.memory_space<vmem>>, %arg3: memref<384xf32, #tpu.memory_space<vmem>>, %arg4: memref<384xf32, #tpu.memory_space<vmem>>, %arg5: memref<384x8xf32, #tpu.memory_space<vmem>>, %arg6: memref<2048x384xf32, #tpu.memory_space<vmem>>, %arg7: memref<2048x384xf32, #tpu.memory_space<vmem>>, %arg8: memref<2048x1xi32, #tpu.memory_space<vmem>>, %arg9: memref<2048x1xi32, #tpu.memory_space<vmem>>, %arg10: memref<2048x16xf32, #tpu.memory_space<vmem>>, %arg11: memref<2048x16xf32, #tpu.memory_space<vmem>>, %arg12: memref<20x20x8x384xf32, #tpu.memory_space<vmem>>) attributes {dimension_semantics = [], scalar_prefetch = 0 : i64, scratch_operands = 1 : i64, tpu.core_type = #tpu.core_type<tc>} {
    %broadcast_in_dim3A = arith.constant 0.000000e+00 : f32
    %broadcast_in_dim3A_0 = vector.broadcast %broadcast_in_dim3A : f32 to vector<20x20x8x384xf32>
    %swap3A = arith.constant 0 : index
    %swap3A_1 = arith.constant 0 : index
    %swap3A_2 = arith.constant 0 : index
    %swap3A_3 = arith.constant 0 : index
    %swap3A_4 = vector.load %arg12[%swap3A, %swap3A_1, %swap3A_2, %swap3A_3] : memref<20x20x8x384xf32, #tpu.memory_space<vmem>>, vector<20x20x8x384xf32>
    tpu.vector_store %arg12[%swap3A, %swap3A_1, %swap3A_2, %swap3A_3], %broadcast_in_dim3A_0 {strides = array<i32>} : memref<20x20x8x384xf32, #tpu.memory_space<vmem>>, vector<20x20x8x384xf32>,
    %get3A = arith.constant 0 : index
    %get3A_5 = arith.constant 0 : index
    %get3A_6 = arith.constant 0 : index
    %get3A_7 = arith.constant 0 : index
    %get3A_8 = vector.load %arg0[%get3A, %get3A_5, %get3A_6, %get3A_7] : memref<14x14x8x384xf32, #tpu.memory_space<vmem>>, vector<14x14x8x384xf32>
    %swap3A_9 = arith.constant 3 : index
    %swap3A_10 = arith.constant 3 : index
    %swap3A_11 = arith.constant 0 : index
    %swap3A_12 = arith.constant 0 : index
    %swap3A_13 = vector.load %arg12[%swap3A_9, %swap3A_10, %swap3A_11, %swap3A_12] : memref<20x20x8x384xf32, #tpu.memory_space<vmem>>, vector<14x14x8x384xf32>
    tpu.vector_store %arg12[%swap3A_9, %swap3A_10, %swap3A_11, %swap3A_12], %get3A_8 {strides = array<i32>} : memref<20x20x8x384xf32, #tpu.memory_space<vmem>>, vector<14x14x8x384xf32>,
    %broadcast_in_dim3A_14 = arith.constant 0.000000e+00 : f32
    %broadcast_in_dim3A_15 = vector.broadcast %broadcast_in_dim3A_14 : f32 to vector<14x14x8x384xf32>
    %get3A_16 = arith.constant 0 : index
    %get3A_17 = arith.constant 0 : index
    %get3A_18 = vector.load %arg1[%get3A_16, %get3A_17] : memref<49x384xf32, #tpu.memory_space<vmem>>, vector<1x384xf32>
    %get3A_19 = vector.shape_cast %get3A_18 : vector<1x384xf32> to vector<384xf32>
    %get3A_20 = arith.constant 0 : index
    %get3A_21 = arith.constant 0 : index
    %get3A_22 = arith.constant 0 : index
    %get3A_23 = arith.constant 0 : index
    %get3A_24 = vector.load %arg12[%get3A_20, %get3A_21, %get3A_22, %get3A_23] : memref<20x20x8x384xf32, #tpu.memory_space<vmem>>, vector<14x14x8x384xf32>
    %broadcast_in_dim3A_25 = vector.shape_cast %get3A_19 : vector<384xf32> to vector<1x1x1x384xf32>
    %mul3A = vector.broadcast %broadcast_in_dim3A_25 : vector<1x1x1x384xf32> to vector<14x14x8x384xf32>
    %mul3A_26 = arith.mulf %get3A_24, %mul3A : vector<14x14x8x384xf32>
    %add3A = arith.addf %broadcast_in_dim3A_15, %mul3A_26 : vector<14x14x8x384xf32>
    %get3A_27 = arith.constant 1 : index
    %get3A_28 = arith.constant 0 : index
    %get3A_29 = vector.load %arg1[%get3A_27, %get3A_28] : memref<49x384xf32, #tpu.memory_space<vmem>>, vector<1x384xf32>
    %get3A_30 = vector.shape_cast %get3A_29 : vector<1x384xf32> to vector<384xf32>
    %get3A_31 = arith.constant 0 : index
    %get3A_32 = arith.constant 1 : index
    %get3A_33 = arith.constant 0 : index
    %get3A_34 = arith.constant 0 : index
    %get3A_35 = vector.load %arg12[%get3A_31, %get3A_32, %get3A_33, %get3A_34] : memref<20x20x8x384xf32, #tpu.memory_space<vmem>>, vector<14x14x8x384xf32>
    %broadcast_in_dim3A_36 = vector.shape_cast %get3A_30 : vector<384xf32> to vector<1x1x1x384xf32>
    %mul3A_37 = vector.broadcast %broadcast_in_dim3A_36 : vector<1x1x1x384xf32> to vector<14x14x8x384xf32>
    %mul3A_38 = arith.mulf %get3A_35, %mul3A_37 : vector<14x14x8x384xf32>
    %add3A_39 = arith.addf %add3A, %mul3A_38 : vector<14x14x8x384xf32>
    %get3A_40 = arith.constant 2 : index
    %get3A_41 = arith.constant 0 : index
    %get3A_42 = vector.load %arg1[%get3A_40, %get3A_41] : memref<49x384xf32, #tpu.memory_space<vmem>>, vector<1x384xf32>
    %get3A_43 = vector.shape_cast %get3A_42 : vector<1x384xf32> to vector<384xf32>
    %get3A_44 = arith.constant 0 : index
    %get3A_45 = arith.constant 2 : index
    %get3A_46 = arith.constant 0 : index
    %get3A_47 = arith.constant 0 : index
    %get3A_48 = vector.load %arg12[%get3A_44, %get3A_45, %get3A_46, %get3A_47] : memref<20x20x8x384xf32, #tpu.memory_space<vmem>>, vector<14x14x8x384xf32>
    %broadcast_in_dim3A_49 = vector.shape_cast %get3A_43 : vector<384xf32> to vector<1x1x1x384xf32>
    %mul3A_50 = vector.broadcast %broadcast_in_dim3A_49 : vector<1x1x1x384xf32> to vector<14x14x8x384xf32>
    %mul3A_51 = arith.mulf %get3A_48, %mul3A_50 : vector<14x14x8x384xf32>
    %add3A_52 = arith.addf %add3A_39, %mul3A_51 : vector<14x14x8x384xf32>
    %get3A_53 = arith.constant 3 : index
    %get3A_54 = arith.constant 0 : index
    %get3A_55 = vector.load %arg1[%get3A_53, %get3A_54] : memref<49x384xf32, #tpu.memory_space<vmem>>, vector<1x384xf32>
    %get3A_56 = vector.shape_cast %get3A_55 : vector<1x384xf32> to vector<384xf32>
    %get3A_57 = arith.constant 0 : index
    %get3A_58 = arith.constant 3 : index
    %get3A_59 = arith.constant 0 : index
    %get3A_60 = arith.constant 0 : index
    %get3A_61 = vector.load %arg12[%get3A_57, %get3A_58, %get3A_59, %get3A_60] : memref<20x20x8x384xf32, #tpu.memory_space<vmem>>, vector<14x14x8x384xf32>
    %broadcast_in_dim3A_62 = vector.shape_cast %get3A_56 : vector<384xf32> to vector<1x1x1x384xf32>
    %mul3A_63 = vector.broadcast %broadcast_in_dim3A_62 : vector<1x1x1x384xf32> to vector<14x14x8x384xf32>
    %mul3A_64 = arith.mulf %get3A_61, %mul3A_63 : vector<14x14x8x384xf32>
    %add3A_65 = arith.addf %add3A_52, %mul3A_64 : vector<14x14x8x384xf32>
    %get3A_66 = arith.constant 4 : index
    %get3A_67 = arith.constant 0 : index
    %get3A_68 = vector.load %arg1[%get3A_66, %get3A_67] : memref<49x384xf32, #tpu.memory_space<vmem>>, vector<1x384xf32>
    %get3A_69 = vector.shape_cast %get3A_68 : vector<1x384xf32> to vector<384xf32>
    %get3A_70 = arith.constant 0 : index
    %get3A_71 = arith.constant 4 : index
    %get3A_72 = arith.constant 0 : index
    %get3A_73 = arith.constant 0 : index
    %get3A_74 = vector.load %arg12[%get3A_70, %get3A_71, %get3A_72, %get3A_73] : memref<20x20x8x384xf32, #tpu.memory_space<vmem>>, vector<14x14x8x384xf32>
    %broadcast_in_dim3A_75 = vector.shape_cast %get3A_69 : vector<384xf32> to vector<1x1x1x384xf32>
    %mul3A_76 = vector.broadcast %broadcast_in_dim3A_75 : vector<1x1x1x384xf32> to vector<14x14x8x384xf32>
    %mul3A_77 = arith.mulf %get3A_74, %mul3A_76 : vector<14x14x8x384xf32>
    %add3A_78 = arith.addf %add3A_65, %mul3A_77 : vector<14x14x8x384xf32>
    %get3A_79 = arith.constant 5 : index
    %get3A_80 = arith.constant 0 : index
    %get3A_81 = vector.load %arg1[%get3A_79, %get3A_80] : memref<49x384xf32, #tpu.memory_space<vmem>>, vector<1x384xf32>
    %get3A_82 = vector.shape_cast %get3A_81 : vector<1x384xf32> to vector<384xf32>
    %get3A_83 = arith.constant 0 : index
    %get3A_84 = arith.constant 5 : index
    %get3A_85 = arith.constant 0 : index
    %get3A_86 = arith.constant 0 : index
    %get3A_87 = vector.load %arg12[%get3A_83, %get3A_84, %get3A_85, %get3A_86] : memref<20x20x8x384xf32, #tpu.memory_space<vmem>>, vector<14x14x8x384xf32>
    %broadcast_in_dim3A_88 = vector.shape_cast %get3A_82 : vector<384xf32> to vector<1x1x1x384xf32>
    %mul3A_89 = vector.broadcast %broadcast_in_dim3A_88 : vector<1x1x1x384xf32> to vector<14x14x8x384xf32>
    %mul3A_90 = arith.mulf %get3A_87, %mul3A_89 : vector<14x14x8x384xf32>
    %add3A_91 = arith.addf %add3A_78, %mul3A_90 : vector<14x14x8x384xf32>
    %get3A_92 = arith.constant 6 : index
    %get3A_93 = arith.constant 0 : index
    %get3A_94 = vector.load %arg1[%get3A_92, %get3A_93] : memref<49x384xf32, #tpu.memory_space<vmem>>, vector<1x384xf32>
    %get3A_95 = vector.shape_cast %get3A_94 : vector<1x384xf32> to vector<384xf32>
    %get3A_96 = arith.constant 0 : index
    %get3A_97 = arith.constant 6 : index
    %get3A_98 = arith.constant 0 : index
    %get3A_99 = arith.constant 0 : index
    %get3A_100 = vector.load %arg12[%get3A_96, %get3A_97, %get3A_98, %get3A_99] : memref<20x20x8x384xf32, #tpu.memory_space<vmem>>, vector<14x14x8x384xf32>
    %broadcast_in_dim3A_101 = vector.shape_cast %get3A_95 : vector<384xf32> to vector<1x1x1x384xf32>
    %mul3A_102 = vector.broadcast %broadcast_in_dim3A_101 : vector<1x1x1x384xf32> to vector<14x14x8x384xf32>
    %mul3A_103 = arith.mulf %get3A_100, %mul3A_102 : vector<14x14x8x384xf32>
    %add3A_104 = arith.addf %add3A_91, %mul3A_103 : vector<14x14x8x384xf32>
    %get3A_105 = arith.constant 7 : index
    %get3A_106 = arith.constant 0 : index
    %get3A_107 = vector.load %arg1[%get3A_105, %get3A_106] : memref<49x384xf32, #tpu.memory_space<vmem>>, vector<1x384xf32>
    %get3A_108 = vector.shape_cast %get3A_107 : vector<1x384xf32> to vector<384xf32>
    %get3A_109 = arith.constant 1 : index
    %get3A_110 = arith.constant 0 : index
    %get3A_111 = arith.constant 0 : index
    %get3A_112 = arith.constant 0 : index
    %get3A_113 = vector.load %arg12[%get3A_109, %get3A_110, %get3A_111, %get3A_112] : memref<20x20x8x384xf32, #tpu.memory_space<vmem>>, vector<14x14x8x384xf32>
    %broadcast_in_dim3A_114 = vector.shape_cast %get3A_108 : vector<384xf32> to vector<1x1x1x384xf32>
    %mul3A_115 = vector.broadcast %broadcast_in_dim3A_114 : vector<1x1x1x384xf32> to vector<14x14x8x384xf32>
    %mul3A_116 = arith.mulf %get3A_113, %mul3A_115 : vector<14x14x8x384xf32>
    %add3A_117 = arith.addf %add3A_104, %mul3A_116 : vector<14x14x8x384xf32>
    %get3A_118 = arith.constant 8 : index
    %get3A_119 = arith.constant 0 : index
    %get3A_120 = vector.load %arg1[%get3A_118, %get3A_119] : memref<49x384xf32, #tpu.memory_space<vmem>>, vector<1x384xf32>
    %get3A_121 = vector.shape_cast %get3A_120 : vector<1x384xf32> to vector<384xf32>
    %get3A_122 = arith.constant 1 : index
    %get3A_123 = arith.constant 1 : index
    %get3A_124 = arith.constant 0 : index
    %get3A_125 = arith.constant 0 : index
    %get3A_126 = vector.load %arg12[%get3A_122, %get3A_123, %get3A_124, %get3A_125] : memref<20x20x8x384xf32, #tpu.memory_space<vmem>>, vector<14x14x8x384xf32>
    %broadcast_in_dim3A_127 = vector.shape_cast %get3A_121 : vector<384xf32> to vector<1x1x1x384xf32>
    %mul3A_128 = vector.broadcast %broadcast_in_dim3A_127 : vector<1x1x1x384xf32> to vector<14x14x8x384xf32>
    %mul3A_129 = arith.mulf %get3A_126, %mul3A_128 : vector<14x14x8x384xf32>
    %add3A_130 = arith.addf %add3A_117, %mul3A_129 : vector<14x14x8x384xf32>
    %get3A_131 = arith.constant 9 : index
    %get3A_132 = arith.constant 0 : index
    %get3A_133 = vector.load %arg1[%get3A_131, %get3A_132] : memref<49x384xf32, #tpu.memory_space<vmem>>, vector<1x384xf32>
    %get3A_134 = vector.shape_cast %get3A_133 : vector<1x384xf32> to vector<384xf32>
    %get3A_135 = arith.constant 1 : index
    %get3A_136 = arith.constant 2 : index
    %get3A_137 = arith.constant 0 : index
    %get3A_138 = arith.constant 0 : index
    %get3A_139 = vector.load %arg12[%get3A_135, %get3A_136, %get3A_137, %get3A_138] : memref<20x20x8x384xf32, #tpu.memory_space<vmem>>, vector<14x14x8x384xf32>
    %broadcast_in_dim3A_140 = vector.shape_cast %get3A_134 : vector<384xf32> to vector<1x1x1x384xf32>
    %mul3A_141 = vector.broadcast %broadcast_in_dim3A_140 : vector<1x1x1x384xf32> to vector<14x14x8x384xf32>
    %mul3A_142 = arith.mulf %get3A_139, %mul3A_141 : vector<14x14x8x384xf32>
    %add3A_143 = arith.addf %add3A_130, %mul3A_142 : vector<14x14x8x384xf32>
    %get3A_144 = arith.constant 10 : index
    %get3A_145 = arith.constant 0 : index
    %get3A_146 = vector.load %arg1[%get3A_144, %get3A_145] : memref<49x384xf32, #tpu.memory_space<vmem>>, vector<1x384xf32>
    %get3A_147 = vector.shape_cast %get3A_146 : vector<1x384xf32> to vector<384xf32>
    %get3A_148 = arith.constant 1 : index
    %get3A_149 = arith.constant 3 : index
    %get3A_150 = arith.constant 0 : index
    %get3A_151 = arith.constant 0 : index
    %get3A_152 = vector.load %arg12[%get3A_148, %get3A_149, %get3A_150, %get3A_151] : memref<20x20x8x384xf32, #tpu.memory_space<vmem>>, vector<14x14x8x384xf32>
    %broadcast_in_dim3A_153 = vector.shape_cast %get3A_147 : vector<384xf32> to vector<1x1x1x384xf32>
    %mul3A_154 = vector.broadcast %broadcast_in_dim3A_153 : vector<1x1x1x384xf32> to vector<14x14x8x384xf32>
    %mul3A_155 = arith.mulf %get3A_152, %mul3A_154 : vector<14x14x8x384xf32>
    %add3A_156 = arith.addf %add3A_143, %mul3A_155 : vector<14x14x8x384xf32>
    %get3A_157 = arith.constant 11 : index
    %get3A_158 = arith.constant 0 : index
    %get3A_159 = vector.load %arg1[%get3A_157, %get3A_158] : memref<49x384xf32, #tpu.memory_space<vmem>>, vector<1x384xf32>
    %get3A_160 = vector.shape_cast %get3A_159 : vector<1x384xf32> to vector<384xf32>
    %get3A_161 = arith.constant 1 : index
    %get3A_162 = arith.constant 4 : index
    %get3A_163 = arith.constant 0 : index
    %get3A_164 = arith.constant 0 : index
    %get3A_165 = vector.load %arg12[%get3A_161, %get3A_162, %get3A_163, %get3A_164] : memref<20x20x8x384xf32, #tpu.memory_space<vmem>>, vector<14x14x8x384xf32>
    %broadcast_in_dim3A_166 = vector.shape_cast %get3A_160 : vector<384xf32> to vector<1x1x1x384xf32>
    %mul3A_167 = vector.broadcast %broadcast_in_dim3A_166 : vector<1x1x1x384xf32> to vector<14x14x8x384xf32>
    %mul3A_168 = arith.mulf %get3A_165, %mul3A_167 : vector<14x14x8x384xf32>
    %add3A_169 = arith.addf %add3A_156, %mul3A_168 : vector<14x14x8x384xf32>
    %get3A_170 = arith.constant 12 : index
    %get3A_171 = arith.constant 0 : index
    %get3A_172 = vector.load %arg1[%get3A_170, %get3A_171] : memref<49x384xf32, #tpu.memory_space<vmem>>, vector<1x384xf32>
    %get3A_173 = vector.shape_cast %get3A_172 : vector<1x384xf32> to vector<384xf32>
    %get3A_174 = arith.constant 1 : index
    %get3A_175 = arith.constant 5 : index
    %get3A_176 = arith.constant 0 : index
    %get3A_177 = arith.constant 0 : index
    %get3A_178 = vector.load %arg12[%get3A_174, %get3A_175, %get3A_176, %get3A_177] : memref<20x20x8x384xf32, #tpu.memory_space<vmem>>, vector<14x14x8x384xf32>
    %broadcast_in_dim3A_179 = vector.shape_cast %get3A_173 : vector<384xf32> to vector<1x1x1x384xf32>
    %mul3A_180 = vector.broadcast %broadcast_in_dim3A_179 : vector<1x1x1x384xf32> to vector<14x14x8x384xf32>
    %mul3A_181 = arith.mulf %get3A_178, %mul3A_180 : vector<14x14x8x384xf32>
    %add3A_182 = arith.addf %add3A_169, %mul3A_181 : vector<14x14x8x384xf32>
    %get3A_183 = arith.constant 13 : index
    %get3A_184 = arith.constant 0 : index
    %get3A_185 = vector.load %arg1[%get3A_183, %get3A_184] : memref<49x384xf32, #tpu.memory_space<vmem>>, vector<1x384xf32>
    %get3A_186 = vector.shape_cast %get3A_185 : vector<1x384xf32> to vector<384xf32>
    %get3A_187 = arith.constant 1 : index
    %get3A_188 = arith.constant 6 : index
    %get3A_189 = arith.constant 0 : index
    %get3A_190 = arith.constant 0 : index
    %get3A_191 = vector.load %arg12[%get3A_187, %get3A_188, %get3A_189, %get3A_190] : memref<20x20x8x384xf32, #tpu.memory_space<vmem>>, vector<14x14x8x384xf32>
    %broadcast_in_dim3A_192 = vector.shape_cast %get3A_186 : vector<384xf32> to vector<1x1x1x384xf32>
    %mul3A_193 = vector.broadcast %broadcast_in_dim3A_192 : vector<1x1x1x384xf32> to vector<14x14x8x384xf32>
    %mul3A_194 = arith.mulf %get3A_191, %mul3A_193 : vector<14x14x8x384xf32>
    %add3A_195 = arith.addf %add3A_182, %mul3A_194 : vector<14x14x8x384xf32>
    %get3A_196 = arith.constant 14 : index
    %get3A_197 = arith.constant 0 : index
    %get3A_198 = vector.load %arg1[%get3A_196, %get3A_197] : memref<49x384xf32, #tpu.memory_space<vmem>>, vector<1x384xf32>
    %get3A_199 = vector.shape_cast %get3A_198 : vector<1x384xf32> to vector<384xf32>
    %get3A_200 = arith.constant 2 : index
    %get3A_201 = arith.constant 0 : index
    %get3A_202 = arith.constant 0 : index
    %get3A_203 = arith.constant 0 : index
    %get3A_204 = vector.load %arg12[%get3A_200, %get3A_201, %get3A_202, %get3A_203] : memref<20x20x8x384xf32, #tpu.memory_space<vmem>>, vector<14x14x8x384xf32>
    %broadcast_in_dim3A_205 = vector.shape_cast %get3A_199 : vector<384xf32> to vector<1x1x1x384xf32>
    %mul3A_206 = vector.broadcast %broadcast_in_dim3A_205 : vector<1x1x1x384xf32> to vector<14x14x8x384xf32>
    %mul3A_207 = arith.mulf %get3A_204, %mul3A_206 : vector<14x14x8x384xf32>
    %add3A_208 = arith.addf %add3A_195, %mul3A_207 : vector<14x14x8x384xf32>
    %get3A_209 = arith.constant 15 : index
    %get3A_210 = arith.constant 0 : index
    %get3A_211 = vector.load %arg1[%get3A_209, %get3A_210] : memref<49x384xf32, #tpu.memory_space<vmem>>, vector<1x384xf32>
    %get3A_212 = vector.shape_cast %get3A_211 : vector<1x384xf32> to vector<384xf32>
    %get3A_213 = arith.constant 2 : index
    %get3A_214 = arith.constant 1 : index
    %get3A_215 = arith.constant 0 : index
    %get3A_216 = arith.constant 0 : index
    %get3A_217 = vector.load %arg12[%get3A_213, %get3A_214, %get3A_215, %get3A_216] : memref<20x20x8x384xf32, #tpu.memory_space<vmem>>, vector<14x14x8x384xf32>
    %broadcast_in_dim3A_218 = vector.shape_cast %get3A_212 : vector<384xf32> to vector<1x1x1x384xf32>
    %mul3A_219 = vector.broadcast %broadcast_in_dim3A_218 : vector<1x1x1x384xf32> to vector<14x14x8x384xf32>
    %mul3A_220 = arith.mulf %get3A_217, %mul3A_219 : vector<14x14x8x384xf32>
    %add3A_221 = arith.addf %add3A_208, %mul3A_220 : vector<14x14x8x384xf32>
    %get3A_222 = arith.constant 16 : index
    %get3A_223 = arith.constant 0 : index
    %get3A_224 = vector.load %arg1[%get3A_222, %get3A_223] : memref<49x384xf32, #tpu.memory_space<vmem>>, vector<1x384xf32>
    %get3A_225 = vector.shape_cast %get3A_224 : vector<1x384xf32> to vector<384xf32>
    %get3A_226 = arith.constant 2 : index
    %get3A_227 = arith.constant 2 : index
    %get3A_228 = arith.constant 0 : index
    %get3A_229 = arith.constant 0 : index
    %get3A_230 = vector.load %arg12[%get3A_226, %get3A_227, %get3A_228, %get3A_229] : memref<20x20x8x384xf32, #tpu.memory_space<vmem>>, vector<14x14x8x384xf32>
    %broadcast_in_dim3A_231 = vector.shape_cast %get3A_225 : vector<384xf32> to vector<1x1x1x384xf32>
    %mul3A_232 = vector.broadcast %broadcast_in_dim3A_231 : vector<1x1x1x384xf32> to vector<14x14x8x384xf32>
    %mul3A_233 = arith.mulf %get3A_230, %mul3A_232 : vector<14x14x8x384xf32>
    %add3A_234 = arith.addf %add3A_221, %mul3A_233 : vector<14x14x8x384xf32>
    %get3A_235 = arith.constant 17 : index
    %get3A_236 = arith.constant 0 : index
    %get3A_237 = vector.load %arg1[%get3A_235, %get3A_236] : memref<49x384xf32, #tpu.memory_space<vmem>>, vector<1x384xf32>
    %get3A_238 = vector.shape_cast %get3A_237 : vector<1x384xf32> to vector<384xf32>
    %get3A_239 = arith.constant 2 : index
    %get3A_240 = arith.constant 3 : index
    %get3A_241 = arith.constant 0 : index
    %get3A_242 = arith.constant 0 : index
    %get3A_243 = vector.load %arg12[%get3A_239, %get3A_240, %get3A_241, %get3A_242] : memref<20x20x8x384xf32, #tpu.memory_space<vmem>>, vector<14x14x8x384xf32>
    %broadcast_in_dim3A_244 = vector.shape_cast %get3A_238 : vector<384xf32> to vector<1x1x1x384xf32>
    %mul3A_245 = vector.broadcast %broadcast_in_dim3A_244 : vector<1x1x1x384xf32> to vector<14x14x8x384xf32>
    %mul3A_246 = arith.mulf %get3A_243, %mul3A_245 : vector<14x14x8x384xf32>
    %add3A_247 = arith.addf %add3A_234, %mul3A_246 : vector<14x14x8x384xf32>
    %get3A_248 = arith.constant 18 : index
    %get3A_249 = arith.constant 0 : index
    %get3A_250 = vector.load %arg1[%get3A_248, %get3A_249] : memref<49x384xf32, #tpu.memory_space<vmem>>, vector<1x384xf32>
    %get3A_251 = vector.shape_cast %get3A_250 : vector<1x384xf32> to vector<384xf32>
    %get3A_252 = arith.constant 2 : index
    %get3A_253 = arith.constant 4 : index
    %get3A_254 = arith.constant 0 : index
    %get3A_255 = arith.constant 0 : index
    %get3A_256 = vector.load %arg12[%get3A_252, %get3A_253, %get3A_254, %get3A_255] : memref<20x20x8x384xf32, #tpu.memory_space<vmem>>, vector<14x14x8x384xf32>
    %broadcast_in_dim3A_257 = vector.shape_cast %get3A_251 : vector<384xf32> to vector<1x1x1x384xf32>
    %mul3A_258 = vector.broadcast %broadcast_in_dim3A_257 : vector<1x1x1x384xf32> to vector<14x14x8x384xf32>
    %mul3A_259 = arith.mulf %get3A_256, %mul3A_258 : vector<14x14x8x384xf32>
    %add3A_260 = arith.addf %add3A_247, %mul3A_259 : vector<14x14x8x384xf32>
    %get3A_261 = arith.constant 19 : index
    %get3A_262 = arith.constant 0 : index
    %get3A_263 = vector.load %arg1[%get3A_261, %get3A_262] : memref<49x384xf32, #tpu.memory_space<vmem>>, vector<1x384xf32>
    %get3A_264 = vector.shape_cast %get3A_263 : vector<1x384xf32> to vector<384xf32>
    %get3A_265 = arith.constant 2 : index
    %get3A_266 = arith.constant 5 : index
    %get3A_267 = arith.constant 0 : index
    %get3A_268 = arith.constant 0 : index
    %get3A_269 = vector.load %arg12[%get3A_265, %get3A_266, %get3A_267, %get3A_268] : memref<20x20x8x384xf32, #tpu.memory_space<vmem>>, vector<14x14x8x384xf32>
    %broadcast_in_dim3A_270 = vector.shape_cast %get3A_264 : vector<384xf32> to vector<1x1x1x384xf32>
    %mul3A_271 = vector.broadcast %broadcast_in_dim3A_270 : vector<1x1x1x384xf32> to vector<14x14x8x384xf32>
    %mul3A_272 = arith.mulf %get3A_269, %mul3A_271 : vector<14x14x8x384xf32>
    %add3A_273 = arith.addf %add3A_260, %mul3A_272 : vector<14x14x8x384xf32>
    %get3A_274 = arith.constant 20 : index
    %get3A_275 = arith.constant 0 : index
    %get3A_276 = vector.load %arg1[%get3A_274, %get3A_275] : memref<49x384xf32, #tpu.memory_space<vmem>>, vector<1x384xf32>
    %get3A_277 = vector.shape_cast %get3A_276 : vector<1x384xf32> to vector<384xf32>
    %get3A_278 = arith.constant 2 : index
    %get3A_279 = arith.constant 6 : index
    %get3A_280 = arith.constant 0 : index
    %get3A_281 = arith.constant 0 : index
    %get3A_282 = vector.load %arg12[%get3A_278, %get3A_279, %get3A_280, %get3A_281] : memref<20x20x8x384xf32, #tpu.memory_space<vmem>>, vector<14x14x8x384xf32>
    %broadcast_in_dim3A_283 = vector.shape_cast %get3A_277 : vector<384xf32> to vector<1x1x1x384xf32>
    %mul3A_284 = vector.broadcast %broadcast_in_dim3A_283 : vector<1x1x1x384xf32> to vector<14x14x8x384xf32>
    %mul3A_285 = arith.mulf %get3A_282, %mul3A_284 : vector<14x14x8x384xf32>
    %add3A_286 = arith.addf %add3A_273, %mul3A_285 : vector<14x14x8x384xf32>
    %get3A_287 = arith.constant 21 : index
    %get3A_288 = arith.constant 0 : index
    %get3A_289 = vector.load %arg1[%get3A_287, %get3A_288] : memref<49x384xf32, #tpu.memory_space<vmem>>, vector<1x384xf32>
    %get3A_290 = vector.shape_cast %get3A_289 : vector<1x384xf32> to vector<384xf32>
    %get3A_291 = arith.constant 3 : index
    %get3A_292 = arith.constant 0 : index
    %get3A_293 = arith.constant 0 : index
    %get3A_294 = arith.constant 0 : index
    %get3A_295 = vector.load %arg12[%get3A_291, %get3A_292, %get3A_293, %get3A_294] : memref<20x20x8x384xf32, #tpu.memory_space<vmem>>, vector<14x14x8x384xf32>
    %broadcast_in_dim3A_296 = vector.shape_cast %get3A_290 : vector<384xf32> to vector<1x1x1x384xf32>
    %mul3A_297 = vector.broadcast %broadcast_in_dim3A_296 : vector<1x1x1x384xf32> to vector<14x14x8x384xf32>
    %mul3A_298 = arith.mulf %get3A_295, %mul3A_297 : vector<14x14x8x384xf32>
    %add3A_299 = arith.addf %add3A_286, %mul3A_298 : vector<14x14x8x384xf32>
    %get3A_300 = arith.constant 22 : index
    %get3A_301 = arith.constant 0 : index
    %get3A_302 = vector.load %arg1[%get3A_300, %get3A_301] : memref<49x384xf32, #tpu.memory_space<vmem>>, vector<1x384xf32>
    %get3A_303 = vector.shape_cast %get3A_302 : vector<1x384xf32> to vector<384xf32>
    %get3A_304 = arith.constant 3 : index
    %get3A_305 = arith.constant 1 : index
    %get3A_306 = arith.constant 0 : index
    %get3A_307 = arith.constant 0 : index
    %get3A_308 = vector.load %arg12[%get3A_304, %get3A_305, %get3A_306, %get3A_307] : memref<20x20x8x384xf32, #tpu.memory_space<vmem>>, vector<14x14x8x384xf32>
    %broadcast_in_dim3A_309 = vector.shape_cast %get3A_303 : vector<384xf32> to vector<1x1x1x384xf32>
    %mul3A_310 = vector.broadcast %broadcast_in_dim3A_309 : vector<1x1x1x384xf32> to vector<14x14x8x384xf32>
    %mul3A_311 = arith.mulf %get3A_308, %mul3A_310 : vector<14x14x8x384xf32>
    %add3A_312 = arith.addf %add3A_299, %mul3A_311 : vector<14x14x8x384xf32>
    %get3A_313 = arith.constant 23 : index
    %get3A_314 = arith.constant 0 : index
    %get3A_315 = vector.load %arg1[%get3A_313, %get3A_314] : memref<49x384xf32, #tpu.memory_space<vmem>>, vector<1x384xf32>
    %get3A_316 = vector.shape_cast %get3A_315 : vector<1x384xf32> to vector<384xf32>
    %get3A_317 = arith.constant 3 : index
    %get3A_318 = arith.constant 2 : index
    %get3A_319 = arith.constant 0 : index
    %get3A_320 = arith.constant 0 : index
    %get3A_321 = vector.load %arg12[%get3A_317, %get3A_318, %get3A_319, %get3A_320] : memref<20x20x8x384xf32, #tpu.memory_space<vmem>>, vector<14x14x8x384xf32>
    %broadcast_in_dim3A_322 = vector.shape_cast %get3A_316 : vector<384xf32> to vector<1x1x1x384xf32>
    %mul3A_323 = vector.broadcast %broadcast_in_dim3A_322 : vector<1x1x1x384xf32> to vector<14x14x8x384xf32>
    %mul3A_324 = arith.mulf %get3A_321, %mul3A_323 : vector<14x14x8x384xf32>
    %add3A_325 = arith.addf %add3A_312, %mul3A_324 : vector<14x14x8x384xf32>
    %get3A_326 = arith.constant 24 : index
    %get3A_327 = arith.constant 0 : index
    %get3A_328 = vector.load %arg1[%get3A_326, %get3A_327] : memref<49x384xf32, #tpu.memory_space<vmem>>, vector<1x384xf32>
    %get3A_329 = vector.shape_cast %get3A_328 : vector<1x384xf32> to vector<384xf32>
    %get3A_330 = arith.constant 3 : index
    %get3A_331 = arith.constant 3 : index
    %get3A_332 = arith.constant 0 : index
    %get3A_333 = arith.constant 0 : index
    %get3A_334 = vector.load %arg12[%get3A_330, %get3A_331, %get3A_332, %get3A_333] : memref<20x20x8x384xf32, #tpu.memory_space<vmem>>, vector<14x14x8x384xf32>
    %broadcast_in_dim3A_335 = vector.shape_cast %get3A_329 : vector<384xf32> to vector<1x1x1x384xf32>
    %mul3A_336 = vector.broadcast %broadcast_in_dim3A_335 : vector<1x1x1x384xf32> to vector<14x14x8x384xf32>
    %mul3A_337 = arith.mulf %get3A_334, %mul3A_336 : vector<14x14x8x384xf32>
    %add3A_338 = arith.addf %add3A_325, %mul3A_337 : vector<14x14x8x384xf32>
    %get3A_339 = arith.constant 25 : index
    %get3A_340 = arith.constant 0 : index
    %get3A_341 = vector.load %arg1[%get3A_339, %get3A_340] : memref<49x384xf32, #tpu.memory_space<vmem>>, vector<1x384xf32>
    %get3A_342 = vector.shape_cast %get3A_341 : vector<1x384xf32> to vector<384xf32>
    %get3A_343 = arith.constant 3 : index
    %get3A_344 = arith.constant 4 : index
    %get3A_345 = arith.constant 0 : index
    %get3A_346 = arith.constant 0 : index
    %get3A_347 = vector.load %arg12[%get3A_343, %get3A_344, %get3A_345, %get3A_346] : memref<20x20x8x384xf32, #tpu.memory_space<vmem>>, vector<14x14x8x384xf32>
    %broadcast_in_dim3A_348 = vector.shape_cast %get3A_342 : vector<384xf32> to vector<1x1x1x384xf32>
    %mul3A_349 = vector.broadcast %broadcast_in_dim3A_348 : vector<1x1x1x384xf32> to vector<14x14x8x384xf32>
    %mul3A_350 = arith.mulf %get3A_347, %mul3A_349 : vector<14x14x8x384xf32>
    %add3A_351 = arith.addf %add3A_338, %mul3A_350 : vector<14x14x8x384xf32>
    %get3A_352 = arith.constant 26 : index
    %get3A_353 = arith.constant 0 : index
    %get3A_354 = vector.load %arg1[%get3A_352, %get3A_353] : memref<49x384xf32, #tpu.memory_space<vmem>>, vector<1x384xf32>
    %get3A_355 = vector.shape_cast %get3A_354 : vector<1x384xf32> to vector<384xf32>
    %get3A_356 = arith.constant 3 : index
    %get3A_357 = arith.constant 5 : index
    %get3A_358 = arith.constant 0 : index
    %get3A_359 = arith.constant 0 : index
    %get3A_360 = vector.load %arg12[%get3A_356, %get3A_357, %get3A_358, %get3A_359] : memref<20x20x8x384xf32, #tpu.memory_space<vmem>>, vector<14x14x8x384xf32>
    %broadcast_in_dim3A_361 = vector.shape_cast %get3A_355 : vector<384xf32> to vector<1x1x1x384xf32>
    %mul3A_362 = vector.broadcast %broadcast_in_dim3A_361 : vector<1x1x1x384xf32> to vector<14x14x8x384xf32>
    %mul3A_363 = arith.mulf %get3A_360, %mul3A_362 : vector<14x14x8x384xf32>
    %add3A_364 = arith.addf %add3A_351, %mul3A_363 : vector<14x14x8x384xf32>
    %get3A_365 = arith.constant 27 : index
    %get3A_366 = arith.constant 0 : index
    %get3A_367 = vector.load %arg1[%get3A_365, %get3A_366] : memref<49x384xf32, #tpu.memory_space<vmem>>, vector<1x384xf32>
    %get3A_368 = vector.shape_cast %get3A_367 : vector<1x384xf32> to vector<384xf32>
    %get3A_369 = arith.constant 3 : index
    %get3A_370 = arith.constant 6 : index
    %get3A_371 = arith.constant 0 : index
    %get3A_372 = arith.constant 0 : index
    %get3A_373 = vector.load %arg12[%get3A_369, %get3A_370, %get3A_371, %get3A_372] : memref<20x20x8x384xf32, #tpu.memory_space<vmem>>, vector<14x14x8x384xf32>
    %broadcast_in_dim3A_374 = vector.shape_cast %get3A_368 : vector<384xf32> to vector<1x1x1x384xf32>
    %mul3A_375 = vector.broadcast %broadcast_in_dim3A_374 : vector<1x1x1x384xf32> to vector<14x14x8x384xf32>
    %mul3A_376 = arith.mulf %get3A_373, %mul3A_375 : vector<14x14x8x384xf32>
    %add3A_377 = arith.addf %add3A_364, %mul3A_376 : vector<14x14x8x384xf32>
    %get3A_378 = arith.constant 28 : index
    %get3A_379 = arith.constant 0 : index
    %get3A_380 = vector.load %arg1[%get3A_378, %get3A_379] : memref<49x384xf32, #tpu.memory_space<vmem>>, vector<1x384xf32>
    %get3A_381 = vector.shape_cast %get3A_380 : vector<1x384xf32> to vector<384xf32>
    %get3A_382 = arith.constant 4 : index
    %get3A_383 = arith.constant 0 : index
    %get3A_384 = arith.constant 0 : index
    %get3A_385 = arith.constant 0 : index
    %get3A_386 = vector.load %arg12[%get3A_382, %get3A_383, %get3A_384, %get3A_385] : memref<20x20x8x384xf32, #tpu.memory_space<vmem>>, vector<14x14x8x384xf32>
    %broadcast_in_dim3A_387 = vector.shape_cast %get3A_381 : vector<384xf32> to vector<1x1x1x384xf32>
    %mul3A_388 = vector.broadcast %broadcast_in_dim3A_387 : vector<1x1x1x384xf32> to vector<14x14x8x384xf32>
    %mul3A_389 = arith.mulf %get3A_386, %mul3A_388 : vector<14x14x8x384xf32>
    %add3A_390 = arith.addf %add3A_377, %mul3A_389 : vector<14x14x8x384xf32>
    %get3A_391 = arith.constant 29 : index
    %get3A_392 = arith.constant 0 : index
    %get3A_393 = vector.load %arg1[%get3A_391, %get3A_392] : memref<49x384xf32, #tpu.memory_space<vmem>>, vector<1x384xf32>
    %get3A_394 = vector.shape_cast %get3A_393 : vector<1x384xf32> to vector<384xf32>
    %get3A_395 = arith.constant 4 : index
    %get3A_396 = arith.constant 1 : index
    %get3A_397 = arith.constant 0 : index
    %get3A_398 = arith.constant 0 : index
    %get3A_399 = vector.load %arg12[%get3A_395, %get3A_396, %get3A_397, %get3A_398] : memref<20x20x8x384xf32, #tpu.memory_space<vmem>>, vector<14x14x8x384xf32>
    %broadcast_in_dim3A_400 = vector.shape_cast %get3A_394 : vector<384xf32> to vector<1x1x1x384xf32>
    %mul3A_401 = vector.broadcast %broadcast_in_dim3A_400 : vector<1x1x1x384xf32> to vector<14x14x8x384xf32>
    %mul3A_402 = arith.mulf %get3A_399, %mul3A_401 : vector<14x14x8x384xf32>
    %add3A_403 = arith.addf %add3A_390, %mul3A_402 : vector<14x14x8x384xf32>
    %get3A_404 = arith.constant 30 : index
    %get3A_405 = arith.constant 0 : index
    %get3A_406 = vector.load %arg1[%get3A_404, %get3A_405] : memref<49x384xf32, #tpu.memory_space<vmem>>, vector<1x384xf32>
    %get3A_407 = vector.shape_cast %get3A_406 : vector<1x384xf32> to vector<384xf32>
    %get3A_408 = arith.constant 4 : index
    %get3A_409 = arith.constant 2 : index
    %get3A_410 = arith.constant 0 : index
    %get3A_411 = arith.constant 0 : index
    %get3A_412 = vector.load %arg12[%get3A_408, %get3A_409, %get3A_410, %get3A_411] : memref<20x20x8x384xf32, #tpu.memory_space<vmem>>, vector<14x14x8x384xf32>
    %broadcast_in_dim3A_413 = vector.shape_cast %get3A_407 : vector<384xf32> to vector<1x1x1x384xf32>
    %mul3A_414 = vector.broadcast %broadcast_in_dim3A_413 : vector<1x1x1x384xf32> to vector<14x14x8x384xf32>
    %mul3A_415 = arith.mulf %get3A_412, %mul3A_414 : vector<14x14x8x384xf32>
    %add3A_416 = arith.addf %add3A_403, %mul3A_415 : vector<14x14x8x384xf32>
    %get3A_417 = arith.constant 31 : index
    %get3A_418 = arith.constant 0 : index
    %get3A_419 = vector.load %arg1[%get3A_417, %get3A_418] : memref<49x384xf32, #tpu.memory_space<vmem>>, vector<1x384xf32>
    %get3A_420 = vector.shape_cast %get3A_419 : vector<1x384xf32> to vector<384xf32>
    %get3A_421 = arith.constant 4 : index
    %get3A_422 = arith.constant 3 : index
    %get3A_423 = arith.constant 0 : index
    %get3A_424 = arith.constant 0 : index
    %get3A_425 = vector.load %arg12[%get3A_421, %get3A_422, %get3A_423, %get3A_424] : memref<20x20x8x384xf32, #tpu.memory_space<vmem>>, vector<14x14x8x384xf32>
    %broadcast_in_dim3A_426 = vector.shape_cast %get3A_420 : vector<384xf32> to vector<1x1x1x384xf32>
    %mul3A_427 = vector.broadcast %broadcast_in_dim3A_426 : vector<1x1x1x384xf32> to vector<14x14x8x384xf32>
    %mul3A_428 = arith.mulf %get3A_425, %mul3A_427 : vector<14x14x8x384xf32>
    %add3A_429 = arith.addf %add3A_416, %mul3A_428 : vector<14x14x8x384xf32>
    %get3A_430 = arith.constant 32 : index
    %get3A_431 = arith.constant 0 : index
    %get3A_432 = vector.load %arg1[%get3A_430, %get3A_431] : memref<49x384xf32, #tpu.memory_space<vmem>>, vector<1x384xf32>
    %get3A_433 = vector.shape_cast %get3A_432 : vector<1x384xf32> to vector<384xf32>
    %get3A_434 = arith.constant 4 : index
    %get3A_435 = arith.constant 4 : index
    %get3A_436 = arith.constant 0 : index
    %get3A_437 = arith.constant 0 : index
    %get3A_438 = vector.load %arg12[%get3A_434, %get3A_435, %get3A_436, %get3A_437] : memref<20x20x8x384xf32, #tpu.memory_space<vmem>>, vector<14x14x8x384xf32>
    %broadcast_in_dim3A_439 = vector.shape_cast %get3A_433 : vector<384xf32> to vector<1x1x1x384xf32>
    %mul3A_440 = vector.broadcast %broadcast_in_dim3A_439 : vector<1x1x1x384xf32> to vector<14x14x8x384xf32>
    %mul3A_441 = arith.mulf %get3A_438, %mul3A_440 : vector<14x14x8x384xf32>
    %add3A_442 = arith.addf %add3A_429, %mul3A_441 : vector<14x14x8x384xf32>
    %get3A_443 = arith.constant 33 : index
    %get3A_444 = arith.constant 0 : index
    %get3A_445 = vector.load %arg1[%get3A_443, %get3A_444] : memref<49x384xf32, #tpu.memory_space<vmem>>, vector<1x384xf32>
    %get3A_446 = vector.shape_cast %get3A_445 : vector<1x384xf32> to vector<384xf32>
    %get3A_447 = arith.constant 4 : index
    %get3A_448 = arith.constant 5 : index
    %get3A_449 = arith.constant 0 : index
    %get3A_450 = arith.constant 0 : index
    %get3A_451 = vector.load %arg12[%get3A_447, %get3A_448, %get3A_449, %get3A_450] : memref<20x20x8x384xf32, #tpu.memory_space<vmem>>, vector<14x14x8x384xf32>
    %broadcast_in_dim3A_452 = vector.shape_cast %get3A_446 : vector<384xf32> to vector<1x1x1x384xf32>
    %mul3A_453 = vector.broadcast %broadcast_in_dim3A_452 : vector<1x1x1x384xf32> to vector<14x14x8x384xf32>
    %mul3A_454 = arith.mulf %get3A_451, %mul3A_453 : vector<14x14x8x384xf32>
    %add3A_455 = arith.addf %add3A_442, %mul3A_454 : vector<14x14x8x384xf32>
    %get3A_456 = arith.constant 34 : index
    %get3A_457 = arith.constant 0 : index
    %get3A_458 = vector.load %arg1[%get3A_456, %get3A_457] : memref<49x384xf32, #tpu.memory_space<vmem>>, vector<1x384xf32>
    %get3A_459 = vector.shape_cast %get3A_458 : vector<1x384xf32> to vector<384xf32>
    %get3A_460 = arith.constant 4 : index
    %get3A_461 = arith.constant 6 : index
    %get3A_462 = arith.constant 0 : index
    %get3A_463 = arith.constant 0 : index
    %get3A_464 = vector.load %arg12[%get3A_460, %get3A_461, %get3A_462, %get3A_463] : memref<20x20x8x384xf32, #tpu.memory_space<vmem>>, vector<14x14x8x384xf32>
    %broadcast_in_dim3A_465 = vector.shape_cast %get3A_459 : vector<384xf32> to vector<1x1x1x384xf32>
    %mul3A_466 = vector.broadcast %broadcast_in_dim3A_465 : vector<1x1x1x384xf32> to vector<14x14x8x384xf32>
    %mul3A_467 = arith.mulf %get3A_464, %mul3A_466 : vector<14x14x8x384xf32>
    %add3A_468 = arith.addf %add3A_455, %mul3A_467 : vector<14x14x8x384xf32>
    %get3A_469 = arith.constant 35 : index
    %get3A_470 = arith.constant 0 : index
    %get3A_471 = vector.load %arg1[%get3A_469, %get3A_470] : memref<49x384xf32, #tpu.memory_space<vmem>>, vector<1x384xf32>
    %get3A_472 = vector.shape_cast %get3A_471 : vector<1x384xf32> to vector<384xf32>
    %get3A_473 = arith.constant 5 : index
    %get3A_474 = arith.constant 0 : index
    %get3A_475 = arith.constant 0 : index
    %get3A_476 = arith.constant 0 : index
    %get3A_477 = vector.load %arg12[%get3A_473, %get3A_474, %get3A_475, %get3A_476] : memref<20x20x8x384xf32, #tpu.memory_space<vmem>>, vector<14x14x8x384xf32>
    %broadcast_in_dim3A_478 = vector.shape_cast %get3A_472 : vector<384xf32> to vector<1x1x1x384xf32>
    %mul3A_479 = vector.broadcast %broadcast_in_dim3A_478 : vector<1x1x1x384xf32> to vector<14x14x8x384xf32>
    %mul3A_480 = arith.mulf %get3A_477, %mul3A_479 : vector<14x14x8x384xf32>
    %add3A_481 = arith.addf %add3A_468, %mul3A_480 : vector<14x14x8x384xf32>
    %get3A_482 = arith.constant 36 : index
    %get3A_483 = arith.constant 0 : index
    %get3A_484 = vector.load %arg1[%get3A_482, %get3A_483] : memref<49x384xf32, #tpu.memory_space<vmem>>, vector<1x384xf32>
    %get3A_485 = vector.shape_cast %get3A_484 : vector<1x384xf32> to vector<384xf32>
    %get3A_486 = arith.constant 5 : index
    %get3A_487 = arith.constant 1 : index
    %get3A_488 = arith.constant 0 : index
    %get3A_489 = arith.constant 0 : index
    %get3A_490 = vector.load %arg12[%get3A_486, %get3A_487, %get3A_488, %get3A_489] : memref<20x20x8x384xf32, #tpu.memory_space<vmem>>, vector<14x14x8x384xf32>
    %broadcast_in_dim3A_491 = vector.shape_cast %get3A_485 : vector<384xf32> to vector<1x1x1x384xf32>
    %mul3A_492 = vector.broadcast %broadcast_in_dim3A_491 : vector<1x1x1x384xf32> to vector<14x14x8x384xf32>
    %mul3A_493 = arith.mulf %get3A_490, %mul3A_492 : vector<14x14x8x384xf32>
    %add3A_494 = arith.addf %add3A_481, %mul3A_493 : vector<14x14x8x384xf32>
    %get3A_495 = arith.constant 37 : index
    %get3A_496 = arith.constant 0 : index
    %get3A_497 = vector.load %arg1[%get3A_495, %get3A_496] : memref<49x384xf32, #tpu.memory_space<vmem>>, vector<1x384xf32>
    %get3A_498 = vector.shape_cast %get3A_497 : vector<1x384xf32> to vector<384xf32>
    %get3A_499 = arith.constant 5 : index
    %get3A_500 = arith.constant 2 : index
    %get3A_501 = arith.constant 0 : index
    %get3A_502 = arith.constant 0 : index
    %get3A_503 = vector.load %arg12[%get3A_499, %get3A_500, %get3A_501, %get3A_502] : memref<20x20x8x384xf32, #tpu.memory_space<vmem>>, vector<14x14x8x384xf32>
    %broadcast_in_dim3A_504 = vector.shape_cast %get3A_498 : vector<384xf32> to vector<1x1x1x384xf32>
    %mul3A_505 = vector.broadcast %broadcast_in_dim3A_504 : vector<1x1x1x384xf32> to vector<14x14x8x384xf32>
    %mul3A_506 = arith.mulf %get3A_503, %mul3A_505 : vector<14x14x8x384xf32>
    %add3A_507 = arith.addf %add3A_494, %mul3A_506 : vector<14x14x8x384xf32>
    %get3A_508 = arith.constant 38 : index
    %get3A_509 = arith.constant 0 : index
    %get3A_510 = vector.load %arg1[%get3A_508, %get3A_509] : memref<49x384xf32, #tpu.memory_space<vmem>>, vector<1x384xf32>
    %get3A_511 = vector.shape_cast %get3A_510 : vector<1x384xf32> to vector<384xf32>
    %get3A_512 = arith.constant 5 : index
    %get3A_513 = arith.constant 3 : index
    %get3A_514 = arith.constant 0 : index
    %get3A_515 = arith.constant 0 : index
    %get3A_516 = vector.load %arg12[%get3A_512, %get3A_513, %get3A_514, %get3A_515] : memref<20x20x8x384xf32, #tpu.memory_space<vmem>>, vector<14x14x8x384xf32>
    %broadcast_in_dim3A_517 = vector.shape_cast %get3A_511 : vector<384xf32> to vector<1x1x1x384xf32>
    %mul3A_518 = vector.broadcast %broadcast_in_dim3A_517 : vector<1x1x1x384xf32> to vector<14x14x8x384xf32>
    %mul3A_519 = arith.mulf %get3A_516, %mul3A_518 : vector<14x14x8x384xf32>
    %add3A_520 = arith.addf %add3A_507, %mul3A_519 : vector<14x14x8x384xf32>
    %get3A_521 = arith.constant 39 : index
    %get3A_522 = arith.constant 0 : index
    %get3A_523 = vector.load %arg1[%get3A_521, %get3A_522] : memref<49x384xf32, #tpu.memory_space<vmem>>, vector<1x384xf32>
    %get3A_524 = vector.shape_cast %get3A_523 : vector<1x384xf32> to vector<384xf32>
    %get3A_525 = arith.constant 5 : index
    %get3A_526 = arith.constant 4 : index
    %get3A_527 = arith.constant 0 : index
    %get3A_528 = arith.constant 0 : index
    %get3A_529 = vector.load %arg12[%get3A_525, %get3A_526, %get3A_527, %get3A_528] : memref<20x20x8x384xf32, #tpu.memory_space<vmem>>, vector<14x14x8x384xf32>
    %broadcast_in_dim3A_530 = vector.shape_cast %get3A_524 : vector<384xf32> to vector<1x1x1x384xf32>
    %mul3A_531 = vector.broadcast %broadcast_in_dim3A_530 : vector<1x1x1x384xf32> to vector<14x14x8x384xf32>
    %mul3A_532 = arith.mulf %get3A_529, %mul3A_531 : vector<14x14x8x384xf32>
    %add3A_533 = arith.addf %add3A_520, %mul3A_532 : vector<14x14x8x384xf32>
    %get3A_534 = arith.constant 40 : index
    %get3A_535 = arith.constant 0 : index
    %get3A_536 = vector.load %arg1[%get3A_534, %get3A_535] : memref<49x384xf32, #tpu.memory_space<vmem>>, vector<1x384xf32>
    %get3A_537 = vector.shape_cast %get3A_536 : vector<1x384xf32> to vector<384xf32>
    %get3A_538 = arith.constant 5 : index
    %get3A_539 = arith.constant 5 : index
    %get3A_540 = arith.constant 0 : index
    %get3A_541 = arith.constant 0 : index
    %get3A_542 = vector.load %arg12[%get3A_538, %get3A_539, %get3A_540, %get3A_541] : memref<20x20x8x384xf32, #tpu.memory_space<vmem>>, vector<14x14x8x384xf32>
    %broadcast_in_dim3A_543 = vector.shape_cast %get3A_537 : vector<384xf32> to vector<1x1x1x384xf32>
    %mul3A_544 = vector.broadcast %broadcast_in_dim3A_543 : vector<1x1x1x384xf32> to vector<14x14x8x384xf32>
    %mul3A_545 = arith.mulf %get3A_542, %mul3A_544 : vector<14x14x8x384xf32>
    %add3A_546 = arith.addf %add3A_533, %mul3A_545 : vector<14x14x8x384xf32>
    %get3A_547 = arith.constant 41 : index
    %get3A_548 = arith.constant 0 : index
    %get3A_549 = vector.load %arg1[%get3A_547, %get3A_548] : memref<49x384xf32, #tpu.memory_space<vmem>>, vector<1x384xf32>
    %get3A_550 = vector.shape_cast %get3A_549 : vector<1x384xf32> to vector<384xf32>
    %get3A_551 = arith.constant 5 : index
    %get3A_552 = arith.constant 6 : index
    %get3A_553 = arith.constant 0 : index
    %get3A_554 = arith.constant 0 : index
    %get3A_555 = vector.load %arg12[%get3A_551, %get3A_552, %get3A_553, %get3A_554] : memref<20x20x8x384xf32, #tpu.memory_space<vmem>>, vector<14x14x8x384xf32>
    %broadcast_in_dim3A_556 = vector.shape_cast %get3A_550 : vector<384xf32> to vector<1x1x1x384xf32>
    %mul3A_557 = vector.broadcast %broadcast_in_dim3A_556 : vector<1x1x1x384xf32> to vector<14x14x8x384xf32>
    %mul3A_558 = arith.mulf %get3A_555, %mul3A_557 : vector<14x14x8x384xf32>
    %add3A_559 = arith.addf %add3A_546, %mul3A_558 : vector<14x14x8x384xf32>
    %get3A_560 = arith.constant 42 : index
    %get3A_561 = arith.constant 0 : index
    %get3A_562 = vector.load %arg1[%get3A_560, %get3A_561] : memref<49x384xf32, #tpu.memory_space<vmem>>, vector<1x384xf32>
    %get3A_563 = vector.shape_cast %get3A_562 : vector<1x384xf32> to vector<384xf32>
    %get3A_564 = arith.constant 6 : index
    %get3A_565 = arith.constant 0 : index
    %get3A_566 = arith.constant 0 : index
    %get3A_567 = arith.constant 0 : index
    %get3A_568 = vector.load %arg12[%get3A_564, %get3A_565, %get3A_566, %get3A_567] : memref<20x20x8x384xf32, #tpu.memory_space<vmem>>, vector<14x14x8x384xf32>
    %broadcast_in_dim3A_569 = vector.shape_cast %get3A_563 : vector<384xf32> to vector<1x1x1x384xf32>
    %mul3A_570 = vector.broadcast %broadcast_in_dim3A_569 : vector<1x1x1x384xf32> to vector<14x14x8x384xf32>
    %mul3A_571 = arith.mulf %get3A_568, %mul3A_570 : vector<14x14x8x384xf32>
    %add3A_572 = arith.addf %add3A_559, %mul3A_571 : vector<14x14x8x384xf32>
    %get3A_573 = arith.constant 43 : index
    %get3A_574 = arith.constant 0 : index
    %get3A_575 = vector.load %arg1[%get3A_573, %get3A_574] : memref<49x384xf32, #tpu.memory_space<vmem>>, vector<1x384xf32>
    %get3A_576 = vector.shape_cast %get3A_575 : vector<1x384xf32> to vector<384xf32>
    %get3A_577 = arith.constant 6 : index
    %get3A_578 = arith.constant 1 : index
    %get3A_579 = arith.constant 0 : index
    %get3A_580 = arith.constant 0 : index
    %get3A_581 = vector.load %arg12[%get3A_577, %get3A_578, %get3A_579, %get3A_580] : memref<20x20x8x384xf32, #tpu.memory_space<vmem>>, vector<14x14x8x384xf32>
    %broadcast_in_dim3A_582 = vector.shape_cast %get3A_576 : vector<384xf32> to vector<1x1x1x384xf32>
    %mul3A_583 = vector.broadcast %broadcast_in_dim3A_582 : vector<1x1x1x384xf32> to vector<14x14x8x384xf32>
    %mul3A_584 = arith.mulf %get3A_581, %mul3A_583 : vector<14x14x8x384xf32>
    %add3A_585 = arith.addf %add3A_572, %mul3A_584 : vector<14x14x8x384xf32>
    %get3A_586 = arith.constant 44 : index
    %get3A_587 = arith.constant 0 : index
    %get3A_588 = vector.load %arg1[%get3A_586, %get3A_587] : memref<49x384xf32, #tpu.memory_space<vmem>>, vector<1x384xf32>
    %get3A_589 = vector.shape_cast %get3A_588 : vector<1x384xf32> to vector<384xf32>
    %get3A_590 = arith.constant 6 : index
    %get3A_591 = arith.constant 2 : index
    %get3A_592 = arith.constant 0 : index
    %get3A_593 = arith.constant 0 : index
    %get3A_594 = vector.load %arg12[%get3A_590, %get3A_591, %get3A_592, %get3A_593] : memref<20x20x8x384xf32, #tpu.memory_space<vmem>>, vector<14x14x8x384xf32>
    %broadcast_in_dim3A_595 = vector.shape_cast %get3A_589 : vector<384xf32> to vector<1x1x1x384xf32>
    %mul3A_596 = vector.broadcast %broadcast_in_dim3A_595 : vector<1x1x1x384xf32> to vector<14x14x8x384xf32>
    %mul3A_597 = arith.mulf %get3A_594, %mul3A_596 : vector<14x14x8x384xf32>
    %add3A_598 = arith.addf %add3A_585, %mul3A_597 : vector<14x14x8x384xf32>
    %get3A_599 = arith.constant 45 : index
    %get3A_600 = arith.constant 0 : index
    %get3A_601 = vector.load %arg1[%get3A_599, %get3A_600] : memref<49x384xf32, #tpu.memory_space<vmem>>, vector<1x384xf32>
    %get3A_602 = vector.shape_cast %get3A_601 : vector<1x384xf32> to vector<384xf32>
    %get3A_603 = arith.constant 6 : index
    %get3A_604 = arith.constant 3 : index
    %get3A_605 = arith.constant 0 : index
    %get3A_606 = arith.constant 0 : index
    %get3A_607 = vector.load %arg12[%get3A_603, %get3A_604, %get3A_605, %get3A_606] : memref<20x20x8x384xf32, #tpu.memory_space<vmem>>, vector<14x14x8x384xf32>
    %broadcast_in_dim3A_608 = vector.shape_cast %get3A_602 : vector<384xf32> to vector<1x1x1x384xf32>
    %mul3A_609 = vector.broadcast %broadcast_in_dim3A_608 : vector<1x1x1x384xf32> to vector<14x14x8x384xf32>
    %mul3A_610 = arith.mulf %get3A_607, %mul3A_609 : vector<14x14x8x384xf32>
    %add3A_611 = arith.addf %add3A_598, %mul3A_610 : vector<14x14x8x384xf32>
    %get3A_612 = arith.constant 46 : index
    %get3A_613 = arith.constant 0 : index
    %get3A_614 = vector.load %arg1[%get3A_612, %get3A_613] : memref<49x384xf32, #tpu.memory_space<vmem>>, vector<1x384xf32>
    %get3A_615 = vector.shape_cast %get3A_614 : vector<1x384xf32> to vector<384xf32>
    %get3A_616 = arith.constant 6 : index
    %get3A_617 = arith.constant 4 : index
    %get3A_618 = arith.constant 0 : index
    %get3A_619 = arith.constant 0 : index
    %get3A_620 = vector.load %arg12[%get3A_616, %get3A_617, %get3A_618, %get3A_619] : memref<20x20x8x384xf32, #tpu.memory_space<vmem>>, vector<14x14x8x384xf32>
    %broadcast_in_dim3A_621 = vector.shape_cast %get3A_615 : vector<384xf32> to vector<1x1x1x384xf32>
    %mul3A_622 = vector.broadcast %broadcast_in_dim3A_621 : vector<1x1x1x384xf32> to vector<14x14x8x384xf32>
    %mul3A_623 = arith.mulf %get3A_620, %mul3A_622 : vector<14x14x8x384xf32>
    %add3A_624 = arith.addf %add3A_611, %mul3A_623 : vector<14x14x8x384xf32>
    %get3A_625 = arith.constant 47 : index
    %get3A_626 = arith.constant 0 : index
    %get3A_627 = vector.load %arg1[%get3A_625, %get3A_626] : memref<49x384xf32, #tpu.memory_space<vmem>>, vector<1x384xf32>
    %get3A_628 = vector.shape_cast %get3A_627 : vector<1x384xf32> to vector<384xf32>
    %get3A_629 = arith.constant 6 : index
    %get3A_630 = arith.constant 5 : index
    %get3A_631 = arith.constant 0 : index
    %get3A_632 = arith.constant 0 : index
    %get3A_633 = vector.load %arg12[%get3A_629, %get3A_630, %get3A_631, %get3A_632] : memref<20x20x8x384xf32, #tpu.memory_space<vmem>>, vector<14x14x8x384xf32>
    %broadcast_in_dim3A_634 = vector.shape_cast %get3A_628 : vector<384xf32> to vector<1x1x1x384xf32>
    %mul3A_635 = vector.broadcast %broadcast_in_dim3A_634 : vector<1x1x1x384xf32> to vector<14x14x8x384xf32>
    %mul3A_636 = arith.mulf %get3A_633, %mul3A_635 : vector<14x14x8x384xf32>
    %add3A_637 = arith.addf %add3A_624, %mul3A_636 : vector<14x14x8x384xf32>
    %get3A_638 = arith.constant 48 : index
    %get3A_639 = arith.constant 0 : index
    %get3A_640 = vector.load %arg1[%get3A_638, %get3A_639] : memref<49x384xf32, #tpu.memory_space<vmem>>, vector<1x384xf32>
    %get3A_641 = vector.shape_cast %get3A_640 : vector<1x384xf32> to vector<384xf32>
    %get3A_642 = arith.constant 6 : index
    %get3A_643 = arith.constant 6 : index
    %get3A_644 = arith.constant 0 : index
    %get3A_645 = arith.constant 0 : index
    %get3A_646 = vector.load %arg12[%get3A_642, %get3A_643, %get3A_644, %get3A_645] : memref<20x20x8x384xf32, #tpu.memory_space<vmem>>, vector<14x14x8x384xf32>
    %broadcast_in_dim3A_647 = vector.shape_cast %get3A_641 : vector<384xf32> to vector<1x1x1x384xf32>
    %mul3A_648 = vector.broadcast %broadcast_in_dim3A_647 : vector<1x1x1x384xf32> to vector<14x14x8x384xf32>
    %mul3A_649 = arith.mulf %get3A_646, %mul3A_648 : vector<14x14x8x384xf32>
    %add3A_650 = arith.addf %add3A_637, %mul3A_649 : vector<14x14x8x384xf32>
    %get3A_651 = arith.constant 0 : index
    %get3A_652 = vector.load %arg2[%get3A_651] : memref<384xf32, #tpu.memory_space<vmem>>, vector<384xf32>
    %broadcast_in_dim3A_653 = vector.shape_cast %get3A_652 : vector<384xf32> to vector<1x1x1x384xf32>
    %add3A_654 = vector.broadcast %broadcast_in_dim3A_653 : vector<1x1x1x384xf32> to vector<14x14x8x384xf32>
    %add3A_655 = arith.addf %add3A_650, %add3A_654 : vector<14x14x8x384xf32>
    %reduce_sum3A = arith.constant dense<0.000000e+00> : vector<14x14x8xf32>
    %reduce_sum3A_656 = vector.multi_reduction <add>, %add3A_655, %reduce_sum3A [3] : vector<14x14x8x384xf32> to vector<14x14x8xf32>
    %broadcast_in_dim3A_657 = vector.shape_cast %reduce_sum3A_656 : vector<14x14x8xf32> to vector<14x14x8x1xf32>
    %div3A = arith.constant 3.840000e+02 : f32
    %div3A_658 = vector.broadcast %div3A : f32 to vector<14x14x8x1xf32>
    %div3A_659 = arith.divf %broadcast_in_dim3A_657, %div3A_658 : vector<14x14x8x1xf32>
    %sub3A = vector.broadcast %div3A_659 : vector<14x14x8x1xf32> to vector<14x14x8x384xf32>
    %sub3A_660 = arith.subf %add3A_655, %sub3A : vector<14x14x8x384xf32>
    %mul3A_661 = arith.mulf %sub3A_660, %sub3A_660 : vector<14x14x8x384xf32>
    %reduce_sum3A_662 = arith.constant dense<0.000000e+00> : vector<14x14x8xf32>
    %reduce_sum3A_663 = vector.multi_reduction <add>, %mul3A_661, %reduce_sum3A_662 [3] : vector<14x14x8x384xf32> to vector<14x14x8xf32>
    %broadcast_in_dim3A_664 = vector.shape_cast %reduce_sum3A_663 : vector<14x14x8xf32> to vector<14x14x8x1xf32>
    %div3A_665 = arith.constant 3.840000e+02 : f32
    %div3A_666 = vector.broadcast %div3A_665 : f32 to vector<14x14x8x1xf32>
    %div3A_667 = arith.divf %broadcast_in_dim3A_664, %div3A_666 : vector<14x14x8x1xf32>
    %add3A_668 = arith.constant 9.99999997E-7 : f32
    %add3A_669 = vector.broadcast %add3A_668 : f32 to vector<14x14x8x1xf32>
    %add3A_670 = arith.addf %div3A_667, %add3A_669 : vector<14x14x8x1xf32>
    %sqrt3A = math.sqrt %add3A_670 : vector<14x14x8x1xf32>
    %div3A_671 = vector.broadcast %sqrt3A : vector<14x14x8x1xf32> to vector<14x14x8x384xf32>
    %div3A_672 = arith.divf %sub3A_660, %div3A_671 : vector<14x14x8x384xf32>
    %get3A_673 = arith.constant 0 : index
    %get3A_674 = vector.load %arg3[%get3A_673] : memref<384xf32, #tpu.memory_space<vmem>>, vector<384xf32>
    %broadcast_in_dim3A_675 = vector.shape_cast %get3A_674 : vector<384xf32> to vector<1x1x1x384xf32>
    %mul3A_676 = vector.broadcast %broadcast_in_dim3A_675 : vector<1x1x1x384xf32> to vector<14x14x8x384xf32>
    %mul3A_677 = arith.mulf %div3A_672, %mul3A_676 : vector<14x14x8x384xf32>
    %get3A_678 = arith.constant 0 : index
    %get3A_679 = vector.load %arg4[%get3A_678] : memref<384xf32, #tpu.memory_space<vmem>>, vector<384xf32>
    %broadcast_in_dim3A_680 = vector.shape_cast %get3A_679 : vector<384xf32> to vector<1x1x1x384xf32>
    %add3A_681 = vector.broadcast %broadcast_in_dim3A_680 : vector<1x1x1x384xf32> to vector<14x14x8x384xf32>
    %add3A_682 = arith.addf %mul3A_677, %add3A_681 : vector<14x14x8x384xf32>
    %reshape3A = vector.shape_cast %add3A_682 : vector<14x14x8x384xf32> to vector<1568x384xf32>
    %broadcast_in_dim3A_683 = arith.constant 0.000000e+00 : f32
    %broadcast_in_dim3A_684 = vector.broadcast %broadcast_in_dim3A_683 : f32 to vector<480x384xf32>
    %concatenate3A = tpu.concatenate %reshape3A, %broadcast_in_dim3A_684 in 0 : vector<1568x384xf32>, vector<480x384xf32> -> vector<2048x384xf32>
    %swap3A_685 = arith.constant 0 : index
    %swap3A_686 = arith.constant 0 : index
    %swap3A_687 = vector.load %arg6[%swap3A_685, %swap3A_686] : memref<2048x384xf32, #tpu.memory_space<vmem>>, vector<2048x384xf32>
    tpu.vector_store %arg6[%swap3A_685, %swap3A_686], %concatenate3A {strides = array<i32>} : memref<2048x384xf32, #tpu.memory_space<vmem>>, vector<2048x384xf32>,
    %get3A_688 = arith.constant 0 : index
    %get3A_689 = arith.constant 0 : index
    %get3A_690 = arith.constant 0 : index
    %get3A_691 = arith.constant 0 : index
    %get3A_692 = vector.load %arg0[%get3A_688, %get3A_689, %get3A_690, %get3A_691] : memref<14x14x8x384xf32, #tpu.memory_space<vmem>>, vector<14x14x8x384xf32>
    %reshape3A_693 = vector.shape_cast %get3A_692 : vector<14x14x8x384xf32> to vector<1568x384xf32>
    %add3A_694 = arith.addf %reshape3A, %reshape3A_693 : vector<1568x384xf32>
    %concatenate3A_695 = tpu.concatenate %add3A_694, %broadcast_in_dim3A_684 in 0 : vector<1568x384xf32>, vector<480x384xf32> -> vector<2048x384xf32>
    %swap3A_696 = arith.constant 0 : index
    %swap3A_697 = arith.constant 0 : index
    %swap3A_698 = vector.load %arg7[%swap3A_696, %swap3A_697] : memref<2048x384xf32, #tpu.memory_space<vmem>>, vector<2048x384xf32>
    tpu.vector_store %arg7[%swap3A_696, %swap3A_697], %concatenate3A_695 {strides = array<i32>} : memref<2048x384xf32, #tpu.memory_space<vmem>>, vector<2048x384xf32>,
    %get3A_699 = arith.constant 0 : index
    %get3A_700 = arith.constant 0 : index
    %get3A_701 = vector.load %arg5[%get3A_699, %get3A_700] : memref<384x8xf32, #tpu.memory_space<vmem>>, vector<384x8xf32>
    %dot_general3A = arith.constant dense<0.000000e+00> : vector<1568x8xf32>
    %dot_general3A_702 = tpu.matmul %reshape3A, %get3A_701, %dot_general3A {dimension_numbers = #tpu.dot_dimension_numbers<[1], [0], [0], [1], [0, 0, 1, 1], [], []>, transpose_lhs_hint = false} : vector<1568x384xf32>, vector<384x8xf32>, vector<1568x8xf32> -> vector<1568x8xf32>
    %iota3A = tpu.iota {dimensions = array<i32: 1>} : vector<1568x8xi32>
    %reduce_max3A = arith.constant dense<0xFF800000> : vector<1568xf32>
    %reduce_max3A_703 = vector.multi_reduction <maximumf>, %dot_general3A_702, %reduce_max3A [1] : vector<1568x8xf32> to vector<1568xf32>
    %broadcast_in_dim3A_704 = vector.shape_cast %reduce_max3A_703 : vector<1568xf32> to vector<1568x1xf32>
    %sub3A_705 = vector.broadcast %broadcast_in_dim3A_704 : vector<1568x1xf32> to vector<1568x8xf32>
    %sub3A_706 = arith.subf %dot_general3A_702, %sub3A_705 : vector<1568x8xf32>
    %exp3A = math.exp %sub3A_706 : vector<1568x8xf32>
    %reduce_sum3A_707 = arith.constant dense<0.000000e+00> : vector<1568xf32>
    %reduce_sum3A_708 = vector.multi_reduction <add>, %exp3A, %reduce_sum3A_707 [1] : vector<1568x8xf32> to vector<1568xf32>
    %broadcast_in_dim3A_709 = vector.shape_cast %reduce_sum3A_708 : vector<1568xf32> to vector<1568x1xf32>
    %div3A_710 = vector.broadcast %broadcast_in_dim3A_709 : vector<1568x1xf32> to vector<1568x8xf32>
    %div3A_711 = arith.divf %exp3A, %div3A_710 : vector<1568x8xf32>
    %reduce_max3A_712 = arith.constant dense<0xFF800000> : vector<1568xf32>
    %reduce_max3A_713 = vector.multi_reduction <maximumf>, %div3A_711, %reduce_max3A_712 [1] : vector<1568x8xf32> to vector<1568xf32>
    %broadcast_in_dim3A_714 = vector.shape_cast %reduce_max3A_713 : vector<1568xf32> to vector<1568x1xf32>
    %eq3A = vector.broadcast %broadcast_in_dim3A_714 : vector<1568x1xf32> to vector<1568x8xf32>
    %eq3A_715 = arith.cmpf oeq, %div3A_711, %eq3A : vector<1568x8xf32>
    %jit3A = arith.constant 8 : i32
    %broadcast_in_dim3A_716 = vector.broadcast %jit3A : i32 to vector<1568x8xi32>
    %select_n3A = arith.select %eq3A_715, %iota3A, %broadcast_in_dim3A_716 : vector<1568x8xi1>, vector<1568x8xi32>
    %reduce_min3A = arith.constant dense<2147483647> : vector<1568xi32>
    %reduce_min3A_717 = vector.multi_reduction <minsi>, %select_n3A, %reduce_min3A [1] : vector<1568x8xi32> to vector<1568xi32>
    %broadcast_in_dim3A_718 = vector.shape_cast %reduce_min3A_717 : vector<1568xi32> to vector<1568x1xi32>
    %eq3A_719 = vector.broadcast %broadcast_in_dim3A_718 : vector<1568x1xi32> to vector<1568x8xi32>
    %eq3A_720 = arith.cmpi eq, %iota3A, %eq3A_719 : vector<1568x8xi32>
    %jit3A_721 = arith.constant -1.000000e+00 : f32
    %broadcast_in_dim3A_722 = vector.broadcast %jit3A_721 : f32 to vector<1568x8xf32>
    %select_n3A_723 = arith.select %eq3A_720, %broadcast_in_dim3A_722, %div3A_711 : vector<1568x8xi1>, vector<1568x8xf32>
    %reduce_max3A_724 = arith.constant dense<0xFF800000> : vector<1568xf32>
    %reduce_max3A_725 = vector.multi_reduction <maximumf>, %select_n3A_723, %reduce_max3A_724 [1] : vector<1568x8xf32> to vector<1568xf32>
    %broadcast_in_dim3A_726 = vector.shape_cast %reduce_max3A_725 : vector<1568xf32> to vector<1568x1xf32>
    %eq3A_727 = vector.broadcast %broadcast_in_dim3A_726 : vector<1568x1xf32> to vector<1568x8xf32>
    %eq3A_728 = arith.cmpf oeq, %select_n3A_723, %eq3A_727 : vector<1568x8xf32>
    %jit3A_729 = arith.constant 8 : i32
    %broadcast_in_dim3A_730 = vector.broadcast %jit3A_729 : i32 to vector<1568x8xi32>
    %select_n3A_731 = arith.select %eq3A_728, %iota3A, %broadcast_in_dim3A_730 : vector<1568x8xi1>, vector<1568x8xi32>
    %reduce_min3A_732 = arith.constant dense<2147483647> : vector<1568xi32>
    %reduce_min3A_733 = vector.multi_reduction <minsi>, %select_n3A_731, %reduce_min3A_732 [1] : vector<1568x8xi32> to vector<1568xi32>
    %broadcast_in_dim3A_734 = vector.shape_cast %reduce_min3A_733 : vector<1568xi32> to vector<1568x1xi32>
    %add3A_735 = arith.addf %broadcast_in_dim3A_714, %broadcast_in_dim3A_726 : vector<1568x1xf32>
    %broadcast_in_dim3A_736 = arith.constant 0.000000e+00 : f32
    %broadcast_in_dim3A_737 = vector.broadcast %broadcast_in_dim3A_736 : f32 to vector<480x1xf32>
    %sub3A_738 = arith.constant 1.000000e+00 : f32
    %sub3A_739 = vector.broadcast %sub3A_738 : f32 to vector<480x1xf32>
    %sub3A_740 = arith.subf %broadcast_in_dim3A_737, %sub3A_739 : vector<480x1xf32>
    %concatenate3A_741 = tpu.concatenate %broadcast_in_dim3A_714, %sub3A_740 in 0 : vector<1568x1xf32>, vector<480x1xf32> -> vector<2048x1xf32>
    %broadcast_in_dim3A_742 = arith.constant 0 : i32
    %broadcast_in_dim3A_743 = vector.broadcast %broadcast_in_dim3A_742 : i32 to vector<480x1xi32>
    %concatenate3A_744 = tpu.concatenate %broadcast_in_dim3A_718, %broadcast_in_dim3A_743 in 0 : vector<1568x1xi32>, vector<480x1xi32> -> vector<2048x1xi32>
    %concatenate3A_745 = tpu.concatenate %broadcast_in_dim3A_734, %broadcast_in_dim3A_743 in 0 : vector<1568x1xi32>, vector<480x1xi32> -> vector<2048x1xi32>
    %div3A_746 = arith.divf %broadcast_in_dim3A_714, %add3A_735 : vector<1568x1xf32>
    %concatenate3A_747 = tpu.concatenate %div3A_746, %broadcast_in_dim3A_737 in 0 : vector<1568x1xf32>, vector<480x1xf32> -> vector<2048x1xf32>
    %div3A_748 = arith.divf %broadcast_in_dim3A_726, %add3A_735 : vector<1568x1xf32>
    %concatenate3A_749 = tpu.concatenate %div3A_748, %broadcast_in_dim3A_737 in 0 : vector<1568x1xf32>, vector<480x1xf32> -> vector<2048x1xf32>
    %eq3A_750 = vector.broadcast %broadcast_in_dim3A_718 : vector<1568x1xi32> to vector<1568x8xi32>
    %eq3A_751 = arith.cmpi eq, %iota3A, %eq3A_750 : vector<1568x8xi32>
    %eq3A_752 = vector.broadcast %broadcast_in_dim3A_734 : vector<1568x1xi32> to vector<1568x8xi32>
    %eq3A_753 = arith.cmpi eq, %iota3A, %eq3A_752 : vector<1568x8xi32>
    %or3A = arith.ori %eq3A_751, %eq3A_753 : vector<1568x8xi1>
    %convert_element_type3A = arith.extui %or3A : vector<1568x8xi1> to vector<1568x8xi32>
    %convert_element_type3A_754 = arith.sitofp %convert_element_type3A : vector<1568x8xi32> to vector<1568x8xf32>
    %broadcast_in_dim3A_755 = arith.constant 0.000000e+00 : f32
    %broadcast_in_dim3A_756 = vector.broadcast %broadcast_in_dim3A_755 : f32 to vector<480x8xf32>
    %concatenate3A_757 = tpu.concatenate %convert_element_type3A_754, %broadcast_in_dim3A_756 in 0 : vector<1568x8xf32>, vector<480x8xf32> -> vector<2048x8xf32>
    %transpose3A = tpu.transpose %concatenate3A_741, [1, 0] : vector<2048x1xf32> -> vector<1x2048xf32>
    %slice3A = vector.extract_strided_slice %concatenate3A_741 {offsets = [0, 0], sizes = [128, 1], strides = [1, 1]} : vector<2048x1xf32> to vector<128x1xf32>
    %iota3A_758 = tpu.iota {dimensions = array<i32: 1>} : vector<128x2048xi32>
    %iota3A_759 = tpu.iota {dimensions = array<i32: 0>} : vector<128x2048xi32>
    %add3A_760 = arith.constant 0 : i32
    %add3A_761 = vector.broadcast %add3A_760 : i32 to vector<128x2048xi32>
    %add3A_762 = arith.addi %iota3A_759, %add3A_761 : vector<128x2048xi32>
    %gt3A = vector.broadcast %transpose3A : vector<1x2048xf32> to vector<128x2048xf32>
    %gt3A_763 = vector.broadcast %slice3A : vector<128x1xf32> to vector<128x2048xf32>
    %gt3A_764 = arith.cmpf ogt, %gt3A, %gt3A_763 : vector<128x2048xf32>
    %eq3A_765 = vector.broadcast %transpose3A : vector<1x2048xf32> to vector<128x2048xf32>
    %eq3A_766 = vector.broadcast %slice3A : vector<128x1xf32> to vector<128x2048xf32>
    %eq3A_767 = arith.cmpf oeq, %eq3A_765, %eq3A_766 : vector<128x2048xf32>
    %lt3A = arith.cmpi slt, %iota3A_758, %add3A_762 : vector<128x2048xi32>
    %and3A = arith.andi %eq3A_767, %lt3A : vector<128x2048xi1>
    %or3A_768 = arith.ori %gt3A_764, %and3A : vector<128x2048xi1>
    %jit3A_769 = arith.constant 1.000000e+00 : f32
    %jit3A_770 = arith.constant 0.000000e+00 : f32
    %broadcast_in_dim3A_771 = vector.broadcast %jit3A_769 : f32 to vector<128x2048xf32>
    %broadcast_in_dim3A_772 = vector.broadcast %jit3A_770 : f32 to vector<128x2048xf32>
    %select_n3A_773 = arith.select %or3A_768, %broadcast_in_dim3A_771, %broadcast_in_dim3A_772 : vector<128x2048xi1>, vector<128x2048xf32>
    %dot_general3A_774 = arith.constant dense<0.000000e+00> : vector<128x8xf32>
    %dot_general3A_775 = tpu.matmul %select_n3A_773, %concatenate3A_757, %dot_general3A_774 {dimension_numbers = #tpu.dot_dimension_numbers<[1], [0], [0], [1], [0, 0, 1, 1], [], []>, transpose_lhs_hint = false} : vector<128x2048xf32>, vector<2048x8xf32>, vector<128x8xf32> -> vector<128x8xf32>
    %slice3A_776 = vector.extract_strided_slice %concatenate3A_741 {offsets = [128, 0], sizes = [128, 1], strides = [1, 1]} : vector<2048x1xf32> to vector<128x1xf32>
    %iota3A_777 = tpu.iota {dimensions = array<i32: 1>} : vector<128x2048xi32>
    %iota3A_778 = tpu.iota {dimensions = array<i32: 0>} : vector<128x2048xi32>
    %add3A_779 = arith.constant 128 : i32
    %add3A_780 = vector.broadcast %add3A_779 : i32 to vector<128x2048xi32>
    %add3A_781 = arith.addi %iota3A_778, %add3A_780 : vector<128x2048xi32>
    %gt3A_782 = vector.broadcast %transpose3A : vector<1x2048xf32> to vector<128x2048xf32>
    %gt3A_783 = vector.broadcast %slice3A_776 : vector<128x1xf32> to vector<128x2048xf32>
    %gt3A_784 = arith.cmpf ogt, %gt3A_782, %gt3A_783 : vector<128x2048xf32>
    %eq3A_785 = vector.broadcast %transpose3A : vector<1x2048xf32> to vector<128x2048xf32>
    %eq3A_786 = vector.broadcast %slice3A_776 : vector<128x1xf32> to vector<128x2048xf32>
    %eq3A_787 = arith.cmpf oeq, %eq3A_785, %eq3A_786 : vector<128x2048xf32>
    %lt3A_788 = arith.cmpi slt, %iota3A_777, %add3A_781 : vector<128x2048xi32>
    %and3A_789 = arith.andi %eq3A_787, %lt3A_788 : vector<128x2048xi1>
    %or3A_790 = arith.ori %gt3A_784, %and3A_789 : vector<128x2048xi1>
    %jit3A_791 = arith.constant 1.000000e+00 : f32
    %jit3A_792 = arith.constant 0.000000e+00 : f32
    %broadcast_in_dim3A_793 = vector.broadcast %jit3A_791 : f32 to vector<128x2048xf32>
    %broadcast_in_dim3A_794 = vector.broadcast %jit3A_792 : f32 to vector<128x2048xf32>
    %select_n3A_795 = arith.select %or3A_790, %broadcast_in_dim3A_793, %broadcast_in_dim3A_794 : vector<128x2048xi1>, vector<128x2048xf32>
    %dot_general3A_796 = arith.constant dense<0.000000e+00> : vector<128x8xf32>
    %dot_general3A_797 = tpu.matmul %select_n3A_795, %concatenate3A_757, %dot_general3A_796 {dimension_numbers = #tpu.dot_dimension_numbers<[1], [0], [0], [1], [0, 0, 1, 1], [], []>, transpose_lhs_hint = false} : vector<128x2048xf32>, vector<2048x8xf32>, vector<128x8xf32> -> vector<128x8xf32>
    %slice3A_798 = vector.extract_strided_slice %concatenate3A_741 {offsets = [256, 0], sizes = [128, 1], strides = [1, 1]} : vector<2048x1xf32> to vector<128x1xf32>
    %iota3A_799 = tpu.iota {dimensions = array<i32: 1>} : vector<128x2048xi32>
    %iota3A_800 = tpu.iota {dimensions = array<i32: 0>} : vector<128x2048xi32>
    %add3A_801 = arith.constant 256 : i32
    %add3A_802 = vector.broadcast %add3A_801 : i32 to vector<128x2048xi32>
    %add3A_803 = arith.addi %iota3A_800, %add3A_802 : vector<128x2048xi32>
    %gt3A_804 = vector.broadcast %transpose3A : vector<1x2048xf32> to vector<128x2048xf32>
    %gt3A_805 = vector.broadcast %slice3A_798 : vector<128x1xf32> to vector<128x2048xf32>
    %gt3A_806 = arith.cmpf ogt, %gt3A_804, %gt3A_805 : vector<128x2048xf32>
    %eq3A_807 = vector.broadcast %transpose3A : vector<1x2048xf32> to vector<128x2048xf32>
    %eq3A_808 = vector.broadcast %slice3A_798 : vector<128x1xf32> to vector<128x2048xf32>
    %eq3A_809 = arith.cmpf oeq, %eq3A_807, %eq3A_808 : vector<128x2048xf32>
    %lt3A_810 = arith.cmpi slt, %iota3A_799, %add3A_803 : vector<128x2048xi32>
    %and3A_811 = arith.andi %eq3A_809, %lt3A_810 : vector<128x2048xi1>
    %or3A_812 = arith.ori %gt3A_806, %and3A_811 : vector<128x2048xi1>
    %jit3A_813 = arith.constant 1.000000e+00 : f32
    %jit3A_814 = arith.constant 0.000000e+00 : f32
    %broadcast_in_dim3A_815 = vector.broadcast %jit3A_813 : f32 to vector<128x2048xf32>
    %broadcast_in_dim3A_816 = vector.broadcast %jit3A_814 : f32 to vector<128x2048xf32>
    %select_n3A_817 = arith.select %or3A_812, %broadcast_in_dim3A_815, %broadcast_in_dim3A_816 : vector<128x2048xi1>, vector<128x2048xf32>
    %dot_general3A_818 = arith.constant dense<0.000000e+00> : vector<128x8xf32>
    %dot_general3A_819 = tpu.matmul %select_n3A_817, %concatenate3A_757, %dot_general3A_818 {dimension_numbers = #tpu.dot_dimension_numbers<[1], [0], [0], [1], [0, 0, 1, 1], [], []>, transpose_lhs_hint = false} : vector<128x2048xf32>, vector<2048x8xf32>, vector<128x8xf32> -> vector<128x8xf32>
    %slice3A_820 = vector.extract_strided_slice %concatenate3A_741 {offsets = [384, 0], sizes = [128, 1], strides = [1, 1]} : vector<2048x1xf32> to vector<128x1xf32>
    %iota3A_821 = tpu.iota {dimensions = array<i32: 1>} : vector<128x2048xi32>
    %iota3A_822 = tpu.iota {dimensions = array<i32: 0>} : vector<128x2048xi32>
    %add3A_823 = arith.constant 384 : i32
    %add3A_824 = vector.broadcast %add3A_823 : i32 to vector<128x2048xi32>
    %add3A_825 = arith.addi %iota3A_822, %add3A_824 : vector<128x2048xi32>
    %gt3A_826 = vector.broadcast %transpose3A : vector<1x2048xf32> to vector<128x2048xf32>
    %gt3A_827 = vector.broadcast %slice3A_820 : vector<128x1xf32> to vector<128x2048xf32>
    %gt3A_828 = arith.cmpf ogt, %gt3A_826, %gt3A_827 : vector<128x2048xf32>
    %eq3A_829 = vector.broadcast %transpose3A : vector<1x2048xf32> to vector<128x2048xf32>
    %eq3A_830 = vector.broadcast %slice3A_820 : vector<128x1xf32> to vector<128x2048xf32>
    %eq3A_831 = arith.cmpf oeq, %eq3A_829, %eq3A_830 : vector<128x2048xf32>
    %lt3A_832 = arith.cmpi slt, %iota3A_821, %add3A_825 : vector<128x2048xi32>
    %and3A_833 = arith.andi %eq3A_831, %lt3A_832 : vector<128x2048xi1>
    %or3A_834 = arith.ori %gt3A_828, %and3A_833 : vector<128x2048xi1>
    %jit3A_835 = arith.constant 1.000000e+00 : f32
    %jit3A_836 = arith.constant 0.000000e+00 : f32
    %broadcast_in_dim3A_837 = vector.broadcast %jit3A_835 : f32 to vector<128x2048xf32>
    %broadcast_in_dim3A_838 = vector.broadcast %jit3A_836 : f32 to vector<128x2048xf32>
    %select_n3A_839 = arith.select %or3A_834, %broadcast_in_dim3A_837, %broadcast_in_dim3A_838 : vector<128x2048xi1>, vector<128x2048xf32>
    %dot_general3A_840 = arith.constant dense<0.000000e+00> : vector<128x8xf32>
    %dot_general3A_841 = tpu.matmul %select_n3A_839, %concatenate3A_757, %dot_general3A_840 {dimension_numbers = #tpu.dot_dimension_numbers<[1], [0], [0], [1], [0, 0, 1, 1], [], []>, transpose_lhs_hint = false} : vector<128x2048xf32>, vector<2048x8xf32>, vector<128x8xf32> -> vector<128x8xf32>
    %slice3A_842 = vector.extract_strided_slice %concatenate3A_741 {offsets = [512, 0], sizes = [128, 1], strides = [1, 1]} : vector<2048x1xf32> to vector<128x1xf32>
    %iota3A_843 = tpu.iota {dimensions = array<i32: 1>} : vector<128x2048xi32>
    %iota3A_844 = tpu.iota {dimensions = array<i32: 0>} : vector<128x2048xi32>
    %add3A_845 = arith.constant 512 : i32
    %add3A_846 = vector.broadcast %add3A_845 : i32 to vector<128x2048xi32>
    %add3A_847 = arith.addi %iota3A_844, %add3A_846 : vector<128x2048xi32>
    %gt3A_848 = vector.broadcast %transpose3A : vector<1x2048xf32> to vector<128x2048xf32>
    %gt3A_849 = vector.broadcast %slice3A_842 : vector<128x1xf32> to vector<128x2048xf32>
    %gt3A_850 = arith.cmpf ogt, %gt3A_848, %gt3A_849 : vector<128x2048xf32>
    %eq3A_851 = vector.broadcast %transpose3A : vector<1x2048xf32> to vector<128x2048xf32>
    %eq3A_852 = vector.broadcast %slice3A_842 : vector<128x1xf32> to vector<128x2048xf32>
    %eq3A_853 = arith.cmpf oeq, %eq3A_851, %eq3A_852 : vector<128x2048xf32>
    %lt3A_854 = arith.cmpi slt, %iota3A_843, %add3A_847 : vector<128x2048xi32>
    %and3A_855 = arith.andi %eq3A_853, %lt3A_854 : vector<128x2048xi1>
    %or3A_856 = arith.ori %gt3A_850, %and3A_855 : vector<128x2048xi1>
    %jit3A_857 = arith.constant 1.000000e+00 : f32
    %jit3A_858 = arith.constant 0.000000e+00 : f32
    %broadcast_in_dim3A_859 = vector.broadcast %jit3A_857 : f32 to vector<128x2048xf32>
    %broadcast_in_dim3A_860 = vector.broadcast %jit3A_858 : f32 to vector<128x2048xf32>
    %select_n3A_861 = arith.select %or3A_856, %broadcast_in_dim3A_859, %broadcast_in_dim3A_860 : vector<128x2048xi1>, vector<128x2048xf32>
    %dot_general3A_862 = arith.constant dense<0.000000e+00> : vector<128x8xf32>
    %dot_general3A_863 = tpu.matmul %select_n3A_861, %concatenate3A_757, %dot_general3A_862 {dimension_numbers = #tpu.dot_dimension_numbers<[1], [0], [0], [1], [0, 0, 1, 1], [], []>, transpose_lhs_hint = false} : vector<128x2048xf32>, vector<2048x8xf32>, vector<128x8xf32> -> vector<128x8xf32>
    %slice3A_864 = vector.extract_strided_slice %concatenate3A_741 {offsets = [640, 0], sizes = [128, 1], strides = [1, 1]} : vector<2048x1xf32> to vector<128x1xf32>
    %iota3A_865 = tpu.iota {dimensions = array<i32: 1>} : vector<128x2048xi32>
    %iota3A_866 = tpu.iota {dimensions = array<i32: 0>} : vector<128x2048xi32>
    %add3A_867 = arith.constant 640 : i32
    %add3A_868 = vector.broadcast %add3A_867 : i32 to vector<128x2048xi32>
    %add3A_869 = arith.addi %iota3A_866, %add3A_868 : vector<128x2048xi32>
    %gt3A_870 = vector.broadcast %transpose3A : vector<1x2048xf32> to vector<128x2048xf32>
    %gt3A_871 = vector.broadcast %slice3A_864 : vector<128x1xf32> to vector<128x2048xf32>
    %gt3A_872 = arith.cmpf ogt, %gt3A_870, %gt3A_871 : vector<128x2048xf32>
    %eq3A_873 = vector.broadcast %transpose3A : vector<1x2048xf32> to vector<128x2048xf32>
    %eq3A_874 = vector.broadcast %slice3A_864 : vector<128x1xf32> to vector<128x2048xf32>
    %eq3A_875 = arith.cmpf oeq, %eq3A_873, %eq3A_874 : vector<128x2048xf32>
    %lt3A_876 = arith.cmpi slt, %iota3A_865, %add3A_869 : vector<128x2048xi32>
    %and3A_877 = arith.andi %eq3A_875, %lt3A_876 : vector<128x2048xi1>
    %or3A_878 = arith.ori %gt3A_872, %and3A_877 : vector<128x2048xi1>
    %jit3A_879 = arith.constant 1.000000e+00 : f32
    %jit3A_880 = arith.constant 0.000000e+00 : f32
    %broadcast_in_dim3A_881 = vector.broadcast %jit3A_879 : f32 to vector<128x2048xf32>
    %broadcast_in_dim3A_882 = vector.broadcast %jit3A_880 : f32 to vector<128x2048xf32>
    %select_n3A_883 = arith.select %or3A_878, %broadcast_in_dim3A_881, %broadcast_in_dim3A_882 : vector<128x2048xi1>, vector<128x2048xf32>
    %dot_general3A_884 = arith.constant dense<0.000000e+00> : vector<128x8xf32>
    %dot_general3A_885 = tpu.matmul %select_n3A_883, %concatenate3A_757, %dot_general3A_884 {dimension_numbers = #tpu.dot_dimension_numbers<[1], [0], [0], [1], [0, 0, 1, 1], [], []>, transpose_lhs_hint = false} : vector<128x2048xf32>, vector<2048x8xf32>, vector<128x8xf32> -> vector<128x8xf32>
    %slice3A_886 = vector.extract_strided_slice %concatenate3A_741 {offsets = [768, 0], sizes = [128, 1], strides = [1, 1]} : vector<2048x1xf32> to vector<128x1xf32>
    %iota3A_887 = tpu.iota {dimensions = array<i32: 1>} : vector<128x2048xi32>
    %iota3A_888 = tpu.iota {dimensions = array<i32: 0>} : vector<128x2048xi32>
    %add3A_889 = arith.constant 768 : i32
    %add3A_890 = vector.broadcast %add3A_889 : i32 to vector<128x2048xi32>
    %add3A_891 = arith.addi %iota3A_888, %add3A_890 : vector<128x2048xi32>
    %gt3A_892 = vector.broadcast %transpose3A : vector<1x2048xf32> to vector<128x2048xf32>
    %gt3A_893 = vector.broadcast %slice3A_886 : vector<128x1xf32> to vector<128x2048xf32>
    %gt3A_894 = arith.cmpf ogt, %gt3A_892, %gt3A_893 : vector<128x2048xf32>
    %eq3A_895 = vector.broadcast %transpose3A : vector<1x2048xf32> to vector<128x2048xf32>
    %eq3A_896 = vector.broadcast %slice3A_886 : vector<128x1xf32> to vector<128x2048xf32>
    %eq3A_897 = arith.cmpf oeq, %eq3A_895, %eq3A_896 : vector<128x2048xf32>
    %lt3A_898 = arith.cmpi slt, %iota3A_887, %add3A_891 : vector<128x2048xi32>
    %and3A_899 = arith.andi %eq3A_897, %lt3A_898 : vector<128x2048xi1>
    %or3A_900 = arith.ori %gt3A_894, %and3A_899 : vector<128x2048xi1>
    %jit3A_901 = arith.constant 1.000000e+00 : f32
    %jit3A_902 = arith.constant 0.000000e+00 : f32
    %broadcast_in_dim3A_903 = vector.broadcast %jit3A_901 : f32 to vector<128x2048xf32>
    %broadcast_in_dim3A_904 = vector.broadcast %jit3A_902 : f32 to vector<128x2048xf32>
    %select_n3A_905 = arith.select %or3A_900, %broadcast_in_dim3A_903, %broadcast_in_dim3A_904 : vector<128x2048xi1>, vector<128x2048xf32>
    %dot_general3A_906 = arith.constant dense<0.000000e+00> : vector<128x8xf32>
    %dot_general3A_907 = tpu.matmul %select_n3A_905, %concatenate3A_757, %dot_general3A_906 {dimension_numbers = #tpu.dot_dimension_numbers<[1], [0], [0], [1], [0, 0, 1, 1], [], []>, transpose_lhs_hint = false} : vector<128x2048xf32>, vector<2048x8xf32>, vector<128x8xf32> -> vector<128x8xf32>
    %slice3A_908 = vector.extract_strided_slice %concatenate3A_741 {offsets = [896, 0], sizes = [128, 1], strides = [1, 1]} : vector<2048x1xf32> to vector<128x1xf32>
    %iota3A_909 = tpu.iota {dimensions = array<i32: 1>} : vector<128x2048xi32>
    %iota3A_910 = tpu.iota {dimensions = array<i32: 0>} : vector<128x2048xi32>
    %add3A_911 = arith.constant 896 : i32
    %add3A_912 = vector.broadcast %add3A_911 : i32 to vector<128x2048xi32>
    %add3A_913 = arith.addi %iota3A_910, %add3A_912 : vector<128x2048xi32>
    %gt3A_914 = vector.broadcast %transpose3A : vector<1x2048xf32> to vector<128x2048xf32>
    %gt3A_915 = vector.broadcast %slice3A_908 : vector<128x1xf32> to vector<128x2048xf32>
    %gt3A_916 = arith.cmpf ogt, %gt3A_914, %gt3A_915 : vector<128x2048xf32>
    %eq3A_917 = vector.broadcast %transpose3A : vector<1x2048xf32> to vector<128x2048xf32>
    %eq3A_918 = vector.broadcast %slice3A_908 : vector<128x1xf32> to vector<128x2048xf32>
    %eq3A_919 = arith.cmpf oeq, %eq3A_917, %eq3A_918 : vector<128x2048xf32>
    %lt3A_920 = arith.cmpi slt, %iota3A_909, %add3A_913 : vector<128x2048xi32>
    %and3A_921 = arith.andi %eq3A_919, %lt3A_920 : vector<128x2048xi1>
    %or3A_922 = arith.ori %gt3A_916, %and3A_921 : vector<128x2048xi1>
    %jit3A_923 = arith.constant 1.000000e+00 : f32
    %jit3A_924 = arith.constant 0.000000e+00 : f32
    %broadcast_in_dim3A_925 = vector.broadcast %jit3A_923 : f32 to vector<128x2048xf32>
    %broadcast_in_dim3A_926 = vector.broadcast %jit3A_924 : f32 to vector<128x2048xf32>
    %select_n3A_927 = arith.select %or3A_922, %broadcast_in_dim3A_925, %broadcast_in_dim3A_926 : vector<128x2048xi1>, vector<128x2048xf32>
    %dot_general3A_928 = arith.constant dense<0.000000e+00> : vector<128x8xf32>
    %dot_general3A_929 = tpu.matmul %select_n3A_927, %concatenate3A_757, %dot_general3A_928 {dimension_numbers = #tpu.dot_dimension_numbers<[1], [0], [0], [1], [0, 0, 1, 1], [], []>, transpose_lhs_hint = false} : vector<128x2048xf32>, vector<2048x8xf32>, vector<128x8xf32> -> vector<128x8xf32>
    %slice3A_930 = vector.extract_strided_slice %concatenate3A_741 {offsets = [1024, 0], sizes = [128, 1], strides = [1, 1]} : vector<2048x1xf32> to vector<128x1xf32>
    %iota3A_931 = tpu.iota {dimensions = array<i32: 1>} : vector<128x2048xi32>
    %iota3A_932 = tpu.iota {dimensions = array<i32: 0>} : vector<128x2048xi32>
    %add3A_933 = arith.constant 1024 : i32
    %add3A_934 = vector.broadcast %add3A_933 : i32 to vector<128x2048xi32>
    %add3A_935 = arith.addi %iota3A_932, %add3A_934 : vector<128x2048xi32>
    %gt3A_936 = vector.broadcast %transpose3A : vector<1x2048xf32> to vector<128x2048xf32>
    %gt3A_937 = vector.broadcast %slice3A_930 : vector<128x1xf32> to vector<128x2048xf32>
    %gt3A_938 = arith.cmpf ogt, %gt3A_936, %gt3A_937 : vector<128x2048xf32>
    %eq3A_939 = vector.broadcast %transpose3A : vector<1x2048xf32> to vector<128x2048xf32>
    %eq3A_940 = vector.broadcast %slice3A_930 : vector<128x1xf32> to vector<128x2048xf32>
    %eq3A_941 = arith.cmpf oeq, %eq3A_939, %eq3A_940 : vector<128x2048xf32>
    %lt3A_942 = arith.cmpi slt, %iota3A_931, %add3A_935 : vector<128x2048xi32>
    %and3A_943 = arith.andi %eq3A_941, %lt3A_942 : vector<128x2048xi1>
    %or3A_944 = arith.ori %gt3A_938, %and3A_943 : vector<128x2048xi1>
    %jit3A_945 = arith.constant 1.000000e+00 : f32
    %jit3A_946 = arith.constant 0.000000e+00 : f32
    %broadcast_in_dim3A_947 = vector.broadcast %jit3A_945 : f32 to vector<128x2048xf32>
    %broadcast_in_dim3A_948 = vector.broadcast %jit3A_946 : f32 to vector<128x2048xf32>
    %select_n3A_949 = arith.select %or3A_944, %broadcast_in_dim3A_947, %broadcast_in_dim3A_948 : vector<128x2048xi1>, vector<128x2048xf32>
    %dot_general3A_950 = arith.constant dense<0.000000e+00> : vector<128x8xf32>
    %dot_general3A_951 = tpu.matmul %select_n3A_949, %concatenate3A_757, %dot_general3A_950 {dimension_numbers = #tpu.dot_dimension_numbers<[1], [0], [0], [1], [0, 0, 1, 1], [], []>, transpose_lhs_hint = false} : vector<128x2048xf32>, vector<2048x8xf32>, vector<128x8xf32> -> vector<128x8xf32>
    %slice3A_952 = vector.extract_strided_slice %concatenate3A_741 {offsets = [1152, 0], sizes = [128, 1], strides = [1, 1]} : vector<2048x1xf32> to vector<128x1xf32>
    %iota3A_953 = tpu.iota {dimensions = array<i32: 1>} : vector<128x2048xi32>
    %iota3A_954 = tpu.iota {dimensions = array<i32: 0>} : vector<128x2048xi32>
    %add3A_955 = arith.constant 1152 : i32
    %add3A_956 = vector.broadcast %add3A_955 : i32 to vector<128x2048xi32>
    %add3A_957 = arith.addi %iota3A_954, %add3A_956 : vector<128x2048xi32>
    %gt3A_958 = vector.broadcast %transpose3A : vector<1x2048xf32> to vector<128x2048xf32>
    %gt3A_959 = vector.broadcast %slice3A_952 : vector<128x1xf32> to vector<128x2048xf32>
    %gt3A_960 = arith.cmpf ogt, %gt3A_958, %gt3A_959 : vector<128x2048xf32>
    %eq3A_961 = vector.broadcast %transpose3A : vector<1x2048xf32> to vector<128x2048xf32>
    %eq3A_962 = vector.broadcast %slice3A_952 : vector<128x1xf32> to vector<128x2048xf32>
    %eq3A_963 = arith.cmpf oeq, %eq3A_961, %eq3A_962 : vector<128x2048xf32>
    %lt3A_964 = arith.cmpi slt, %iota3A_953, %add3A_957 : vector<128x2048xi32>
    %and3A_965 = arith.andi %eq3A_963, %lt3A_964 : vector<128x2048xi1>
    %or3A_966 = arith.ori %gt3A_960, %and3A_965 : vector<128x2048xi1>
    %jit3A_967 = arith.constant 1.000000e+00 : f32
    %jit3A_968 = arith.constant 0.000000e+00 : f32
    %broadcast_in_dim3A_969 = vector.broadcast %jit3A_967 : f32 to vector<128x2048xf32>
    %broadcast_in_dim3A_970 = vector.broadcast %jit3A_968 : f32 to vector<128x2048xf32>
    %select_n3A_971 = arith.select %or3A_966, %broadcast_in_dim3A_969, %broadcast_in_dim3A_970 : vector<128x2048xi1>, vector<128x2048xf32>
    %dot_general3A_972 = arith.constant dense<0.000000e+00> : vector<128x8xf32>
    %dot_general3A_973 = tpu.matmul %select_n3A_971, %concatenate3A_757, %dot_general3A_972 {dimension_numbers = #tpu.dot_dimension_numbers<[1], [0], [0], [1], [0, 0, 1, 1], [], []>, transpose_lhs_hint = false} : vector<128x2048xf32>, vector<2048x8xf32>, vector<128x8xf32> -> vector<128x8xf32>
    %slice3A_974 = vector.extract_strided_slice %concatenate3A_741 {offsets = [1280, 0], sizes = [128, 1], strides = [1, 1]} : vector<2048x1xf32> to vector<128x1xf32>
    %iota3A_975 = tpu.iota {dimensions = array<i32: 1>} : vector<128x2048xi32>
    %iota3A_976 = tpu.iota {dimensions = array<i32: 0>} : vector<128x2048xi32>
    %add3A_977 = arith.constant 1280 : i32
    %add3A_978 = vector.broadcast %add3A_977 : i32 to vector<128x2048xi32>
    %add3A_979 = arith.addi %iota3A_976, %add3A_978 : vector<128x2048xi32>
    %gt3A_980 = vector.broadcast %transpose3A : vector<1x2048xf32> to vector<128x2048xf32>
    %gt3A_981 = vector.broadcast %slice3A_974 : vector<128x1xf32> to vector<128x2048xf32>
    %gt3A_982 = arith.cmpf ogt, %gt3A_980, %gt3A_981 : vector<128x2048xf32>
    %eq3A_983 = vector.broadcast %transpose3A : vector<1x2048xf32> to vector<128x2048xf32>
    %eq3A_984 = vector.broadcast %slice3A_974 : vector<128x1xf32> to vector<128x2048xf32>
    %eq3A_985 = arith.cmpf oeq, %eq3A_983, %eq3A_984 : vector<128x2048xf32>
    %lt3A_986 = arith.cmpi slt, %iota3A_975, %add3A_979 : vector<128x2048xi32>
    %and3A_987 = arith.andi %eq3A_985, %lt3A_986 : vector<128x2048xi1>
    %or3A_988 = arith.ori %gt3A_982, %and3A_987 : vector<128x2048xi1>
    %jit3A_989 = arith.constant 1.000000e+00 : f32
    %jit3A_990 = arith.constant 0.000000e+00 : f32
    %broadcast_in_dim3A_991 = vector.broadcast %jit3A_989 : f32 to vector<128x2048xf32>
    %broadcast_in_dim3A_992 = vector.broadcast %jit3A_990 : f32 to vector<128x2048xf32>
    %select_n3A_993 = arith.select %or3A_988, %broadcast_in_dim3A_991, %broadcast_in_dim3A_992 : vector<128x2048xi1>, vector<128x2048xf32>
    %dot_general3A_994 = arith.constant dense<0.000000e+00> : vector<128x8xf32>
    %dot_general3A_995 = tpu.matmul %select_n3A_993, %concatenate3A_757, %dot_general3A_994 {dimension_numbers = #tpu.dot_dimension_numbers<[1], [0], [0], [1], [0, 0, 1, 1], [], []>, transpose_lhs_hint = false} : vector<128x2048xf32>, vector<2048x8xf32>, vector<128x8xf32> -> vector<128x8xf32>
    %slice3A_996 = vector.extract_strided_slice %concatenate3A_741 {offsets = [1408, 0], sizes = [128, 1], strides = [1, 1]} : vector<2048x1xf32> to vector<128x1xf32>
    %iota3A_997 = tpu.iota {dimensions = array<i32: 1>} : vector<128x2048xi32>
    %iota3A_998 = tpu.iota {dimensions = array<i32: 0>} : vector<128x2048xi32>
    %add3A_999 = arith.constant 1408 : i32
    %add3A_1000 = vector.broadcast %add3A_999 : i32 to vector<128x2048xi32>
    %add3A_1001 = arith.addi %iota3A_998, %add3A_1000 : vector<128x2048xi32>
    %gt3A_1002 = vector.broadcast %transpose3A : vector<1x2048xf32> to vector<128x2048xf32>
    %gt3A_1003 = vector.broadcast %slice3A_996 : vector<128x1xf32> to vector<128x2048xf32>
    %gt3A_1004 = arith.cmpf ogt, %gt3A_1002, %gt3A_1003 : vector<128x2048xf32>
    %eq3A_1005 = vector.broadcast %transpose3A : vector<1x2048xf32> to vector<128x2048xf32>
    %eq3A_1006 = vector.broadcast %slice3A_996 : vector<128x1xf32> to vector<128x2048xf32>
    %eq3A_1007 = arith.cmpf oeq, %eq3A_1005, %eq3A_1006 : vector<128x2048xf32>
    %lt3A_1008 = arith.cmpi slt, %iota3A_997, %add3A_1001 : vector<128x2048xi32>
    %and3A_1009 = arith.andi %eq3A_1007, %lt3A_1008 : vector<128x2048xi1>
    %or3A_1010 = arith.ori %gt3A_1004, %and3A_1009 : vector<128x2048xi1>
    %jit3A_1011 = arith.constant 1.000000e+00 : f32
    %jit3A_1012 = arith.constant 0.000000e+00 : f32
    %broadcast_in_dim3A_1013 = vector.broadcast %jit3A_1011 : f32 to vector<128x2048xf32>
    %broadcast_in_dim3A_1014 = vector.broadcast %jit3A_1012 : f32 to vector<128x2048xf32>
    %select_n3A_1015 = arith.select %or3A_1010, %broadcast_in_dim3A_1013, %broadcast_in_dim3A_1014 : vector<128x2048xi1>, vector<128x2048xf32>
    %dot_general3A_1016 = arith.constant dense<0.000000e+00> : vector<128x8xf32>
    %dot_general3A_1017 = tpu.matmul %select_n3A_1015, %concatenate3A_757, %dot_general3A_1016 {dimension_numbers = #tpu.dot_dimension_numbers<[1], [0], [0], [1], [0, 0, 1, 1], [], []>, transpose_lhs_hint = false} : vector<128x2048xf32>, vector<2048x8xf32>, vector<128x8xf32> -> vector<128x8xf32>
    %slice3A_1018 = vector.extract_strided_slice %concatenate3A_741 {offsets = [1536, 0], sizes = [128, 1], strides = [1, 1]} : vector<2048x1xf32> to vector<128x1xf32>
    %iota3A_1019 = tpu.iota {dimensions = array<i32: 1>} : vector<128x2048xi32>
    %iota3A_1020 = tpu.iota {dimensions = array<i32: 0>} : vector<128x2048xi32>
    %add3A_1021 = arith.constant 1536 : i32
    %add3A_1022 = vector.broadcast %add3A_1021 : i32 to vector<128x2048xi32>
    %add3A_1023 = arith.addi %iota3A_1020, %add3A_1022 : vector<128x2048xi32>
    %gt3A_1024 = vector.broadcast %transpose3A : vector<1x2048xf32> to vector<128x2048xf32>
    %gt3A_1025 = vector.broadcast %slice3A_1018 : vector<128x1xf32> to vector<128x2048xf32>
    %gt3A_1026 = arith.cmpf ogt, %gt3A_1024, %gt3A_1025 : vector<128x2048xf32>
    %eq3A_1027 = vector.broadcast %transpose3A : vector<1x2048xf32> to vector<128x2048xf32>
    %eq3A_1028 = vector.broadcast %slice3A_1018 : vector<128x1xf32> to vector<128x2048xf32>
    %eq3A_1029 = arith.cmpf oeq, %eq3A_1027, %eq3A_1028 : vector<128x2048xf32>
    %lt3A_1030 = arith.cmpi slt, %iota3A_1019, %add3A_1023 : vector<128x2048xi32>
    %and3A_1031 = arith.andi %eq3A_1029, %lt3A_1030 : vector<128x2048xi1>
    %or3A_1032 = arith.ori %gt3A_1026, %and3A_1031 : vector<128x2048xi1>
    %jit3A_1033 = arith.constant 1.000000e+00 : f32
    %jit3A_1034 = arith.constant 0.000000e+00 : f32
    %broadcast_in_dim3A_1035 = vector.broadcast %jit3A_1033 : f32 to vector<128x2048xf32>
    %broadcast_in_dim3A_1036 = vector.broadcast %jit3A_1034 : f32 to vector<128x2048xf32>
    %select_n3A_1037 = arith.select %or3A_1032, %broadcast_in_dim3A_1035, %broadcast_in_dim3A_1036 : vector<128x2048xi1>, vector<128x2048xf32>
    %dot_general3A_1038 = arith.constant dense<0.000000e+00> : vector<128x8xf32>
    %dot_general3A_1039 = tpu.matmul %select_n3A_1037, %concatenate3A_757, %dot_general3A_1038 {dimension_numbers = #tpu.dot_dimension_numbers<[1], [0], [0], [1], [0, 0, 1, 1], [], []>, transpose_lhs_hint = false} : vector<128x2048xf32>, vector<2048x8xf32>, vector<128x8xf32> -> vector<128x8xf32>
    %slice3A_1040 = vector.extract_strided_slice %concatenate3A_741 {offsets = [1664, 0], sizes = [128, 1], strides = [1, 1]} : vector<2048x1xf32> to vector<128x1xf32>
    %iota3A_1041 = tpu.iota {dimensions = array<i32: 1>} : vector<128x2048xi32>
    %iota3A_1042 = tpu.iota {dimensions = array<i32: 0>} : vector<128x2048xi32>
    %add3A_1043 = arith.constant 1664 : i32
    %add3A_1044 = vector.broadcast %add3A_1043 : i32 to vector<128x2048xi32>
    %add3A_1045 = arith.addi %iota3A_1042, %add3A_1044 : vector<128x2048xi32>
    %gt3A_1046 = vector.broadcast %transpose3A : vector<1x2048xf32> to vector<128x2048xf32>
    %gt3A_1047 = vector.broadcast %slice3A_1040 : vector<128x1xf32> to vector<128x2048xf32>
    %gt3A_1048 = arith.cmpf ogt, %gt3A_1046, %gt3A_1047 : vector<128x2048xf32>
    %eq3A_1049 = vector.broadcast %transpose3A : vector<1x2048xf32> to vector<128x2048xf32>
    %eq3A_1050 = vector.broadcast %slice3A_1040 : vector<128x1xf32> to vector<128x2048xf32>
    %eq3A_1051 = arith.cmpf oeq, %eq3A_1049, %eq3A_1050 : vector<128x2048xf32>
    %lt3A_1052 = arith.cmpi slt, %iota3A_1041, %add3A_1045 : vector<128x2048xi32>
    %and3A_1053 = arith.andi %eq3A_1051, %lt3A_1052 : vector<128x2048xi1>
    %or3A_1054 = arith.ori %gt3A_1048, %and3A_1053 : vector<128x2048xi1>
    %jit3A_1055 = arith.constant 1.000000e+00 : f32
    %jit3A_1056 = arith.constant 0.000000e+00 : f32
    %broadcast_in_dim3A_1057 = vector.broadcast %jit3A_1055 : f32 to vector<128x2048xf32>
    %broadcast_in_dim3A_1058 = vector.broadcast %jit3A_1056 : f32 to vector<128x2048xf32>
    %select_n3A_1059 = arith.select %or3A_1054, %broadcast_in_dim3A_1057, %broadcast_in_dim3A_1058 : vector<128x2048xi1>, vector<128x2048xf32>
    %dot_general3A_1060 = arith.constant dense<0.000000e+00> : vector<128x8xf32>
    %dot_general3A_1061 = tpu.matmul %select_n3A_1059, %concatenate3A_757, %dot_general3A_1060 {dimension_numbers = #tpu.dot_dimension_numbers<[1], [0], [0], [1], [0, 0, 1, 1], [], []>, transpose_lhs_hint = false} : vector<128x2048xf32>, vector<2048x8xf32>, vector<128x8xf32> -> vector<128x8xf32>
    %slice3A_1062 = vector.extract_strided_slice %concatenate3A_741 {offsets = [1792, 0], sizes = [128, 1], strides = [1, 1]} : vector<2048x1xf32> to vector<128x1xf32>
    %iota3A_1063 = tpu.iota {dimensions = array<i32: 1>} : vector<128x2048xi32>
    %iota3A_1064 = tpu.iota {dimensions = array<i32: 0>} : vector<128x2048xi32>
    %add3A_1065 = arith.constant 1792 : i32
    %add3A_1066 = vector.broadcast %add3A_1065 : i32 to vector<128x2048xi32>
    %add3A_1067 = arith.addi %iota3A_1064, %add3A_1066 : vector<128x2048xi32>
    %gt3A_1068 = vector.broadcast %transpose3A : vector<1x2048xf32> to vector<128x2048xf32>
    %gt3A_1069 = vector.broadcast %slice3A_1062 : vector<128x1xf32> to vector<128x2048xf32>
    %gt3A_1070 = arith.cmpf ogt, %gt3A_1068, %gt3A_1069 : vector<128x2048xf32>
    %eq3A_1071 = vector.broadcast %transpose3A : vector<1x2048xf32> to vector<128x2048xf32>
    %eq3A_1072 = vector.broadcast %slice3A_1062 : vector<128x1xf32> to vector<128x2048xf32>
    %eq3A_1073 = arith.cmpf oeq, %eq3A_1071, %eq3A_1072 : vector<128x2048xf32>
    %lt3A_1074 = arith.cmpi slt, %iota3A_1063, %add3A_1067 : vector<128x2048xi32>
    %and3A_1075 = arith.andi %eq3A_1073, %lt3A_1074 : vector<128x2048xi1>
    %or3A_1076 = arith.ori %gt3A_1070, %and3A_1075 : vector<128x2048xi1>
    %jit3A_1077 = arith.constant 1.000000e+00 : f32
    %jit3A_1078 = arith.constant 0.000000e+00 : f32
    %broadcast_in_dim3A_1079 = vector.broadcast %jit3A_1077 : f32 to vector<128x2048xf32>
    %broadcast_in_dim3A_1080 = vector.broadcast %jit3A_1078 : f32 to vector<128x2048xf32>
    %select_n3A_1081 = arith.select %or3A_1076, %broadcast_in_dim3A_1079, %broadcast_in_dim3A_1080 : vector<128x2048xi1>, vector<128x2048xf32>
    %dot_general3A_1082 = arith.constant dense<0.000000e+00> : vector<128x8xf32>
    %dot_general3A_1083 = tpu.matmul %select_n3A_1081, %concatenate3A_757, %dot_general3A_1082 {dimension_numbers = #tpu.dot_dimension_numbers<[1], [0], [0], [1], [0, 0, 1, 1], [], []>, transpose_lhs_hint = false} : vector<128x2048xf32>, vector<2048x8xf32>, vector<128x8xf32> -> vector<128x8xf32>
    %slice3A_1084 = vector.extract_strided_slice %concatenate3A_741 {offsets = [1920, 0], sizes = [128, 1], strides = [1, 1]} : vector<2048x1xf32> to vector<128x1xf32>
    %iota3A_1085 = tpu.iota {dimensions = array<i32: 1>} : vector<128x2048xi32>
    %iota3A_1086 = tpu.iota {dimensions = array<i32: 0>} : vector<128x2048xi32>
    %add3A_1087 = arith.constant 1920 : i32
    %add3A_1088 = vector.broadcast %add3A_1087 : i32 to vector<128x2048xi32>
    %add3A_1089 = arith.addi %iota3A_1086, %add3A_1088 : vector<128x2048xi32>
    %gt3A_1090 = vector.broadcast %transpose3A : vector<1x2048xf32> to vector<128x2048xf32>
    %gt3A_1091 = vector.broadcast %slice3A_1084 : vector<128x1xf32> to vector<128x2048xf32>
    %gt3A_1092 = arith.cmpf ogt, %gt3A_1090, %gt3A_1091 : vector<128x2048xf32>
    %eq3A_1093 = vector.broadcast %transpose3A : vector<1x2048xf32> to vector<128x2048xf32>
    %eq3A_1094 = vector.broadcast %slice3A_1084 : vector<128x1xf32> to vector<128x2048xf32>
    %eq3A_1095 = arith.cmpf oeq, %eq3A_1093, %eq3A_1094 : vector<128x2048xf32>
    %lt3A_1096 = arith.cmpi slt, %iota3A_1085, %add3A_1089 : vector<128x2048xi32>
    %and3A_1097 = arith.andi %eq3A_1095, %lt3A_1096 : vector<128x2048xi1>
    %or3A_1098 = arith.ori %gt3A_1092, %and3A_1097 : vector<128x2048xi1>
    %jit3A_1099 = arith.constant 1.000000e+00 : f32
    %jit3A_1100 = arith.constant 0.000000e+00 : f32
    %broadcast_in_dim3A_1101 = vector.broadcast %jit3A_1099 : f32 to vector<128x2048xf32>
    %broadcast_in_dim3A_1102 = vector.broadcast %jit3A_1100 : f32 to vector<128x2048xf32>
    %select_n3A_1103 = arith.select %or3A_1098, %broadcast_in_dim3A_1101, %broadcast_in_dim3A_1102 : vector<128x2048xi1>, vector<128x2048xf32>
    %dot_general3A_1104 = arith.constant dense<0.000000e+00> : vector<128x8xf32>
    %dot_general3A_1105 = tpu.matmul %select_n3A_1103, %concatenate3A_757, %dot_general3A_1104 {dimension_numbers = #tpu.dot_dimension_numbers<[1], [0], [0], [1], [0, 0, 1, 1], [], []>, transpose_lhs_hint = false} : vector<128x2048xf32>, vector<2048x8xf32>, vector<128x8xf32> -> vector<128x8xf32>
    %concatenate3A_1106 = tpu.concatenate %dot_general3A_775, %dot_general3A_797, %dot_general3A_819, %dot_general3A_841, %dot_general3A_863, %dot_general3A_885, %dot_general3A_907, %dot_general3A_929, %dot_general3A_951, %dot_general3A_973, %dot_general3A_995, %dot_general3A_1017, %dot_general3A_1039, %dot_general3A_1061, %dot_general3A_1083, %dot_general3A_1105 in 0 : vector<128x8xf32>, vector<128x8xf32>, vector<128x8xf32>, vector<128x8xf32>, vector<128x8xf32>, vector<128x8xf32>, vector<128x8xf32>, vector<128x8xf32>, vector<128x8xf32>, vector<128x8xf32>, vector<128x8xf32>, vector<128x8xf32>, vector<128x8xf32>, vector<128x8xf32>, vector<128x8xf32>, vector<128x8xf32> -> vector<2048x8xf32>
    %iota3A_1107 = tpu.iota {dimensions = array<i32: 1>} : vector<2048x8xi32>
    %eq3A_1108 = vector.broadcast %concatenate3A_744 : vector<2048x1xi32> to vector<2048x8xi32>
    %eq3A_1109 = arith.cmpi eq, %iota3A_1107, %eq3A_1108 : vector<2048x8xi32>
    %jit3A_1110 = arith.constant 0.000000e+00 : f32
    %broadcast_in_dim3A_1111 = vector.broadcast %jit3A_1110 : f32 to vector<2048x8xf32>
    %select_n3A_1112 = arith.select %eq3A_1109, %concatenate3A_1106, %broadcast_in_dim3A_1111 : vector<2048x8xi1>, vector<2048x8xf32>
    %reduce_sum3A_1113 = arith.constant dense<0.000000e+00> : vector<2048xf32>
    %reduce_sum3A_1114 = vector.multi_reduction <add>, %select_n3A_1112, %reduce_sum3A_1113 [1] : vector<2048x8xf32> to vector<2048xf32>
    %broadcast_in_dim3A_1115 = vector.shape_cast %reduce_sum3A_1114 : vector<2048xf32> to vector<2048x1xf32>
    %eq3A_1116 = vector.broadcast %concatenate3A_745 : vector<2048x1xi32> to vector<2048x8xi32>
    %eq3A_1117 = arith.cmpi eq, %iota3A_1107, %eq3A_1116 : vector<2048x8xi32>
    %jit3A_1118 = arith.constant 0.000000e+00 : f32
    %broadcast_in_dim3A_1119 = vector.broadcast %jit3A_1118 : f32 to vector<2048x8xf32>
    %select_n3A_1120 = arith.select %eq3A_1117, %concatenate3A_1106, %broadcast_in_dim3A_1119 : vector<2048x8xi1>, vector<2048x8xf32>
    %reduce_sum3A_1121 = arith.constant dense<0.000000e+00> : vector<2048xf32>
    %reduce_sum3A_1122 = vector.multi_reduction <add>, %select_n3A_1120, %reduce_sum3A_1121 [1] : vector<2048x8xf32> to vector<2048xf32>
    %broadcast_in_dim3A_1123 = vector.shape_cast %reduce_sum3A_1122 : vector<2048xf32> to vector<2048x1xf32>
    %iota3A_1124 = tpu.iota {dimensions = array<i32: 0>} : vector<2048x1xi32>
    %lt3A_1125 = arith.constant 1568 : i32
    %lt3A_1126 = vector.broadcast %lt3A_1125 : i32 to vector<2048x1xi32>
    %lt3A_1127 = arith.cmpi slt, %iota3A_1124, %lt3A_1126 : vector<2048x1xi32>
    %lt3A_1128 = arith.constant 4.900000e+02 : f32
    %lt3A_1129 = vector.broadcast %lt3A_1128 : f32 to vector<2048x1xf32>
    %lt3A_1130 = arith.cmpf olt, %broadcast_in_dim3A_1115, %lt3A_1129 : vector<2048x1xf32>
    %and3A_1131 = arith.andi %lt3A_1130, %lt3A_1127 : vector<2048x1xi1>
    %lt3A_1132 = arith.constant 4.900000e+02 : f32
    %lt3A_1133 = vector.broadcast %lt3A_1132 : f32 to vector<2048x1xf32>
    %lt3A_1134 = arith.cmpf olt, %broadcast_in_dim3A_1123, %lt3A_1133 : vector<2048x1xf32>
    %and3A_1135 = arith.andi %lt3A_1134, %lt3A_1127 : vector<2048x1xi1>
    %broadcast_in_dim3A_1136 = arith.constant 1.000000e+00 : f32
    %broadcast_in_dim3A_1137 = vector.broadcast %broadcast_in_dim3A_1136 : f32 to vector<1x16xf32>
    %convert_element_type3A_1138 = arith.extui %and3A_1131 : vector<2048x1xi1> to vector<2048x1xi32>
    %convert_element_type3A_1139 = arith.sitofp %convert_element_type3A_1138 : vector<2048x1xi32> to vector<2048x1xf32>
    %mul3A_1140 = arith.mulf %concatenate3A_747, %convert_element_type3A_1139 : vector<2048x1xf32>
    %mul3A_1141 = vector.broadcast %mul3A_1140 : vector<2048x1xf32> to vector<2048x16xf32>
    %mul3A_1142 = vector.broadcast %broadcast_in_dim3A_1137 : vector<1x16xf32> to vector<2048x16xf32>
    %mul3A_1143 = arith.mulf %mul3A_1141, %mul3A_1142 : vector<2048x16xf32>
    %swap3A_1144 = arith.constant 0 : index
    %swap3A_1145 = arith.constant 0 : index
    %swap3A_1146 = vector.load %arg10[%swap3A_1144, %swap3A_1145] : memref<2048x16xf32, #tpu.memory_space<vmem>>, vector<2048x16xf32>
    tpu.vector_store %arg10[%swap3A_1144, %swap3A_1145], %mul3A_1143 {strides = array<i32>} : memref<2048x16xf32, #tpu.memory_space<vmem>>, vector<2048x16xf32>,
    %convert_element_type3A_1147 = arith.extui %and3A_1135 : vector<2048x1xi1> to vector<2048x1xi32>
    %convert_element_type3A_1148 = arith.sitofp %convert_element_type3A_1147 : vector<2048x1xi32> to vector<2048x1xf32>
    %mul3A_1149 = arith.mulf %concatenate3A_749, %convert_element_type3A_1148 : vector<2048x1xf32>
    %mul3A_1150 = vector.broadcast %mul3A_1149 : vector<2048x1xf32> to vector<2048x16xf32>
    %mul3A_1151 = vector.broadcast %broadcast_in_dim3A_1137 : vector<1x16xf32> to vector<2048x16xf32>
    %mul3A_1152 = arith.mulf %mul3A_1150, %mul3A_1151 : vector<2048x16xf32>
    %swap3A_1153 = arith.constant 0 : index
    %swap3A_1154 = arith.constant 0 : index
    %swap3A_1155 = vector.load %arg11[%swap3A_1153, %swap3A_1154] : memref<2048x16xf32, #tpu.memory_space<vmem>>, vector<2048x16xf32>
    tpu.vector_store %arg11[%swap3A_1153, %swap3A_1154], %mul3A_1152 {strides = array<i32>} : memref<2048x16xf32, #tpu.memory_space<vmem>>, vector<2048x16xf32>,
    %mul3A_1156 = arith.constant 512 : i32
    %mul3A_1157 = vector.broadcast %mul3A_1156 : i32 to vector<2048x1xi32>
    %mul3A_1158 = arith.muli %concatenate3A_744, %mul3A_1157 : vector<2048x1xi32>
    %convert_element_type3A_1159 = arith.fptosi %broadcast_in_dim3A_1115 : vector<2048x1xf32> to vector<2048x1xi32>
    %add3A_1160 = arith.addi %mul3A_1158, %convert_element_type3A_1159 : vector<2048x1xi32>
    %jit3A_1161 = arith.constant 4095 : i32
    %broadcast_in_dim3A_1162 = vector.broadcast %jit3A_1161 : i32 to vector<2048x1xi32>
    %select_n3A_1163 = arith.select %and3A_1131, %add3A_1160, %broadcast_in_dim3A_1162 : vector<2048x1xi1>, vector<2048x1xi32>
    %swap3A_1164 = arith.constant 0 : index
    %swap3A_1165 = arith.constant 0 : index
    %swap3A_1166 = vector.load %arg8[%swap3A_1164, %swap3A_1165] : memref<2048x1xi32, #tpu.memory_space<vmem>>, vector<2048x1xi32>
    tpu.vector_store %arg8[%swap3A_1164, %swap3A_1165], %select_n3A_1163 {strides = array<i32>} : memref<2048x1xi32, #tpu.memory_space<vmem>>, vector<2048x1xi32>,
    %mul3A_1167 = arith.constant 512 : i32
    %mul3A_1168 = vector.broadcast %mul3A_1167 : i32 to vector<2048x1xi32>
    %mul3A_1169 = arith.muli %concatenate3A_745, %mul3A_1168 : vector<2048x1xi32>
    %convert_element_type3A_1170 = arith.fptosi %broadcast_in_dim3A_1123 : vector<2048x1xf32> to vector<2048x1xi32>
    %add3A_1171 = arith.addi %mul3A_1169, %convert_element_type3A_1170 : vector<2048x1xi32>
    %jit3A_1172 = arith.constant 4095 : i32
    %broadcast_in_dim3A_1173 = vector.broadcast %jit3A_1172 : i32 to vector<2048x1xi32>
    %select_n3A_1174 = arith.select %and3A_1135, %add3A_1171, %broadcast_in_dim3A_1173 : vector<2048x1xi1>, vector<2048x1xi32>
    %swap3A_1175 = arith.constant 0 : index
    %swap3A_1176 = arith.constant 0 : index
    %swap3A_1177 = vector.load %arg9[%swap3A_1175, %swap3A_1176] : memref<2048x1xi32, #tpu.memory_space<vmem>>, vector<2048x1xi32>
    tpu.vector_store %arg9[%swap3A_1175, %swap3A_1176], %select_n3A_1174 {strides = array<i32>} : memref<2048x1xi32, #tpu.memory_space<vmem>>, vector<2048x1xi32>,
    return
  }
}

module attributes {stable_mosaic.version = 14 : i64} {
  func.func @_cd_body(%arg0: i32, %arg1: memref<512x384xf32, #tpu.memory_space<vmem>>, %arg2: memref<1x384x1536xf32, #tpu.memory_space<vmem>>, %arg3: memref<1x1x1536xf32, #tpu.memory_space<vmem>>, %arg4: memref<1x1536x384xf32, #tpu.memory_space<vmem>>, %arg5: memref<1x1x384xf32, #tpu.memory_space<vmem>>, %arg6: memref<1x384xf32, #tpu.memory_space<vmem>>, %arg7: memref<512x384xf32, #tpu.memory_space<vmem>>) attributes {dimension_semantics = [#tpu.dimension_semantics<arbitrary>], iteration_bounds = array<i64: 8>, scalar_prefetch = 0 : i64, scratch_operands = 0 : i64, tpu.core_type = #tpu.core_type<tc>, window_params = [{transform_indices = @transform_0, window_bounds = array<i64: 512, 384>}, {transform_indices = @transform_1, window_bounds = array<i64: 1, 384, 1536>}, {transform_indices = @transform_2, window_bounds = array<i64: 1, 1, 1536>}, {transform_indices = @transform_3, window_bounds = array<i64: 1, 1536, 384>}, {transform_indices = @transform_4, window_bounds = array<i64: 1, 1, 384>}, {pipeline_mode = #tpu.pipeline_mode<synchronous>, transform_indices = @transform_5, window_bounds = array<i64: 1, 384>}, {transform_indices = @transform_6, window_bounds = array<i64: 512, 384>}]} {
    %get3A = arith.constant 0 : index
    %get3A_0 = arith.constant 0 : index
    %get3A_1 = vector.load %arg1[%get3A, %get3A_0] : memref<512x384xf32, #tpu.memory_space<vmem>>, vector<512x384xf32>
    %convert_element_type3A = arith.truncf %get3A_1 : vector<512x384xf32> to vector<512x384xbf16>
    %get3A_2 = arith.constant 0 : index
    %get3A_3 = arith.constant 0 : index
    %get3A_4 = arith.constant 0 : index
    %get3A_5 = vector.load %arg2[%get3A_2, %get3A_3, %get3A_4] : memref<1x384x1536xf32, #tpu.memory_space<vmem>>, vector<1x384x1536xf32>
    %get3A_6 = vector.shape_cast %get3A_5 : vector<1x384x1536xf32> to vector<384x1536xf32>
    %convert_element_type3A_7 = arith.truncf %get3A_6 : vector<384x1536xf32> to vector<384x1536xbf16>
    %dot_general3A = arith.constant dense<0.000000e+00> : vector<512x1536xf32>
    %dot_general3A_8 = tpu.matmul %convert_element_type3A, %convert_element_type3A_7, %dot_general3A {dimension_numbers = #tpu.dot_dimension_numbers<[1], [0], [0], [1], [0, 0, 1, 1], [], []>, transpose_lhs_hint = false} : vector<512x384xbf16>, vector<384x1536xbf16>, vector<512x1536xf32> -> vector<512x1536xf32>
    %get3A_9 = arith.constant 0 : index
    %get3A_10 = arith.constant 0 : index
    %get3A_11 = arith.constant 0 : index
    %get3A_12 = vector.load %arg3[%get3A_9, %get3A_10, %get3A_11] : memref<1x1x1536xf32, #tpu.memory_space<vmem>>, vector<1x1x1536xf32>
    %get3A_13 = vector.shape_cast %get3A_12 : vector<1x1x1536xf32> to vector<1x1536xf32>
    %add3A = vector.broadcast %get3A_13 : vector<1x1536xf32> to vector<512x1536xf32>
    %add3A_14 = arith.addf %dot_general3A_8, %add3A : vector<512x1536xf32>
    %mul3A = arith.constant 5.000000e-01 : f32
    %mul3A_15 = vector.broadcast %mul3A : f32 to vector<512x1536xf32>
    %mul3A_16 = arith.mulf %mul3A_15, %add3A_14 : vector<512x1536xf32>
    %mul3A_17 = arith.constant 0.707106769 : f32
    %mul3A_18 = vector.broadcast %mul3A_17 : f32 to vector<512x1536xf32>
    %mul3A_19 = arith.mulf %add3A_14, %mul3A_18 : vector<512x1536xf32>
    %erf3A = math.erf %mul3A_19 : vector<512x1536xf32>
    %add3A_20 = arith.constant 1.000000e+00 : f32
    %add3A_21 = vector.broadcast %add3A_20 : f32 to vector<512x1536xf32>
    %add3A_22 = arith.addf %add3A_21, %erf3A : vector<512x1536xf32>
    %mul3A_23 = arith.mulf %mul3A_16, %add3A_22 : vector<512x1536xf32>
    %convert_element_type3A_24 = arith.truncf %mul3A_23 : vector<512x1536xf32> to vector<512x1536xbf16>
    %get3A_25 = arith.constant 0 : index
    %get3A_26 = arith.constant 0 : index
    %get3A_27 = arith.constant 0 : index
    %get3A_28 = vector.load %arg4[%get3A_25, %get3A_26, %get3A_27] : memref<1x1536x384xf32, #tpu.memory_space<vmem>>, vector<1x1536x384xf32>
    %get3A_29 = vector.shape_cast %get3A_28 : vector<1x1536x384xf32> to vector<1536x384xf32>
    %convert_element_type3A_30 = arith.truncf %get3A_29 : vector<1536x384xf32> to vector<1536x384xbf16>
    %dot_general3A_31 = arith.constant dense<0.000000e+00> : vector<512x384xf32>
    %dot_general3A_32 = tpu.matmul %convert_element_type3A_24, %convert_element_type3A_30, %dot_general3A_31 {dimension_numbers = #tpu.dot_dimension_numbers<[1], [0], [0], [1], [0, 0, 1, 1], [], []>, transpose_lhs_hint = false} : vector<512x1536xbf16>, vector<1536x384xbf16>, vector<512x384xf32> -> vector<512x384xf32>
    %get3A_33 = arith.constant 0 : index
    %get3A_34 = arith.constant 0 : index
    %get3A_35 = arith.constant 0 : index
    %get3A_36 = vector.load %arg5[%get3A_33, %get3A_34, %get3A_35] : memref<1x1x384xf32, #tpu.memory_space<vmem>>, vector<1x1x384xf32>
    %get3A_37 = vector.shape_cast %get3A_36 : vector<1x1x384xf32> to vector<1x384xf32>
    %add3A_38 = vector.broadcast %get3A_37 : vector<1x384xf32> to vector<512x384xf32>
    %add3A_39 = arith.addf %dot_general3A_32, %add3A_38 : vector<512x384xf32>
    %get3A_40 = arith.constant 0 : index
    %get3A_41 = arith.constant 0 : index
    %get3A_42 = vector.load %arg6[%get3A_40, %get3A_41] : memref<1x384xf32, #tpu.memory_space<vmem>>, vector<1x384xf32>
    %mul3A_43 = vector.broadcast %get3A_42 : vector<1x384xf32> to vector<512x384xf32>
    %mul3A_44 = arith.mulf %add3A_39, %mul3A_43 : vector<512x384xf32>
    %swap3A = arith.constant 0 : index
    %swap3A_45 = arith.constant 0 : index
    %swap3A_46 = vector.load %arg7[%swap3A, %swap3A_45] : memref<512x384xf32, #tpu.memory_space<vmem>>, vector<512x384xf32>
    tpu.vector_store %arg7[%swap3A, %swap3A_45], %mul3A_44 {strides = array<i32>} : memref<512x384xf32, #tpu.memory_space<vmem>>, vector<512x384xf32>,
    return
  }
  func.func @transform_0(%arg0: i32) -> (i32, i32) {
    %c0_i32 = arith.constant 0 : i32
    %c0_i32_0 = arith.constant 0 : i32
    return %arg0, %c0_i32 : i32, i32
  }
  func.func @transform_1(%arg0: i32) -> (i32, i32, i32) {
    %c0_i32 = arith.constant 0 : i32
    %c0_i32_0 = arith.constant 0 : i32
    %c0_i32_1 = arith.constant 0 : i32
    return %arg0, %c0_i32, %c0_i32_0 : i32, i32, i32
  }
  func.func @transform_2(%arg0: i32) -> (i32, i32, i32) {
    %c0_i32 = arith.constant 0 : i32
    %c0_i32_0 = arith.constant 0 : i32
    %c0_i32_1 = arith.constant 0 : i32
    return %arg0, %c0_i32, %c0_i32_0 : i32, i32, i32
  }
  func.func @transform_3(%arg0: i32) -> (i32, i32, i32) {
    %c0_i32 = arith.constant 0 : i32
    %c0_i32_0 = arith.constant 0 : i32
    %c0_i32_1 = arith.constant 0 : i32
    return %arg0, %c0_i32, %c0_i32_0 : i32, i32, i32
  }
  func.func @transform_4(%arg0: i32) -> (i32, i32, i32) {
    %c0_i32 = arith.constant 0 : i32
    %c0_i32_0 = arith.constant 0 : i32
    %c0_i32_1 = arith.constant 0 : i32
    return %arg0, %c0_i32, %c0_i32_0 : i32, i32, i32
  }
  func.func @transform_5(%arg0: i32) -> (i32, i32) {
    %c0_i32 = arith.constant 0 : i32
    %c0_i32_0 = arith.constant 0 : i32
    %c0_i32_1 = arith.constant 0 : i32
    return %c0_i32, %c0_i32_0 : i32, i32
  }
  func.func @transform_6(%arg0: i32) -> (i32, i32) {
    %c0_i32 = arith.constant 0 : i32
    %c0_i32_0 = arith.constant 0 : i32
    return %arg0, %c0_i32 : i32, i32
  }
}

</mosaic_0001>

<sc_bundles>
// kernel: kernel.6.cloned.1.call-start
scs
__scs_entry_jumppad:
0x0: {  	(pc) =	sbr.rel $0x88, $3  }
0x1: {  	(tag) =	ssettag $0x0;
	lr =	simm.s32 $0x1  }
0x2: {  	[smem:$0x3F96] =	sst lr;
	_ =	strace $0xD0000000  }
0x3: {  	_ = 	snop  }
0x4: {  	_ = 	snop  }
0x5: {  	_ = 	snop  }
0x6: {  	_ = 	snop  }
0x7: {  	_ = 	snop  }
__scs_overlays_trampoline_lowered:
0x8: {  	[smem:$0x3FA5] =	sst s0  }
0x9: {  	[smem:$0x3FA6] =	sst s1  }
0xa: {  	[smem:$0x3FA7] =	sst s2  }
0xb: {  	[smem:$0x3FA8] =	sst s3  }
0xc: {  	[smem:$0x3FA9] =	sst s4  }
0xd: {  	[smem:$0x3FAA] =	sst s5  }
0xe: {  	[smem:$0x3FAB] =	sst s6  }
0xf: {  	[smem:$0x3FAC] =	sst s7  }
0x10: {  	[smem:$0x3FAD] =	sst s8  }
0x11: {  	[smem:$0x3FAE] =	sst s9;
	s0 =	simm.s32 @!p0 $0x0  }
0x12: {  	s1 =	sld [smem:$0x3F94];
	s0 =	simm.s32 @p0 $0x1  }
0x13: {  	[smem:$0x3FAF] =	sst s0;
	s0 =	simm.s32 @!p1 $0x0  }
0x14: {  	s2 =	sld [smem:$0x3F93];
	s0 =	simm.s32 @p1 $0x1  }
0x15: {  	[smem:$0x3FB0] =	sst s0;
	s0 =	simm.s32 @!p2 $0x0  }
0x16: {  	s3 =	sld [smem:$0x3FDB];
	s0 =	simm.s32 @p2 $0x1  }
0x17: {  	s4 =	simm.s32 $0x1BF5;
	[smem:$0x3FB2] =	sst s0  }
0x18: {  	s0 =	sld [smem:$0x3F95];
	_ =	swait.ge [sflag:s4], $0x0  }
0x19: {  	s7 =	sld [smem:$0x3F96]  }
0x1a: {  	s8 =	sadd.s32 $0xFFFFE003, lr  }
0x1b: {  	s9 =	sadd.s32 $0xFFFFFEF7, lr;
	s5 =	simm.s32 $0xFFFFFFFF;
	p2 =	slt.u32 s8, $0xFFFFF086  }
0x1c: {  	p1 =	slt.u32 s9, $0xF7A;
	s5 =	simm.s32 @!p2 $0x0  }
0x1d: {  	s5 =	simm.s32 @p1 $0x1;
	p0 =	seq.s32 s7, s2  }
0x1e: {  	s7 =	smul.u32 @!p0 $0xF7A, s2;
	p2 =	seq.s32 @!p0 s5, $0x0  }
0x1f: {  	s9 =	smul.u32 $0xF7A, s1;
	s8 =	simm.s32 @!p0 $0x1BF5;
	p2 =	por !p2, p0  }
0x20: {  	[sflag:s8] =	ssyncset.s32 @!p0 $0xFFFFF086;
	s6 =	sadd.s32 @!p0 s3, s7;
	s7 =	simm.s32 @!p0 $0x108  }
0x21: {  	s3 =	sadd.s32 s3, s9;
	s6 =	sadd.s32 @!p0 $0x88, s6;
	s7 =	simm.s32 @p2 $0x1082  }
0x22: {  	[simem:s7], [sflag:s8] =	dma.local @!p0 [hbm:s6], $0xF7A  }
0x23: {  	s9 =	sor.u32 $0xD0000000, s2;
	s6 =	simm.s32 $0x108;
	_ =	swait.ge @!p0 [sflag:s8], $0x0  }
0x24: {  	s3 =	sadd.s32 $0x88, s3;
	s6 =	simm.s32 @!p1 $0x1082;
	[sflag:s4] =	ssyncset.s32 $0xFFFFF086  }
0x25: {  	[simem:s6], [sflag:s4] =	dma.local [hbm:s3], $0xF7A  }
0x26: {  	[smem:$0x3F96] =	sst s1;
	(tag) =	ssettag s2;
	_ =	strace s9  }
0x27: {  	s1 =	sld [smem:$0x3FA6]  }
0x28: {  	s2 =	sld [smem:$0x3FA7]  }
0x29: {  	s4 =	sld [smem:$0x3FA9]  }
0x2a: {  	p0 =	seq.s32 s5, $0x0;
	s5 =	sld [smem:$0x3FAA]  }
0x2b: {  	s6 =	sld [smem:$0x3FAB]  }
0x2c: {  	s7 =	sld [smem:$0x3FAC]  }
0x2d: {  	s3 =	simm.s32 $0x108;
	s8 =	sld [smem:$0x3FAD]  }
0x2e: {  	s3 =	simm.s32 @!p0 $0x1082;
	s9 =	sld [smem:$0x3FAE]  }
0x2f: {  	lr =	sadd.s32 s0, s3;
	s0 =	sld [smem:$0x3FA5]  }
0x30: {  	s3 =	sld [smem:$0x3FA8]  }
0x31: {  	[smem:$0x3FB1] =	sst s10  }
0x32: {  	s10 =	sld [smem:$0x3FAF];
	_ =	sdelay $0x3  }
0x33: {  	p0 =	seq.s32 s10, $0x1;
	s10 =	sld [smem:$0x3FB1];
	_ =	sdelay $0x3  }
0x34: {  	[smem:$0x3FB1] =	sst s10  }
0x35: {  	s10 =	sld [smem:$0x3FB0];
	_ =	sdelay $0x3  }
0x36: {  	p1 =	seq.s32 s10, $0x1;
	s10 =	sld [smem:$0x3FB1];
	_ =	sdelay $0x3  }
0x37: {  	[smem:$0x3FB1] =	sst s10  }
0x38: {  	s10 =	sld [smem:$0x3FB2]  }
0x39: {  	_ = 	snop;
	(pc) =	sbr.ind lr, $3  }
0x3a: {  	_ = 	snop  }
0x3b: {  	_ = 	snop  }
0x3c: {  	p2 =	seq.s32 s10, $0x1;
	s10 =	sld [smem:$0x3FB1]  }
0x3d: {  	_ =	shalt  }
0x3e: {  	_ =	shalt  }
0x3f: {  	_ =	shalt  }
0x40: {  	_ =	shalt  }
0x41: {  	_ =	shalt  }
0x42: {  	_ =	shalt  }
0x43: {  	_ =	shalt  }
0x44: {  	_ =	shalt  }
0x45: {  	_ =	shalt  }
0x46: {  	_ =	shalt  }
0x47: {  	_ =	shalt  }
0x48: {  	_ =	shalt  }
0x49: {  	_ =	shalt  }
0x4a: {  	_ =	shalt  }
0x4b: {  	_ =	shalt  }
0x4c: {  	_ =	shalt  }
0x4d: {  	_ =	shalt  }
0x4e: {  	_ =	shalt  }
0x4f: {  	_ =	shalt  }
0x50: {  	_ =	shalt  }
0x51: {  	_ =	shalt  }
0x52: {  	_ =	shalt  }
0x53: {  	_ =	shalt  }
0x54: {  	_ =	shalt  }
0x55: {  	_ =	shalt  }
0x56: {  	_ =	shalt  }
0x57: {  	_ =	shalt  }
0x58: {  	_ =	shalt  }
0x59: {  	_ =	shalt  }
0x5a: {  	_ =	shalt  }
0x5b: {  	_ =	shalt  }
0x5c: {  	_ =	shalt  }
0x5d: {  	_ =	shalt  }
0x5e: {  	_ =	shalt  }
0x5f: {  	_ =	shalt  }
0x60: {  	_ =	shalt  }
0x61: {  	_ =	shalt  }
0x62: {  	_ =	shalt  }
0x63: {  	_ =	shalt  }
0x64: {  	_ =	shalt  }
0x65: {  	_ =	shalt  }
0x66: {  	_ =	shalt  }
0x67: {  	_ =	shalt  }
0x68: {  	_ =	shalt  }
0x69: {  	_ =	shalt  }
0x6a: {  	_ =	shalt  }
0x6b: {  	_ =	shalt  }
0x6c: {  	_ =	shalt  }
0x6d: {  	_ =	shalt  }
0x6e: {  	_ =	shalt  }
0x6f: {  	_ =	shalt  }
0x70: {  	_ =	shalt  }
0x71: {  	_ =	shalt  }
0x72: {  	_ =	shalt  }
0x73: {  	_ =	shalt  }
0x74: {  	_ =	shalt  }
0x75: {  	_ =	shalt  }
0x76: {  	_ =	shalt  }
0x77: {  	_ =	shalt  }
0x78: {  	_ =	shalt  }
0x79: {  	_ =	shalt  }
0x7a: {  	_ =	shalt  }
0x7b: {  	_ =	shalt  }
0x7c: {  	_ =	shalt  }
0x7d: {  	_ =	shalt  }
0x7e: {  	_ =	shalt  }
0x7f: {  	_ =	shalt  }
0x80: {  	_ =	shalt  }
0x81: {  	_ =	shalt  }
0x82: {  	_ =	shalt  }
0x83: {  	_ =	shalt  }
0x84: {  	_ =	shalt  }
0x85: {  	_ =	shalt  }
0x86: {  	_ =	shalt  }
0x87: {  	_ =	shalt  }
.Lfunc_end0:
.L_simem_size_0:
called_computation_lowered:
.L_overlay_start_0:
0x88: {  	s2 =	sld [smem:$0x3FD9]  }
0x89: {  	s3 =	sld [smem:$0x3FFE];
	_ =	sdelay $0x1  }
0x8a: {  	s1 =	srdreg.scid  }
0x8b: {  	s0 =	sand.u32 $0x1, s1  }
0x8c: {  	s16 =	sshll.u32 s0, $0xA;
	s2 =	sadd.s32 s3, s2  }
0x8d: {  	s2 =	sadd.s32 s2, s16  }
0x8e: {  	[smem:$0x3FBD] =	sst s2  }
0x8f: {  	_ = 	snop  }
0x90: {  	(tm) =	ssettm $0x1  }
0x91: {  	s17 =	sld [smem:$0x3FFB];
	_ =	sdelay $0x3  }
0x92: {  	_ =	strace s17  }
0x93: {  	s2 =	sld [smem:$0x3FFC];
	_ =	sdelay $0x3  }
0x94: {  	_ =	strace s2  }
0x95: {  	s2 =	sld [smem:$0x3FFD];
	_ =	sdelay $0x3  }
0x96: {  	_ =	strace s2  }
0x97: {  	_ =	strace $0x8FFFFFFF  }
0x98: {  	s18 =	sld [smem:$0x3FDB];
	_ =	sdelay $0x1  }
0x99: {  	s19 =	simm.s32 $_scs_section_size  }
0x9a: {  	s4 =	simm.s32 $_size__tile_overlayer_lowered;
	s5 =	simm.s32 $_tile_overlayer_lowered  }
0x9b: {  	s22 =	simm.s32 $0x1BFF;
	s21 =	sshll.u32 s5, $0x1;
	s2 =	sadd.s32 s19, s18  }
0x9c: {  	s6 =	simm.s32 $0x0;
	s20 =	sshll.u32 s4, $0x1;
	s4 =	sadd.s32 s21, s2  }
0x9d: {  	[timem:s6], [sflag:s22] =	dma.local [hbm:s4], s20  }
0x9e: {  	_ =	swait.ge [sflag:s22], s20  }
0x9f: {  	s3 =	ssub.s32 $0x0, s20;
	[sflag:s22] =	ssyncset.done $0x0  }
0xa0: {  	[sflag:s22] =	ssyncadd.s32 s3;
	_ =	sdelay $0x1  }
0xa1: {  	s23 =	simm.s32 $0x1B8B  }
0xa2: {  	_ =	swait.ge [sflag:s23], $0x1  }
0xa3: {  	[sflag:s23] =	ssyncset.done $0x0  }
0xa4: {  	s25 =	simm.s32 $0x1B8E;
	s24 =	sld [smem:$0x3FFE];
	[sflag:s23] =	ssyncadd.s32 $0xFFFFFFFF  }
0xa5: {  	s26 =	simm.s32 $execute0_lowered;
	[smem:$0x3FD2] =	sst s25  }
0xa6: {  	s4 =	sshll.u32 s26, $0x1;
	_ =	strace $0x80000046;
	[dreg:$0x1] =	wrdreg $0xFFFFFFFF  }
0xa7: {  	s28 =	simm.s32 $_size_execute0_lowered;
	s2 =	sadd.s32 s2, s4;
	[dreg:$0x0] =	wrdreg $0x0  }
0xa8: {  	s4 =	sshll.u32 s28, $0x1;
	[dreg:$0x2] =	wrdreg s2  }
0xa9: {  	[dreg:$0x3] =	wrdreg s4  }
0xaa: {  	[dreg:$0x4] =	wrdreg $0xC0  }
0xab: {  	_ =	task [dreg:s6], $0x5FFFF  }
0xac: {  	[dreg:$0x1] =	wrdreg $0xFFFFFFFF  }
0xad: {  	[dreg:$0x0] =	wrdreg $0x60  }
0xae: {  	[dreg:$0x2] =	wrdreg s24  }
0xaf: {  	[dreg:$0x3] =	wrdreg $0x9  }
0xb0: {  	_ =	task.clear_ibuf [dreg:s6], $0x4FFFF;
	_ =	strace $0x90000046  }
0xb1: {  	s29 =	simm.s32 $0x9;
	_ =	strace $0x80000048  }
0xb2: {  	_ =	swait.ge [sflag:s29], $0x1  }
0xb3: {  	[sflag:s29] =	ssyncadd.s32 $0xFFFFFFFF  }
0xb4: {  	_ =	strace $0x90000048  }
0xb5: {  	_ =	sfence  }
0xb6: {  	s30 =	sld [smem:$0x0];
	_ =	sdelay $0x2  }
0xb7: {  	s31 =	sshll.u32 s1, $0xD;
	s1 =	sshrl.u32 s1, $0x2  }
0xb8: {  	s3 =	sand.u32 $0x4000, s31;
	s1 =	sadd.s32 s1, s30  }
0xb9: {  	s0 =	sor.u32 s3, s0;
	s1 =	sshll.u32 s1, $0x11  }
0xba: {  	s0 =	sor.u32 s1, s0  }
0xbb: {  	s0 =	sadd.s32 $0x8F2B, s0  }
0xbc: {  	[sflag:s0] =	ssyncadd.remote.s32 $0x1  }
0xbd: {  	_ =	sfence.sel $0xFFFF  }
0xbe: {  	[dreg:$0x0] =	wrdreg $0xFFFFFFFF;
	(pc) =	sbr.abs _section_cstart, $3  }
0xbf: {  	[dreg:$0x1] =	wrdreg $0xFFFFFFFF  }
0xc0: {  	_ =	task.clear_ibuf [dreg:s6], $0x2FFFF;
	_ =	strace $0x9FFFFFFF  }
0xc1: {  	(tm) =	ssettm $0x7FFFFFFF  }
tec
execute0_lowered:
.L_overlay_start_1:
0x0: {  	(tag) =	ssettag $0x1  }
0x1: {  	s1 =	srdreg.scid  }
0x2: {  	s0 =	stileid.u32;
	s7 =	rddreg [dreg:$0x0]  }
0x3: {  	s11 =	simm.s32 $0x6080;
	s12 =	simm.s32 $0x800;
	s13 =	simm.s32 $0xC00  }
0x4: {  	s14 =	simm.s32 $0x1400;
	s15 =	simm.s32 $0x1800;
	s16 =	simm.s32 $0x2000  }
0x5: {  	s17 =	simm.s32 $0x2400;
	s18 =	simm.s32 $0x2C00;
	s19 =	simm.s32 $0x3000  }
0x6: {  	s20 =	simm.s32 $0x3800;
	s21 =	simm.s32 $0x3C00;
	s22 =	simm.s32 $0x4400  }
0x7: {  	s23 =	simm.s32 $0x4800;
	s24 =	simm.s32 $0x5000;
	s25 =	simm.s32 $0x5400  }
0x8: {  	s26 =	simm.s32 $0x5C00;
	s28 =	simm.s32 $0x1;
	s3 =	sand.u32 $0x1, s1  }
0x9: {  	s30 =	sshll.u32 s0, $0x4;
	s1 =	rddreg [dreg:$0x1];
	s2 =	sshll.u32 s3, $0x3  }
0xa: {  	s6 =	ssub.s32 $0x2, s3;
	s3 =	sadd.s32 $0x39E00, s7;
	s4 =	sor.u32 s2, s30  }
0xb: {  	s2 =	simm.s32 $0x0;
	s31 =	sshrl.u32 s6, $0x1;
	s5 =	smul.u32 $0x180, s4  }
0xc: {  	[smem:$0x7FF] =	sst s2;
	s9 =	sadd.s32 s4, s7;
	s10 =	ssub.s32 s6, s31  }
0xd: {  	v2 =	vlaneseq.u32;
	_ =	strace $0x80000047;
	s4 =	sadd.s32 $0x39A00, s9;
	s8 =	sadd.s32 s5, s7  }
0xe: {  	vm0 =	vmmov $0xffff;
	vm1 =	vmmov $0xff;
	v1 =	vshrl.u32 v2, $0x3;
	s5 =	sadd.s32 $0x39C00, s9;
	s7 =	sadd.s32 $0x39F00, s7;
	s9 =	simm.s32 $0x6000  }
0xf: {  	v0 =	vand.u32 $0x7, v2;
	v2 =	vor.u32 $0x8, v2;
	v1 =	vmul.u32 $0x8, v1;
	s6 =	sadd.s32 $0x1A00, s8;
	s8 =	smax.u32 s10, $0x1;
	s10 =	simm.s32 $0x2  }
.LBB2_1:
0x10: {  	[tilespmem:s9], [sflag:$0x2] =	stream.linear.gather [hbm4b:s4+s2], $0x40, $0x38;
	[tilespmem:$0x6100] =	vst v63  }
0x11: {  	_ =	swait.ge [sflag:s10], $0x40  }
0x12: {  	[sflag:s10] =	ssyncset.done $0x0  }
0x13: {  	[sflag:s10] =	ssyncadd.s32 $0xFFFFFFC0  }
0x14: {  	[tilespmem:s11], [sflag:$0x2] =	stream.linear.gather [hbm4b:s5+s2], $0x40, $0x38;
	[tilespmem:$0x6100] =	vst v63  }
0x15: {  	_ =	swait.ge [sflag:s10], $0x40  }
0x16: {  	[sflag:s10] =	ssyncset.done $0x0  }
0x17: {  	[sflag:s10] =	ssyncadd.s32 $0xFFFFFFC0  }
0x18: {  	[tilespmem:s2], [sflag:$0x2] =	stream.linear.gather [hbm4b:s6+s2], $0x6000, $0x38;
	[tilespmem:$0x6100] =	vst v63  }
0x19: {  	_ =	swait.ge [sflag:s10], $0x6000  }
0x1a: {  	[sflag:s10] =	ssyncset.done $0x0  }
0x1b: {  	[sflag:s10] =	ssyncadd.s32 $0xFFFFA000  }
0x1c: {  	v3 =	vld [tilespmem:$0x6000];
	_ =	sdelay $0x4  }
0x1d: {  	v4 =	vshrl.u32 v3, $0x3  }
0x1e: {  	v4 =	vmul.u32 $0x18, v4  }
0x1f: {  	v3 =	vand.u32 $0x7, v3  }
0x20: {  	v3 =	vor.u32 v3, v4  }
0x21: {  	v4 =	vperm.xlane v3, v0;
	_ =	sdelay $0x1  }
0x22: {  	v4 =	vadd.s32 v1, v4;
	_ =	sdelay $0x1  }
0x23: {  	v3 =	vperm.xlane v3, v2;
	_ =	sdelay $0x1  }
0x24: {  	v3 =	vadd.s32 v1, v3  }
0x25: {  	[hbm4b:s3+s2] =	stream.indirect_vreg.scatter [tilespmem:s2], [sflag:$0x1], $0x80, v4, vm0, $0xb8;
	[tilespmem:$0x6100] =	vst v63  }
0x26: {  	_ = 	snop  }
0x27: {  	[hbm4b:s7+s2] =	stream.indirect_vreg.scatter [tilespmem:s12], [sflag:$0x1], $0x80, v4, vm1, $0xb8;
	[tilespmem:$0x6100] =	vst v63  }
0x28: {  	_ = 	snop  }
0x29: {  	[hbm4b:s3+s2] =	stream.indirect_vreg.scatter [tilespmem:s13], [sflag:$0x1], $0x80, v3, vm0, $0xb8;
	[tilespmem:$0x6100] =	vst v63  }
0x2a: {  	_ = 	snop  }
0x2b: {  	[hbm4b:s7+s2] =	stream.indirect_vreg.scatter [tilespmem:s14], [sflag:$0x1], $0x80, v3, vm1, $0xb8;
	[tilespmem:$0x6100] =	vst v63  }
0x2c: {  	v3 =	vld [tilespmem:$0x6010];
	_ =	sdelay $0x4  }
0x2d: {  	v57 =	vshrl.u32 v3, $0x3  }
0x2e: {  	v4 =	vmul.u32 $0x18, v57  }
0x2f: {  	v3 =	vand.u32 $0x7, v3  }
0x30: {  	v3 =	vor.u32 v3, v4  }
0x31: {  	v4 =	vperm.xlane v3, v0;
	_ =	sdelay $0x1  }
0x32: {  	v4 =	vadd.s32 v1, v4;
	_ =	sdelay $0x1  }
0x33: {  	v3 =	vperm.xlane v3, v2;
	_ =	sdelay $0x1  }
0x34: {  	v3 =	vadd.s32 v1, v3  }
0x35: {  	[hbm4b:s3+s2] =	stream.indirect_vreg.scatter [tilespmem:s15], [sflag:$0x1], $0x80, v4, vm0, $0xb8;
	[tilespmem:$0x6100] =	vst v63  }
0x36: {  	_ = 	snop  }
0x37: {  	[hbm4b:s7+s2] =	stream.indirect_vreg.scatter [tilespmem:s16], [sflag:$0x1], $0x80, v4, vm1, $0xb8;
	[tilespmem:$0x6100] =	vst v63  }
0x38: {  	_ = 	snop  }
0x39: {  	[hbm4b:s3+s2] =	stream.indirect_vreg.scatter [tilespmem:s17], [sflag:$0x1], $0x80, v3, vm0, $0xb8;
	[tilespmem:$0x6100] =	vst v63  }
0x3a: {  	_ = 	snop  }
0x3b: {  	[hbm4b:s7+s2] =	stream.indirect_vreg.scatter [tilespmem:s18], [sflag:$0x1], $0x80, v3, vm1, $0xb8;
	[tilespmem:$0x6100] =	vst v63  }
0x3c: {  	v3 =	vld [tilespmem:$0x6020];
	_ =	sdelay $0x4  }
0x3d: {  	v58 =	vshrl.u32 v3, $0x3  }
0x3e: {  	v4 =	vmul.u32 $0x18, v58  }
0x3f: {  	v3 =	vand.u32 $0x7, v3  }
0x40: {  	v3 =	vor.u32 v3, v4  }
0x41: {  	v4 =	vperm.xlane v3, v0;
	_ =	sdelay $0x1  }
0x42: {  	v4 =	vadd.s32 v1, v4;
	_ =	sdelay $0x1  }
0x43: {  	v3 =	vperm.xlane v3, v2;
	_ =	sdelay $0x1  }
0x44: {  	v3 =	vadd.s32 v1, v3  }
0x45: {  	[hbm4b:s3+s2] =	stream.indirect_vreg.scatter [tilespmem:s19], [sflag:$0x1], $0x80, v4, vm0, $0xb8;
	[tilespmem:$0x6100] =	vst v63  }
0x46: {  	_ = 	snop  }
0x47: {  	[hbm4b:s7+s2] =	stream.indirect_vreg.scatter [tilespmem:s20], [sflag:$0x1], $0x80, v4, vm1, $0xb8;
	[tilespmem:$0x6100] =	vst v63  }
0x48: {  	_ = 	snop  }
0x49: {  	[hbm4b:s3+s2] =	stream.indirect_vreg.scatter [tilespmem:s21], [sflag:$0x1], $0x80, v3, vm0, $0xb8;
	[tilespmem:$0x6100] =	vst v63  }
0x4a: {  	_ = 	snop  }
0x4b: {  	[hbm4b:s7+s2] =	stream.indirect_vreg.scatter [tilespmem:s22], [sflag:$0x1], $0x80, v3, vm1, $0xb8;
	[tilespmem:$0x6100] =	vst v63  }
0x4c: {  	v3 =	vld [tilespmem:$0x6030];
	_ =	sdelay $0x4  }
0x4d: {  	v59 =	vshrl.u32 v3, $0x3  }
0x4e: {  	v4 =	vmul.u32 $0x18, v59  }
0x4f: {  	v3 =	vand.u32 $0x7, v3  }
0x50: {  	v3 =	vor.u32 v3, v4  }
0x51: {  	v4 =	vperm.xlane v3, v0;
	_ =	sdelay $0x1  }
0x52: {  	v4 =	vadd.s32 v1, v4;
	_ =	sdelay $0x1  }
0x53: {  	v3 =	vperm.xlane v3, v2;
	_ =	sdelay $0x1  }
0x54: {  	v3 =	vadd.s32 v1, v3  }
0x55: {  	[hbm4b:s3+s2] =	stream.indirect_vreg.scatter [tilespmem:s23], [sflag:$0x1], $0x80, v4, vm0, $0xb8;
	[tilespmem:$0x6100] =	vst v63  }
0x56: {  	_ = 	snop  }
0x57: {  	[hbm4b:s7+s2] =	stream.indirect_vreg.scatter [tilespmem:s24], [sflag:$0x1], $0x80, v4, vm1, $0xb8;
	[tilespmem:$0x6100] =	vst v63  }
0x58: {  	_ = 	snop  }
0x59: {  	[hbm4b:s3+s2] =	stream.indirect_vreg.scatter [tilespmem:s25], [sflag:$0x1], $0x80, v3, vm0, $0xb8;
	[tilespmem:$0x6100] =	vst v63  }
0x5a: {  	_ = 	snop  }
0x5b: {  	[hbm4b:s7+s2] =	stream.indirect_vreg.scatter [tilespmem:s26], [sflag:$0x1], $0x80, v3, vm1, $0xb8;
	[tilespmem:$0x6100] =	vst v63  }
0x5c: {  	_ =	swait.ge [sflag:s28], $0x6000  }
0x5d: {  	[sflag:s28] =	ssyncset.done $0x0  }
0x5e: {  	[sflag:s28] =	ssyncadd.s32 $0xFFFFA000  }
0x5f: {  	v3 =	vld [tilespmem:$0x6080];
	_ =	sdelay $0x4  }
0x60: {  	v60 =	vshrl.u32 v3, $0x3  }
0x61: {  	v4 =	vmul.u32 $0x18, v60  }
0x62: {  	v3 =	vand.u32 $0x7, v3  }
0x63: {  	v3 =	vor.u32 v3, v4  }
0x64: {  	v4 =	vperm.xlane v3, v0;
	_ =	sdelay $0x1  }
0x65: {  	v4 =	vadd.s32 v1, v4;
	_ =	sdelay $0x1  }
0x66: {  	v3 =	vperm.xlane v3, v2;
	_ =	sdelay $0x1  }
0x67: {  	v3 =	vadd.s32 v1, v3  }
0x68: {  	[hbm4b:s3+s2] =	stream.indirect_vreg.scatter [tilespmem:s2], [sflag:$0x1], $0x80, v4, vm0, $0xb8;
	[tilespmem:$0x6100] =	vst v63  }
0x69: {  	_ = 	snop  }
0x6a: {  	[hbm4b:s7+s2] =	stream.indirect_vreg.scatter [tilespmem:s12], [sflag:$0x1], $0x80, v4, vm1, $0xb8;
	[tilespmem:$0x6100] =	vst v63  }
0x6b: {  	_ = 	snop  }
0x6c: {  	[hbm4b:s3+s2] =	stream.indirect_vreg.scatter [tilespmem:s13], [sflag:$0x1], $0x80, v3, vm0, $0xb8;
	[tilespmem:$0x6100] =	vst v63  }
0x6d: {  	_ = 	snop  }
0x6e: {  	[hbm4b:s7+s2] =	stream.indirect_vreg.scatter [tilespmem:s14], [sflag:$0x1], $0x80, v3, vm1, $0xb8;
	[tilespmem:$0x6100] =	vst v63  }
0x6f: {  	v3 =	vld [tilespmem:$0x6090];
	_ =	sdelay $0x4  }
0x70: {  	v61 =	vshrl.u32 v3, $0x3  }
0x71: {  	v4 =	vmul.u32 $0x18, v61  }
0x72: {  	v3 =	vand.u32 $0x7, v3  }
0x73: {  	v3 =	vor.u32 v3, v4  }
0x74: {  	v4 =	vperm.xlane v3, v0;
	_ =	sdelay $0x1  }
0x75: {  	v4 =	vadd.s32 v1, v4;
	_ =	sdelay $0x1  }
0x76: {  	v3 =	vperm.xlane v3, v2;
	_ =	sdelay $0x1  }
0x77: {  	v3 =	vadd.s32 v1, v3  }
0x78: {  	[hbm4b:s3+s2] =	stream.indirect_vreg.scatter [tilespmem:s15], [sflag:$0x1], $0x80, v4, vm0, $0xb8;
	[tilespmem:$0x6100] =	vst v63  }
0x79: {  	_ = 	snop  }
0x7a: {  	[hbm4b:s7+s2] =	stream.indirect_vreg.scatter [tilespmem:s16], [sflag:$0x1], $0x80, v4, vm1, $0xb8;
	[tilespmem:$0x6100] =	vst v63  }
0x7b: {  	_ = 	snop  }
0x7c: {  	[hbm4b:s3+s2] =	stream.indirect_vreg.scatter [tilespmem:s17], [sflag:$0x1], $0x80, v3, vm0, $0xb8;
	[tilespmem:$0x6100] =	vst v63  }
0x7d: {  	_ = 	snop  }
0x7e: {  	[hbm4b:s7+s2] =	stream.indirect_vreg.scatter [tilespmem:s18], [sflag:$0x1], $0x80, v3, vm1, $0xb8;
	[tilespmem:$0x6100] =	vst v63  }
0x7f: {  	v3 =	vld [tilespmem:$0x60A0];
	_ =	sdelay $0x4  }
0x80: {  	v62 =	vshrl.u32 v3, $0x3  }
0x81: {  	v4 =	vmul.u32 $0x18, v62  }
0x82: {  	v3 =	vand.u32 $0x7, v3  }
0x83: {  	v3 =	vor.u32 v3, v4  }
0x84: {  	v4 =	vperm.xlane v3, v0;
	_ =	sdelay $0x1  }
0x85: {  	v4 =	vadd.s32 v1, v4;
	_ =	sdelay $0x1  }
0x86: {  	v3 =	vperm.xlane v3, v2;
	_ =	sdelay $0x1  }
0x87: {  	v3 =	vadd.s32 v1, v3  }
0x88: {  	[hbm4b:s3+s2] =	stream.indirect_vreg.scatter [tilespmem:s19], [sflag:$0x1], $0x80, v4, vm0, $0xb8;
	[tilespmem:$0x6100] =	vst v63  }
0x89: {  	_ = 	snop  }
0x8a: {  	[hbm4b:s7+s2] =	stream.indirect_vreg.scatter [tilespmem:s20], [sflag:$0x1], $0x80, v4, vm1, $0xb8;
	[tilespmem:$0x6100] =	vst v63  }
0x8b: {  	_ = 	snop  }
0x8c: {  	[hbm4b:s3+s2] =	stream.indirect_vreg.scatter [tilespmem:s21], [sflag:$0x1], $0x80, v3, vm0, $0xb8;
	[tilespmem:$0x6100] =	vst v63  }
0x8d: {  	_ = 	snop  }
0x8e: {  	[hbm4b:s7+s2] =	stream.indirect_vreg.scatter [tilespmem:s22], [sflag:$0x1], $0x80, v3, vm1, $0xb8;
	[tilespmem:$0x6100] =	vst v63  }
0x8f: {  	v3 =	vld [tilespmem:$0x60B0];
	_ =	sdelay $0x4  }
0x90: {  	v63 =	vshrl.u32 v3, $0x3  }
0x91: {  	v4 =	vmul.u32 $0x18, v63  }
0x92: {  	v3 =	vand.u32 $0x7, v3  }
0x93: {  	v3 =	vor.u32 v3, v4  }
0x94: {  	v4 =	vperm.xlane v3, v0;
	_ =	sdelay $0x1  }
0x95: {  	v4 =	vadd.s32 v1, v4;
	_ =	sdelay $0x1  }
0x96: {  	v3 =	vperm.xlane v3, v2;
	_ =	sdelay $0x1  }
0x97: {  	v3 =	vadd.s32 v1, v3  }
0x98: {  	[hbm4b:s3+s2] =	stream.indirect_vreg.scatter [tilespmem:s23], [sflag:$0x1], $0x80, v4, vm0, $0xb8;
	[tilespmem:$0x6100] =	vst v63  }
0x99: {  	_ = 	snop  }
0x9a: {  	[hbm4b:s7+s2] =	stream.indirect_vreg.scatter [tilespmem:s24], [sflag:$0x1], $0x80, v4, vm1, $0xb8;
	[tilespmem:$0x6100] =	vst v63  }
0x9b: {  	p0 =	sne.s32 s8, $0x1  }
0x9c: {  	[hbm4b:s3+s2] =	stream.indirect_vreg.scatter [tilespmem:s25], [sflag:$0x1], $0x80, v3, vm0, $0xb8;
	[tilespmem:$0x6100] =	vst v63  }
.Ltmp0:
0x9d: {  	_ = 	snop;
	(pc) =	sbr.rel @p0 .LBB2_1-.Ltmp0, $4  }
0x9e: {  	[hbm4b:s7+s2] =	stream.indirect_vreg.scatter [tilespmem:s26], [sflag:$0x1], $0x80, v3, vm1, $0xb8;
	[tilespmem:$0x6100] =	vst v63  }
0x9f: {  	_ =	swait.ge [sflag:s28], $0x6000  }
0xa0: {  	[sflag:s28] =	ssyncset.done $0x0  }
0xa1: {  	s8 =	sadd.s32 $0xFFFFFFFF, s8;
	[sflag:s28] =	ssyncadd.s32 $0xFFFFA000  }
0xa2: {  	_ =	sfence.sel $0x180000  }
0xa3: {  	[bflag:$0x0] =	sbarrier.arrive $0xFFFF  }
0xa4: {  	p0 =	sne.s32 s0, $0x0;
	_ =	strace $0x90000047  }
0xa5: {  	s0 =	sadd.s32 @!p0 $0x100000, s1;
	[bflag:$0x2] =	sbarrier.arrive $0xFFFF  }
0xa6: {  	[sflag:s0] =	ssyncadd.tile.s32 @!p0 $0x1;
	_ =	shalt  }
.Lfunc_end2:
_tile_overlayer_lowered:
.L_overlay_start_2:
0xa7: {  	(tag) =	ssettag $0x2  }
0xa8: {  	s0 =	rddreg [dreg:$0x0];
	s2 =	stileid.u32  }
0xa9: {  	s1 =	rddreg [dreg:$0x1];
	p0 =	sne.s32 s2, $0x0  }
0xaa: {  	s3 =	rddreg [dreg:$0x2];
	[bflag:$0x3] =	sbarrier.arrive $0xFFFF;
	s2 =	simm.s32 @!p0 $0x1C02  }
0xab: {  	[timem:s3], [sflag:s2] =	dma.local @!p0 [hbm:s0], s1  }
0xac: {  	s0 =	simm.s32 @!p0 $0x2  }
0xad: {  	_ =	swait.ge @!p0 [sflag:s0], s1  }
0xae: {  	s1 =	ssub.s32 @!p0 $0x0, s1;
	[sflag:s0] =	ssyncset.done @!p0 $0x0  }
0xaf: {  	[sflag:s0] =	ssyncadd.s32 @!p0 s1  }
0xb0: {  	[bflag:$0x3] =	sbarrier.arrive $0xFFFF  }
0xb1: {  	_ =	shalt  }

// kernel: kernel.9.cloned.1.call-start
scs
__scs_entry_jumppad:
0x0: {  	(pc) =	sbr.rel $0x88, $3  }
0x1: {  	(tag) =	ssettag $0x0;
	lr =	simm.s32 $0x1  }
0x2: {  	[smem:$0x3F96] =	sst lr;
	_ =	strace $0xD0000000  }
0x3: {  	_ = 	snop  }
0x4: {  	_ = 	snop  }
0x5: {  	_ = 	snop  }
0x6: {  	_ = 	snop  }
0x7: {  	_ = 	snop  }
__scs_overlays_trampoline_lowered:
0x8: {  	[smem:$0x3FA5] =	sst s0  }
0x9: {  	[smem:$0x3FA6] =	sst s1  }
0xa: {  	[smem:$0x3FA7] =	sst s2  }
0xb: {  	[smem:$0x3FA8] =	sst s3  }
0xc: {  	[smem:$0x3FA9] =	sst s4  }
0xd: {  	[smem:$0x3FAA] =	sst s5  }
0xe: {  	[smem:$0x3FAB] =	sst s6  }
0xf: {  	[smem:$0x3FAC] =	sst s7  }
0x10: {  	[smem:$0x3FAD] =	sst s8  }
0x11: {  	[smem:$0x3FAE] =	sst s9;
	s0 =	simm.s32 @!p0 $0x0  }
0x12: {  	s1 =	sld [smem:$0x3F94];
	s0 =	simm.s32 @p0 $0x1  }
0x13: {  	[smem:$0x3FAF] =	sst s0;
	s0 =	simm.s32 @!p1 $0x0  }
0x14: {  	s2 =	sld [smem:$0x3F93];
	s0 =	simm.s32 @p1 $0x1  }
0x15: {  	[smem:$0x3FB0] =	sst s0;
	s0 =	simm.s32 @!p2 $0x0  }
0x16: {  	s3 =	sld [smem:$0x3FDB];
	s0 =	simm.s32 @p2 $0x1  }
0x17: {  	s4 =	simm.s32 $0x1BF5;
	[smem:$0x3FB2] =	sst s0  }
0x18: {  	s0 =	sld [smem:$0x3F95];
	_ =	swait.ge [sflag:s4], $0x0  }
0x19: {  	s7 =	sld [smem:$0x3F96]  }
0x1a: {  	s8 =	sadd.s32 $0xFFFFE003, lr  }
0x1b: {  	s9 =	sadd.s32 $0xFFFFFEF7, lr;
	s5 =	simm.s32 $0xFFFFFFFF;
	p2 =	slt.u32 s8, $0xFFFFF086  }
0x1c: {  	p1 =	slt.u32 s9, $0xF7A;
	s5 =	simm.s32 @!p2 $0x0  }
0x1d: {  	s5 =	simm.s32 @p1 $0x1;
	p0 =	seq.s32 s7, s2  }
0x1e: {  	s7 =	smul.u32 @!p0 $0xF7A, s2;
	p2 =	seq.s32 @!p0 s5, $0x0  }
0x1f: {  	s9 =	smul.u32 $0xF7A, s1;
	s8 =	simm.s32 @!p0 $0x1BF5;
	p2 =	por !p2, p0  }
0x20: {  	[sflag:s8] =	ssyncset.s32 @!p0 $0xFFFFF086;
	s6 =	sadd.s32 @!p0 s3, s7;
	s7 =	simm.s32 @!p0 $0x108  }
0x21: {  	s3 =	sadd.s32 s3, s9;
	s6 =	sadd.s32 @!p0 $0x88, s6;
	s7 =	simm.s32 @p2 $0x1082  }
0x22: {  	[simem:s7], [sflag:s8] =	dma.local @!p0 [hbm:s6], $0xF7A  }
0x23: {  	s9 =	sor.u32 $0xD0000000, s2;
	s6 =	simm.s32 $0x108;
	_ =	swait.ge @!p0 [sflag:s8], $0x0  }
0x24: {  	s3 =	sadd.s32 $0x88, s3;
	s6 =	simm.s32 @!p1 $0x1082;
	[sflag:s4] =	ssyncset.s32 $0xFFFFF086  }
0x25: {  	[simem:s6], [sflag:s4] =	dma.local [hbm:s3], $0xF7A  }
0x26: {  	[smem:$0x3F96] =	sst s1;
	(tag) =	ssettag s2;
	_ =	strace s9  }
0x27: {  	s1 =	sld [smem:$0x3FA6]  }
0x28: {  	s2 =	sld [smem:$0x3FA7]  }
0x29: {  	s4 =	sld [smem:$0x3FA9]  }
0x2a: {  	p0 =	seq.s32 s5, $0x0;
	s5 =	sld [smem:$0x3FAA]  }
0x2b: {  	s6 =	sld [smem:$0x3FAB]  }
0x2c: {  	s7 =	sld [smem:$0x3FAC]  }
0x2d: {  	s3 =	simm.s32 $0x108;
	s8 =	sld [smem:$0x3FAD]  }
0x2e: {  	s3 =	simm.s32 @!p0 $0x1082;
	s9 =	sld [smem:$0x3FAE]  }
0x2f: {  	lr =	sadd.s32 s0, s3;
	s0 =	sld [smem:$0x3FA5]  }
0x30: {  	s3 =	sld [smem:$0x3FA8]  }
0x31: {  	[smem:$0x3FB1] =	sst s10  }
0x32: {  	s10 =	sld [smem:$0x3FAF];
	_ =	sdelay $0x3  }
0x33: {  	p0 =	seq.s32 s10, $0x1;
	s10 =	sld [smem:$0x3FB1];
	_ =	sdelay $0x3  }
0x34: {  	[smem:$0x3FB1] =	sst s10  }
0x35: {  	s10 =	sld [smem:$0x3FB0];
	_ =	sdelay $0x3  }
0x36: {  	p1 =	seq.s32 s10, $0x1;
	s10 =	sld [smem:$0x3FB1];
	_ =	sdelay $0x3  }
0x37: {  	[smem:$0x3FB1] =	sst s10  }
0x38: {  	s10 =	sld [smem:$0x3FB2]  }
0x39: {  	_ = 	snop;
	(pc) =	sbr.ind lr, $3  }
0x3a: {  	_ = 	snop  }
0x3b: {  	_ = 	snop  }
0x3c: {  	p2 =	seq.s32 s10, $0x1;
	s10 =	sld [smem:$0x3FB1]  }
0x3d: {  	_ =	shalt  }
0x3e: {  	_ =	shalt  }
0x3f: {  	_ =	shalt  }
0x40: {  	_ =	shalt  }
0x41: {  	_ =	shalt  }
0x42: {  	_ =	shalt  }
0x43: {  	_ =	shalt  }
0x44: {  	_ =	shalt  }
0x45: {  	_ =	shalt  }
0x46: {  	_ =	shalt  }
0x47: {  	_ =	shalt  }
0x48: {  	_ =	shalt  }
0x49: {  	_ =	shalt  }
0x4a: {  	_ =	shalt  }
0x4b: {  	_ =	shalt  }
0x4c: {  	_ =	shalt  }
0x4d: {  	_ =	shalt  }
0x4e: {  	_ =	shalt  }
0x4f: {  	_ =	shalt  }
0x50: {  	_ =	shalt  }
0x51: {  	_ =	shalt  }
0x52: {  	_ =	shalt  }
0x53: {  	_ =	shalt  }
0x54: {  	_ =	shalt  }
0x55: {  	_ =	shalt  }
0x56: {  	_ =	shalt  }
0x57: {  	_ =	shalt  }
0x58: {  	_ =	shalt  }
0x59: {  	_ =	shalt  }
0x5a: {  	_ =	shalt  }
0x5b: {  	_ =	shalt  }
0x5c: {  	_ =	shalt  }
0x5d: {  	_ =	shalt  }
0x5e: {  	_ =	shalt  }
0x5f: {  	_ =	shalt  }
0x60: {  	_ =	shalt  }
0x61: {  	_ =	shalt  }
0x62: {  	_ =	shalt  }
0x63: {  	_ =	shalt  }
0x64: {  	_ =	shalt  }
0x65: {  	_ =	shalt  }
0x66: {  	_ =	shalt  }
0x67: {  	_ =	shalt  }
0x68: {  	_ =	shalt  }
0x69: {  	_ =	shalt  }
0x6a: {  	_ =	shalt  }
0x6b: {  	_ =	shalt  }
0x6c: {  	_ =	shalt  }
0x6d: {  	_ =	shalt  }
0x6e: {  	_ =	shalt  }
0x6f: {  	_ =	shalt  }
0x70: {  	_ =	shalt  }
0x71: {  	_ =	shalt  }
0x72: {  	_ =	shalt  }
0x73: {  	_ =	shalt  }
0x74: {  	_ =	shalt  }
0x75: {  	_ =	shalt  }
0x76: {  	_ =	shalt  }
0x77: {  	_ =	shalt  }
0x78: {  	_ =	shalt  }
0x79: {  	_ =	shalt  }
0x7a: {  	_ =	shalt  }
0x7b: {  	_ =	shalt  }
0x7c: {  	_ =	shalt  }
0x7d: {  	_ =	shalt  }
0x7e: {  	_ =	shalt  }
0x7f: {  	_ =	shalt  }
0x80: {  	_ =	shalt  }
0x81: {  	_ =	shalt  }
0x82: {  	_ =	shalt  }
0x83: {  	_ =	shalt  }
0x84: {  	_ =	shalt  }
0x85: {  	_ =	shalt  }
0x86: {  	_ =	shalt  }
0x87: {  	_ =	shalt  }
.Lfunc_end0:
.L_simem_size_0:
called_computation.1_lowered:
.L_overlay_start_0:
0x88: {  	s2 =	sld [smem:$0x3FD9]  }
0x89: {  	s3 =	sld [smem:$0x3FFE];
	_ =	sdelay $0x1  }
0x8a: {  	s1 =	srdreg.scid  }
0x8b: {  	s0 =	sand.u32 $0x1, s1  }
0x8c: {  	s17 =	sshll.u32 s0, $0xA;
	s2 =	sadd.s32 s3, s2  }
0x8d: {  	s2 =	sadd.s32 s2, s17  }
0x8e: {  	[smem:$0x3FBD] =	sst s2  }
0x8f: {  	_ = 	snop  }
0x90: {  	s2 =	sld [smem:$0x3FD0];
	(tm) =	ssettm $0x1  }
0x91: {  	s18 =	sld [smem:$0x3FFB];
	_ =	sdelay $0x3  }
0x92: {  	_ =	strace s18  }
0x93: {  	s3 =	sld [smem:$0x3FFC];
	_ =	sdelay $0x3  }
0x94: {  	_ =	strace s3  }
0x95: {  	s3 =	sld [smem:$0x3FFD];
	_ =	sdelay $0x3  }
0x96: {  	_ =	strace s3  }
0x97: {  	_ =	strace $0x8FFFFFFF  }
0x98: {  	s19 =	sld [smem:$0x3FDB];
	_ =	sdelay $0x1  }
0x99: {  	s4 =	simm.s32 $_scs_section_size  }
0x9a: {  	s5 =	simm.s32 $_size__tile_overlayer_lowered;
	s6 =	simm.s32 $_tile_overlayer_lowered  }
0x9b: {  	s22 =	simm.s32 $0x1BFF;
	s21 =	sshll.u32 s6, $0x1;
	s3 =	sadd.s32 s4, s19  }
0x9c: {  	s7 =	simm.s32 $0x0;
	s20 =	sshll.u32 s5, $0x1;
	s5 =	sadd.s32 s21, s3  }
0x9d: {  	[timem:s7], [sflag:s22] =	dma.local [hbm:s5], s20  }
0x9e: {  	_ =	swait.ge [sflag:s22], s20  }
0x9f: {  	s4 =	ssub.s32 $0x0, s20;
	[sflag:s22] =	ssyncset.done $0x0  }
0xa0: {  	[sflag:s22] =	ssyncadd.s32 s4;
	_ =	sdelay $0x1  }
0xa1: {  	s23 =	simm.s32 $0x1B8B  }
0xa2: {  	_ =	swait.ge [sflag:s23], $0x1  }
0xa3: {  	[sflag:s23] =	ssyncset.done $0x0  }
0xa4: {  	s25 =	simm.s32 $0x1B8E;
	s24 =	sld [smem:$0x3FFE];
	[sflag:s23] =	ssyncadd.s32 $0xFFFFFFFF  }
0xa5: {  	s26 =	simm.s32 $execute0_lowered;
	[smem:$0x3FD2] =	sst s25  }
0xa6: {  	s5 =	sshll.u32 s26, $0x1;
	_ =	strace $0x80000049;
	[dreg:$0x1] =	wrdreg $0xFFFFFFFF  }
0xa7: {  	s28 =	simm.s32 $_size_execute0_lowered;
	s3 =	sadd.s32 s3, s5;
	[dreg:$0x0] =	wrdreg $0x0  }
0xa8: {  	s5 =	sshll.u32 s28, $0x1;
	[dreg:$0x2] =	wrdreg s3  }
0xa9: {  	[dreg:$0x3] =	wrdreg s5  }
0xaa: {  	[dreg:$0x4] =	wrdreg $0xC0  }
0xab: {  	_ =	task [dreg:s7], $0x5FFFF  }
0xac: {  	[dreg:$0x1] =	wrdreg $0xFFFFFFFF  }
0xad: {  	[dreg:$0x0] =	wrdreg $0x60  }
0xae: {  	[dreg:$0x2] =	wrdreg s24  }
0xaf: {  	[dreg:$0x3] =	wrdreg s2  }
0xb0: {  	[dreg:$0x4] =	wrdreg $0x9  }
0xb1: {  	_ =	task.clear_ibuf [dreg:s7], $0x5FFFF;
	_ =	strace $0x90000049  }
0xb2: {  	s29 =	simm.s32 $0x9;
	_ =	strace $0x8000004B  }
0xb3: {  	_ =	swait.ge [sflag:s29], $0x1  }
0xb4: {  	[sflag:s29] =	ssyncadd.s32 $0xFFFFFFFF  }
0xb5: {  	_ =	strace $0x9000004B  }
0xb6: {  	_ =	sfence  }
0xb7: {  	s30 =	sld [smem:$0x0];
	_ =	sdelay $0x2  }
0xb8: {  	s31 =	sshll.u32 s1, $0xD;
	s1 =	sshrl.u32 s1, $0x2  }
0xb9: {  	s3 =	sand.u32 $0x4000, s31;
	s1 =	sadd.s32 s1, s30  }
0xba: {  	s0 =	sor.u32 s3, s0;
	s1 =	sshll.u32 s1, $0x11  }
0xbb: {  	s0 =	sor.u32 s1, s0  }
0xbc: {  	s0 =	sadd.s32 $0x8F2B, s0  }
0xbd: {  	[sflag:s0] =	ssyncadd.remote.s32 $0x1  }
0xbe: {  	_ =	sfence.sel $0xFFFF  }
0xbf: {  	[dreg:$0x0] =	wrdreg $0xFFFFFFFF;
	(pc) =	sbr.abs _section_cstart, $3  }
0xc0: {  	[dreg:$0x1] =	wrdreg $0xFFFFFFFF  }
0xc1: {  	_ =	task.clear_ibuf [dreg:s7], $0x2FFFF;
	_ =	strace $0x9FFFFFFF  }
0xc2: {  	(tm) =	ssettm $0x7FFFFFFF  }
0xc3: {  	_ =	shalt  }
tec
execute0_lowered:
.L_overlay_start_1:
0x0: {  	(tag) =	ssettag $0x1  }
0x1: {  	s0 =	rddreg [dreg:$0x0]  }
0x2: {  	s1 =	rddreg [dreg:$0x1]  }
0x3: {  	s2 =	srdreg.scid;
	s3 =	stileid.u32  }
0x4: {  	s13 =	simm.s32 $0x2;
	s31 =	simm.s32 $0x1;
	s17 =	simm.s32 $0x8400  }
0x5: {  	s18 =	simm.s32 $0x8C00;
	s19 =	simm.s32 $0x9000;
	s20 =	simm.s32 $0x9800  }
0x6: {  	s21 =	simm.s32 $0x9C00;
	s22 =	simm.s32 $0xA400;
	s23 =	simm.s32 $0xA800  }
0x7: {  	s24 =	simm.s32 $0xB000;
	s25 =	simm.s32 $0xB400;
	s26 =	simm.s32 $0xBC00  }
0x8: {  	s28 =	simm.s32 $0xC000;
	s29 =	simm.s32 $0x0;
	s4 =	sand.u32 $0x1, s2  }
0x9: {  	s2 =	simm.s32 $0x0;
	s3 =	sshll.u32 s3, $0x7;
	s5 =	sshll.u32 s4, $0x6  }
0xa: {  	[smem:$0x7FF] =	sst s2;
	s4 =	ssub.s32 $0x2, s4;
	s5 =	sor.u32 s5, s3  }
0xb: {  	_ =	strace $0x8000004A;
	s3 =	sadd.s32 $0x39E00, s0;
	s30 =	sshrl.u32 s4, $0x1  }
0xc: {  	s6 =	sshrl.u32 s5, $0x3;
	s8 =	sshll.u32 s5, $0x4;
	s11 =	ssub.s32 s4, s30  }
0xd: {  	s7 =	smul.u32 $0x180, s6;
	s6 =	sadd.s32 s6, s0;
	s9 =	sadd.s32 s8, s0  }
0xe: {  	v2 =	vlaneseq.u32;
	s8 =	sadd.s32 s1, s8;
	s11 =	smax.u32 s11, $0x1;
	s4 =	sadd.s32 $0x39A00, s6  }
0xf: {  	vm0 =	vmmov $0xffff;
	vm1 =	vmmov $0xff;
	v1 =	vshrl.u32 v2, $0x3;
	s5 =	sadd.s32 $0x39C00, s6;
	s6 =	sadd.s32 $0x39F00, s0;
	s10 =	sadd.s32 s7, s0  }
0x10: {  	v0 =	vand.u32 $0x7, v2;
	v2 =	vor.u32 $0x8, v2;
	v1 =	vmul.u32 $0x8, v1;
	s9 =	sadd.s32 $0x31A00, s9;
	s7 =	sadd.s32 $0x19A00, s10;
	s10 =	sadd.s32 $0x1A00, s10  }
.LBB2_1:
0x11: {  	s0 =	simm.s32 $0x12000  }
0x12: {  	[tilespmem:s0], [sflag:$0x2] =	stream.linear.gather [hbm4b:s4+s2], $0x40, $0x38;
	[tilespmem:$0x16100] =	vst v63  }
0x13: {  	_ =	swait.ge [sflag:s13], $0x40  }
0x14: {  	[sflag:s13] =	ssyncset.done $0x0  }
0x15: {  	s14 =	simm.s32 $0x12080;
	[sflag:s13] =	ssyncadd.s32 $0xFFFFFFC0  }
0x16: {  	[tilespmem:s14], [sflag:$0x2] =	stream.linear.gather [hbm4b:s5+s2], $0x40, $0x38;
	[tilespmem:$0x16100] =	vst v63  }
0x17: {  	_ =	swait.ge [sflag:s13], $0x40  }
0x18: {  	[sflag:s13] =	ssyncset.done $0x0  }
0x19: {  	[sflag:s13] =	ssyncadd.s32 $0xFFFFFFC0  }
0x1a: {  	v3 =	vld [tilespmem:$0x12000];
	_ =	sdelay $0x4  }
0x1b: {  	v4 =	vshrl.u32 v3, $0x3  }
0x1c: {  	v4 =	vmul.u32 $0x18, v4  }
0x1d: {  	v3 =	vand.u32 $0x7, v3  }
0x1e: {  	v3 =	vor.u32 v3, v4  }
0x1f: {  	v4 =	vperm.xlane v3, v0;
	_ =	sdelay $0x1  }
0x20: {  	v4 =	vadd.s32 v1, v4;
	_ =	sdelay $0x1  }
0x21: {  	v3 =	vperm.xlane v3, v2;
	_ =	sdelay $0x1  }
0x22: {  	v3 =	vadd.s32 v1, v3  }
0x23: {  	[tilespmem:s2], [sflag:$0x1] =	stream.indirect_vreg.gather [hbm4b:s3+s2], $0x80, v4, vm0, $0xb8;
	[tilespmem:$0x16100] =	vst v63  }
0x24: {  	s15 =	simm.s32 $0x800  }
0x25: {  	[tilespmem:s15], [sflag:$0x1] =	stream.indirect_vreg.gather [hbm4b:s6+s2], $0x80, v4, vm1, $0xb8;
	[tilespmem:$0x16100] =	vst v63  }
0x26: {  	s16 =	simm.s32 $0xC00  }
0x27: {  	[tilespmem:s16], [sflag:$0x1] =	stream.indirect_vreg.gather [hbm4b:s3+s2], $0x80, v3, vm0, $0xb8;
	[tilespmem:$0x16100] =	vst v63  }
0x28: {  	s1 =	simm.s32 $0x1400  }
0x29: {  	[tilespmem:s1], [sflag:$0x1] =	stream.indirect_vreg.gather [hbm4b:s6+s2], $0x80, v3, vm1, $0xb8;
	[tilespmem:$0x16100] =	vst v63  }
0x2a: {  	v3 =	vld [tilespmem:$0x12010];
	_ =	sdelay $0x4  }
0x2b: {  	v4 =	vshrl.u32 v3, $0x3  }
0x2c: {  	v4 =	vmul.u32 $0x18, v4  }
0x2d: {  	v3 =	vand.u32 $0x7, v3  }
0x2e: {  	v3 =	vor.u32 v3, v4  }
0x2f: {  	v4 =	vperm.xlane v3, v0;
	_ =	sdelay $0x1  }
0x30: {  	v4 =	vadd.s32 v1, v4;
	_ =	sdelay $0x1  }
0x31: {  	v3 =	vperm.xlane v3, v2;
	_ =	sdelay $0x1  }
0x32: {  	s12 =	simm.s32 $0x1800;
	v3 =	vadd.s32 v1, v3  }
0x33: {  	[tilespmem:s12], [sflag:$0x1] =	stream.indirect_vreg.gather [hbm4b:s3+s2], $0x80, v4, vm0, $0xb8;
	[tilespmem:$0x16100] =	vst v63  }
0x34: {  	s14 =	simm.s32 $0x2000  }
0x35: {  	[tilespmem:s14], [sflag:$0x1] =	stream.indirect_vreg.gather [hbm4b:s6+s2], $0x80, v4, vm1, $0xb8;
	[tilespmem:$0x16100] =	vst v63  }
0x36: {  	s15 =	simm.s32 $0x2400  }
0x37: {  	[tilespmem:s15], [sflag:$0x1] =	stream.indirect_vreg.gather [hbm4b:s3+s2], $0x80, v3, vm0, $0xb8;
	[tilespmem:$0x16100] =	vst v63  }
0x38: {  	s16 =	simm.s32 $0x2C00  }
0x39: {  	[tilespmem:s16], [sflag:$0x1] =	stream.indirect_vreg.gather [hbm4b:s6+s2], $0x80, v3, vm1, $0xb8;
	[tilespmem:$0x16100] =	vst v63  }
0x3a: {  	v3 =	vld [tilespmem:$0x12020];
	_ =	sdelay $0x4  }
0x3b: {  	v4 =	vshrl.u32 v3, $0x3  }
0x3c: {  	v4 =	vmul.u32 $0x18, v4  }
0x3d: {  	v3 =	vand.u32 $0x7, v3  }
0x3e: {  	v3 =	vor.u32 v3, v4  }
0x3f: {  	v4 =	vperm.xlane v3, v0;
	_ =	sdelay $0x1  }
0x40: {  	v4 =	vadd.s32 v1, v4;
	_ =	sdelay $0x1  }
0x41: {  	v3 =	vperm.xlane v3, v2;
	_ =	sdelay $0x1  }
0x42: {  	s1 =	simm.s32 $0x3000;
	v3 =	vadd.s32 v1, v3  }
0x43: {  	[tilespmem:s1], [sflag:$0x1] =	stream.indirect_vreg.gather [hbm4b:s3+s2], $0x80, v4, vm0, $0xb8;
	[tilespmem:$0x16100] =	vst v63  }
0x44: {  	s12 =	simm.s32 $0x3800  }
0x45: {  	[tilespmem:s12], [sflag:$0x1] =	stream.indirect_vreg.gather [hbm4b:s6+s2], $0x80, v4, vm1, $0xb8;
	[tilespmem:$0x16100] =	vst v63  }
0x46: {  	s14 =	simm.s32 $0x3C00  }
0x47: {  	[tilespmem:s14], [sflag:$0x1] =	stream.indirect_vreg.gather [hbm4b:s3+s2], $0x80, v3, vm0, $0xb8;
	[tilespmem:$0x16100] =	vst v63  }
0x48: {  	s15 =	simm.s32 $0x4400  }
0x49: {  	[tilespmem:s15], [sflag:$0x1] =	stream.indirect_vreg.gather [hbm4b:s6+s2], $0x80, v3, vm1, $0xb8;
	[tilespmem:$0x16100] =	vst v63  }
0x4a: {  	v3 =	vld [tilespmem:$0x12030];
	_ =	sdelay $0x4  }
0x4b: {  	v4 =	vshrl.u32 v3, $0x3  }
0x4c: {  	v4 =	vmul.u32 $0x18, v4  }
0x4d: {  	v3 =	vand.u32 $0x7, v3  }
0x4e: {  	v3 =	vor.u32 v3, v4  }
0x4f: {  	v4 =	vperm.xlane v3, v0;
	_ =	sdelay $0x1  }
0x50: {  	v4 =	vadd.s32 v1, v4;
	_ =	sdelay $0x1  }
0x51: {  	v3 =	vperm.xlane v3, v2;
	_ =	sdelay $0x1  }
0x52: {  	s16 =	simm.s32 $0x4800;
	v3 =	vadd.s32 v1, v3  }
0x53: {  	[tilespmem:s16], [sflag:$0x1] =	stream.indirect_vreg.gather [hbm4b:s3+s2], $0x80, v4, vm0, $0xb8;
	[tilespmem:$0x16100] =	vst v63  }
0x54: {  	s1 =	simm.s32 $0x5000  }
0x55: {  	[tilespmem:s1], [sflag:$0x1] =	stream.indirect_vreg.gather [hbm4b:s6+s2], $0x80, v4, vm1, $0xb8;
	[tilespmem:$0x16100] =	vst v63  }
0x56: {  	s12 =	simm.s32 $0x5400  }
0x57: {  	[tilespmem:s12], [sflag:$0x1] =	stream.indirect_vreg.gather [hbm4b:s3+s2], $0x80, v3, vm0, $0xb8;
	[tilespmem:$0x16100] =	vst v63  }
0x58: {  	s14 =	simm.s32 $0x5C00  }
0x59: {  	[tilespmem:s14], [sflag:$0x1] =	stream.indirect_vreg.gather [hbm4b:s6+s2], $0x80, v3, vm1, $0xb8;
	[tilespmem:$0x16100] =	vst v63  }
0x5a: {  	_ =	swait.ge [sflag:s31], $0x6000  }
0x5b: {  	[sflag:s31] =	ssyncset.done $0x0  }
0x5c: {  	[sflag:s31] =	ssyncadd.s32 $0xFFFFA000  }
0x5d: {  	v3 =	vld [tilespmem:$0x12080];
	_ =	sdelay $0x4  }
0x5e: {  	v4 =	vshrl.u32 v3, $0x3  }
0x5f: {  	v4 =	vmul.u32 $0x18, v4  }
0x60: {  	v3 =	vand.u32 $0x7, v3  }
0x61: {  	v3 =	vor.u32 v3, v4  }
0x62: {  	v4 =	vperm.xlane v3, v0;
	_ =	sdelay $0x1  }
0x63: {  	v4 =	vadd.s32 v1, v4;
	_ =	sdelay $0x1  }
0x64: {  	v3 =	vperm.xlane v3, v2;
	_ =	sdelay $0x1  }
0x65: {  	s15 =	simm.s32 $0x6000;
	v3 =	vadd.s32 v1, v3  }
0x66: {  	[tilespmem:s15], [sflag:$0x1] =	stream.indirect_vreg.gather [hbm4b:s3+s2], $0x80, v4, vm0, $0xb8;
	[tilespmem:$0x16100] =	vst v63  }
0x67: {  	s16 =	simm.s32 $0x6800  }
0x68: {  	[tilespmem:s16], [sflag:$0x1] =	stream.indirect_vreg.gather [hbm4b:s6+s2], $0x80, v4, vm1, $0xb8;
	[tilespmem:$0x16100] =	vst v63  }
0x69: {  	s1 =	simm.s32 $0x6C00  }
0x6a: {  	[tilespmem:s1], [sflag:$0x1] =	stream.indirect_vreg.gather [hbm4b:s3+s2], $0x80, v3, vm0, $0xb8;
	[tilespmem:$0x16100] =	vst v63  }
0x6b: {  	s12 =	simm.s32 $0x7400  }
0x6c: {  	[tilespmem:s12], [sflag:$0x1] =	stream.indirect_vreg.gather [hbm4b:s6+s2], $0x80, v3, vm1, $0xb8;
	[tilespmem:$0x16100] =	vst v63  }
0x6d: {  	v3 =	vld [tilespmem:$0x12090];
	_ =	sdelay $0x4  }
0x6e: {  	v4 =	vshrl.u32 v3, $0x3  }
0x6f: {  	v4 =	vmul.u32 $0x18, v4  }
0x70: {  	v3 =	vand.u32 $0x7, v3  }
0x71: {  	v3 =	vor.u32 v3, v4  }
0x72: {  	v4 =	vperm.xlane v3, v0;
	_ =	sdelay $0x1  }
0x73: {  	v4 =	vadd.s32 v1, v4;
	_ =	sdelay $0x1  }
0x74: {  	v3 =	vperm.xlane v3, v2;
	_ =	sdelay $0x1  }
0x75: {  	s14 =	simm.s32 $0x7800;
	v3 =	vadd.s32 v1, v3  }
0x76: {  	[tilespmem:s14], [sflag:$0x1] =	stream.indirect_vreg.gather [hbm4b:s3+s2], $0x80, v4, vm0, $0xb8;
	[tilespmem:$0x16100] =	vst v63  }
0x77: {  	s15 =	simm.s32 $0x8000  }
0x78: {  	[tilespmem:s15], [sflag:$0x1] =	stream.indirect_vreg.gather [hbm4b:s6+s2], $0x80, v4, vm1, $0xb8;
	[tilespmem:$0x16100] =	vst v63  }
0x79: {  	_ = 	snop  }
0x7a: {  	[tilespmem:s17], [sflag:$0x1] =	stream.indirect_vreg.gather [hbm4b:s3+s2], $0x80, v3, vm0, $0xb8;
	[tilespmem:$0x16100] =	vst v63  }
0x7b: {  	_ = 	snop  }
0x7c: {  	[tilespmem:s18], [sflag:$0x1] =	stream.indirect_vreg.gather [hbm4b:s6+s2], $0x80, v3, vm1, $0xb8;
	[tilespmem:$0x16100] =	vst v63  }
0x7d: {  	v3 =	vld [tilespmem:$0x120A0];
	_ =	sdelay $0x4  }
0x7e: {  	v4 =	vshrl.u32 v3, $0x3  }
0x7f: {  	v4 =	vmul.u32 $0x18, v4  }
0x80: {  	v3 =	vand.u32 $0x7, v3  }
0x81: {  	v3 =	vor.u32 v3, v4  }
0x82: {  	v4 =	vperm.xlane v3, v0;
	_ =	sdelay $0x1  }
0x83: {  	v4 =	vadd.s32 v1, v4;
	_ =	sdelay $0x1  }
0x84: {  	v3 =	vperm.xlane v3, v2;
	_ =	sdelay $0x1  }
0x85: {  	v3 =	vadd.s32 v1, v3  }
0x86: {  	[tilespmem:s19], [sflag:$0x1] =	stream.indirect_vreg.gather [hbm4b:s3+s2], $0x80, v4, vm0, $0xb8;
	[tilespmem:$0x16100] =	vst v63  }
0x87: {  	_ = 	snop  }
0x88: {  	[tilespmem:s20], [sflag:$0x1] =	stream.indirect_vreg.gather [hbm4b:s6+s2], $0x80, v4, vm1, $0xb8;
	[tilespmem:$0x16100] =	vst v63  }
0x89: {  	_ = 	snop  }
0x8a: {  	[tilespmem:s21], [sflag:$0x1] =	stream.indirect_vreg.gather [hbm4b:s3+s2], $0x80, v3, vm0, $0xb8;
	[tilespmem:$0x16100] =	vst v63  }
0x8b: {  	_ = 	snop  }
0x8c: {  	[tilespmem:s22], [sflag:$0x1] =	stream.indirect_vreg.gather [hbm4b:s6+s2], $0x80, v3, vm1, $0xb8;
	[tilespmem:$0x16100] =	vst v63  }
0x8d: {  	v3 =	vld [tilespmem:$0x120B0];
	_ =	sdelay $0x4  }
0x8e: {  	v4 =	vshrl.u32 v3, $0x3  }
0x8f: {  	v4 =	vmul.u32 $0x18, v4  }
0x90: {  	v3 =	vand.u32 $0x7, v3  }
0x91: {  	v3 =	vor.u32 v3, v4  }
0x92: {  	v4 =	vperm.xlane v3, v0;
	_ =	sdelay $0x1  }
0x93: {  	v4 =	vadd.s32 v1, v4;
	_ =	sdelay $0x1  }
0x94: {  	v3 =	vperm.xlane v3, v2;
	_ =	sdelay $0x1  }
0x95: {  	v3 =	vadd.s32 v1, v3  }
0x96: {  	[tilespmem:s23], [sflag:$0x1] =	stream.indirect_vreg.gather [hbm4b:s3+s2], $0x80, v4, vm0, $0xb8;
	[tilespmem:$0x16100] =	vst v63  }
0x97: {  	_ = 	snop  }
0x98: {  	[tilespmem:s24], [sflag:$0x1] =	stream.indirect_vreg.gather [hbm4b:s6+s2], $0x80, v4, vm1, $0xb8;
	[tilespmem:$0x16100] =	vst v63  }
0x99: {  	_ = 	snop  }
0x9a: {  	[tilespmem:s25], [sflag:$0x1] =	stream.indirect_vreg.gather [hbm4b:s3+s2], $0x80, v3, vm0, $0xb8;
	[tilespmem:$0x16100] =	vst v63  }
0x9b: {  	_ = 	snop  }
0x9c: {  	[tilespmem:s26], [sflag:$0x1] =	stream.indirect_vreg.gather [hbm4b:s6+s2], $0x80, v3, vm1, $0xb8;
	[tilespmem:$0x16100] =	vst v63  }
0x9d: {  	_ =	swait.ge [sflag:s31], $0x6000  }
0x9e: {  	[sflag:s31] =	ssyncset.done $0x0  }
0x9f: {  	[sflag:s31] =	ssyncadd.s32 $0xFFFFA000  }
0xa0: {  	[tilespmem:s28], [sflag:$0x2] =	stream.linear.gather [hbm4b:s7+s2], $0x6000, $0x38;
	[tilespmem:$0x16100] =	vst v63  }
0xa1: {  	_ =	swait.ge [sflag:s13], $0x6000  }
0xa2: {  	[sflag:s13] =	ssyncset.done $0x0  }
0xa3: {  	s30 =	simm.s32 $0x12100;
	[sflag:s13] =	ssyncadd.s32 $0xFFFFA000  }
0xa4: {  	[tilespmem:s30], [sflag:$0x2] =	stream.linear.gather [hbm4b:s8+s2], $0x2000, $0x38;
	[tilespmem:$0x16100] =	vst v63  }
0xa5: {  	_ =	swait.ge [sflag:s13], $0x2000  }
0xa6: {  	[sflag:s13] =	ssyncset.done $0x0  }
0xa7: {  	s0 =	simm.s32 $0x14100;
	s1 =	simm.s32 $0x0;
	[sflag:s13] =	ssyncadd.s32 $0xFFFFE000  }
0xa8: {  	[tilespmem:s0], [sflag:$0x2] =	stream.linear.gather [hbm4b:s9+s2], $0x2000, $0x38;
	[tilespmem:$0x16100] =	vst v63  }
0xa9: {  	s1 =	smul.u32 $0xC00, s1;
	_ =	swait.ge [sflag:s13], $0x2000  }
0xaa: {  	s12 =	sand.u32 $0x380, s2;
	[sflag:s13] =	ssyncset.done $0x0  }
0xab: {  	s14 =	sor.u32 s12, s1;
	[sflag:s13] =	ssyncadd.s32 $0xFFFFE000  }
0xac: {  	v4 =	vld [tilespmem:s14+$0x6000]  }
0xad: {  	v11 =	vld [tilespmem:s14+$0xC010]  }
0xae: {  	v12 =	vld [tilespmem:s14+$0x6010]  }
0xaf: {  	v13 =	vld [tilespmem:s14+$0xC020]  }
0xb0: {  	v14 =	vld [tilespmem:s14+$0x6020]  }
0xb1: {  	v15 =	vld [tilespmem:s14+$0xC030]  }
0xb2: {  	v16 =	vld [tilespmem:s14+$0x6030]  }
0xb3: {  	v17 =	vld [tilespmem:s14+$0xC040]  }
0xb4: {  	v18 =	vld [tilespmem:s14+$0x6040]  }
0xb5: {  	v19 =	vld [tilespmem:s14+$0xC050]  }
0xb6: {  	v20 =	vld [tilespmem:s14+$0x6050]  }
0xb7: {  	v21 =	vld [tilespmem:s14+$0xC060]  }
0xb8: {  	v22 =	vld [tilespmem:s14+$0x6060]  }
0xb9: {  	v23 =	vld [tilespmem:s14+$0xC070]  }
0xba: {  	v24 =	vld [tilespmem:s14+$0x6070]  }
0xbb: {  	v25 =	vld [tilespmem:s14+$0xC400]  }
0xbc: {  	v26 =	vld [tilespmem:s14+$0x6400]  }
0xbd: {  	v27 =	vld [tilespmem:s14+$0xC410]  }
0xbe: {  	v28 =	vld [tilespmem:s14+$0x6410]  }
0xbf: {  	v29 =	vld [tilespmem:s14+$0x6420]  }
0xc0: {  	v30 =	vld [tilespmem:s14+$0x6430]  }
0xc1: {  	v31 =	vld [tilespmem:s14+$0x6440]  }
0xc2: {  	v32 =	vld [tilespmem:s14+$0x6450]  }
0xc3: {  	v33 =	vld [tilespmem:s14+$0x6460]  }
0xc4: {  	v34 =	vld [tilespmem:s14+$0x6470]  }
0xc5: {  	v35 =	vld [tilespmem:s14+$0x6800]  }
0xc6: {  	v36 =	vld [tilespmem:s14+$0x6810]  }
0xc7: {  	v37 =	vld [tilespmem:s14+$0x6820]  }
0xc8: {  	v3 =	vld [tilespmem:s14+$0x6830]  }
0xc9: {  	v9 =	vld [tilespmem:s14+$0x6840]  }
0xca: {  	v10 =	vld [tilespmem:s14+$0x6850]  }
0xcb: {  	v8 =	vld [tilespmem:s14+$0x6860]  }
0xcc: {  	v5 =	vld [tilespmem:s14+$0x6870]  }
0xcd: {  	v38 =	vld [tilespmem:s14+$0x10]  }
0xce: {  	v39 =	vld [tilespmem:s14+$0x20]  }
0xcf: {  	v40 =	vld [tilespmem:s14+$0x60]  }
0xd0: {  	v41 =	vld [tilespmem:s14+$0x70]  }
0xd1: {  	v42 =	vld [tilespmem:s14+$0x400]  }
0xd2: {  	v7 =	vld [tilespmem:s30+$0x0]  }
0xd3: {  	v43 =	vld [tilespmem:s14+$0x420]  }
0xd4: {  	v6 =	vld [tilespmem:s0+$0x0]  }
0xd5: {  	v44 =	vld [tilespmem:s14+$0xC420]  }
0xd6: {  	v47 =	vld [tilespmem:s14+$0x50]  }
0xd7: {  	v45 =	vld [tilespmem:s14+$0x30];
	v42 =	vmul.f32 v42, v7  }
0xd8: {  	v46 =	vld [tilespmem:s14+$0x40];
	v43 =	vmul.f32 v43, v7;
	v40 =	vmul.f32 v40, v7  }
0xd9: {  	v48 =	vld [tilespmem:s14+$0x410];
	v41 =	vmul.f32 v41, v7;
	v29 =	vmul.f32 v29, v6  }
0xda: {  	v49 =	vld [tilespmem:s14+$0x430];
	v24 =	vmul.f32 v24, v6;
	v26 =	vmul.f32 v26, v6  }
0xdb: {  	v58 =	vld [tilespmem:s14+$0x440];
	v22 =	vmul.f32 v22, v6;
	v61 =	vmul.f32 v47, v7  }
0xdc: {  	v59 =	vld [tilespmem:s14+$0x450];
	v20 =	vmul.f32 v20, v6;
	v25 =	vadd.f32 v42, v25;
	v23 =	vadd.f32 v41, v23  }
0xdd: {  	v60 =	vld [tilespmem:s14+$0x460];
	v62 =	vmul.f32 v45, v7;
	v18 =	vmul.f32 v18, v6;
	v57 =	vadd.f32 v43, v44  }
0xde: {  	v63 =	vld [tilespmem:s14+$0x810];
	v23 =	vadd.f32 v24, v23;
	v24 =	vadd.f32 v26, v25;
	v26 =	vmul.f32 v46, v7  }
0xdf: {  	v39 =	vmul.f32 v39, v7;
	v21 =	vadd.f32 v40, v21;
	v19 =	vadd.f32 v61, v19;
	v25 =	vld [tilespmem:s14+$0x470]  }
0xe0: {  	v16 =	vmul.f32 v16, v6;
	v29 =	vadd.f32 v29, v57;
	v17 =	vadd.f32 v26, v17;
	v26 =	vld [tilespmem:s14+$0xC430]  }
0xe1: {  	v14 =	vmul.f32 v14, v6;
	v15 =	vadd.f32 v62, v15;
	v21 =	vadd.f32 v22, v21;
	v22 =	vld [tilespmem:s14+$0x800]  }
0xe2: {  	v13 =	vadd.f32 v39, v13;
	v19 =	vadd.f32 v20, v19;
	v20 =	vld [tilespmem:s14+$0x820];
	[tilespmem:s14+$0xC420] =	vst v29;
	v29 =	vmul.f32 v38, v7  }
0xe3: {  	v15 =	vadd.f32 v16, v15;
	v16 =	vmul.f32 v49, v7;
	[tilespmem:s14+$0xC400] =	vst v24;
	v17 =	vadd.f32 v18, v17;
	v18 =	vld [tilespmem:s14+$0xC440]  }
0xe4: {  	v12 =	vmul.f32 v12, v6;
	v13 =	vadd.f32 v14, v13;
	[tilespmem:s14+$0xC070] =	vst v23;
	v23 =	vld [tilespmem:s14+$0xC450];
	v11 =	vadd.f32 v29, v11  }
0xe5: {  	v14 =	vmul.f32 v30, v6;
	[tilespmem:s14+$0xC060] =	vst v21;
	v21 =	vmul.f32 v48, v7;
	v16 =	vadd.f32 v16, v26;
	v26 =	vld [tilespmem:s14+$0xC460]  }
0xe6: {  	v24 =	vmul.f32 v28, v6;
	v28 =	vld [tilespmem:s14+$0x830];
	[tilespmem:s14+$0xC050] =	vst v19;
	v11 =	vadd.f32 v12, v11;
	v12 =	vmul.f32 v58, v7  }
0xe7: {  	[tilespmem:s14+$0xC040] =	vst v17;
	v17 =	vadd.f32 v21, v27;
	v21 =	vld [tilespmem:s14+$0xC470];
	v14 =	vadd.f32 v14, v16;
	v16 =	vmul.f32 v59, v7  }
0xe8: {  	v19 =	vmul.f32 v31, v6;
	[tilespmem:s14+$0xC030] =	vst v15;
	v27 =	vld [tilespmem:s14+$0xC800];
	v12 =	vadd.f32 v12, v18;
	v18 =	vmul.f32 v60, v7  }
0xe9: {  	v15 =	vmul.f32 v32, v6;
	[tilespmem:s14+$0xC020] =	vst v13;
	v13 =	vadd.f32 v24, v17;
	v24 =	vld [tilespmem:s14+$0x840];
	v16 =	vadd.f32 v16, v23  }
0xea: {  	[tilespmem:s14+$0xC010] =	vst v11;
	v23 =	vld [tilespmem:s14+$0xC810];
	v11 =	vadd.f32 v19, v12;
	v12 =	vadd.f32 v18, v26;
	v18 =	vmul.f32 v25, v7  }
0xeb: {  	v17 =	vmul.f32 v33, v6;
	[tilespmem:s14+$0xC430] =	vst v14;
	v19 =	vld [tilespmem:s14+$0xC820];
	v14 =	vadd.f32 v15, v16  }
0xec: {  	[tilespmem:s14+$0xC410] =	vst v13;
	v25 =	vld [tilespmem:s14+$0x860];
	v15 =	vmul.f32 v34, v6;
	v16 =	vmul.f32 v22, v7;
	v13 =	vadd.f32 v18, v21  }
0xed: {  	v22 =	vld [tilespmem:s14+$0x850];
	[tilespmem:s14+$0xC440] =	vst v11;
	v11 =	vmul.f32 v35, v6;
	v12 =	vadd.f32 v17, v12;
	v17 =	vmul.f32 v63, v7  }
0xee: {  	v18 =	vld [tilespmem:s14+$0xC830];
	v16 =	vadd.f32 v16, v27;
	[tilespmem:s14+$0xC450] =	vst v14;
	v14 =	vmul.f32 v20, v7;
	v13 =	vadd.f32 v15, v13  }
0xef: {  	v21 =	vmul.f32 v36, v6;
	v15 =	vadd.f32 v17, v23;
	v17 =	vld [tilespmem:s14+$0xC840];
	[tilespmem:s14+$0xC460] =	vst v12  }
0xf0: {  	s16 =	simm.s32 $0x0;
	v12 =	vmul.f32 v37, v6;
	v11 =	vadd.f32 v11, v16;
	v16 =	vld [tilespmem:s14+$0x870];
	[tilespmem:s14+$0xC470] =	vst v13;
	v13 =	vadd.f32 v14, v19  }
0xf1: {  	s1 =	smul.u32 $0xC00, s16;
	s12 =	simm.s32 $0x80;
	v20 =	vmul.f32 v28, v7;
	v14 =	vadd.f32 v21, v15;
	v15 =	vld [tilespmem:s14+$0xC850]  }
0xf2: {  	s15 =	sand.u32 $0x380, s12;
	v21 =	vld [tilespmem:s14+$0xC860];
	[tilespmem:s14+$0xC800] =	vst v11;
	v11 =	vmul.f32 v24, v7;
	v12 =	vadd.f32 v12, v13  }
0xf3: {  	s1 =	sor.u32 s15, s1;
	v19 =	vmul.f32 v3, v6;
	v18 =	vadd.f32 v20, v18;
	[tilespmem:s14+$0xC810] =	vst v14;
	v13 =	vld [tilespmem:s14+$0x0]  }
0xf4: {  	v14 =	vmul.f32 v9, v6;
	v3 =	vld [tilespmem:s1+$0x6000];
	v11 =	vadd.f32 v11, v17;
	[tilespmem:s14+$0xC820] =	vst v12;
	v12 =	vmul.f32 v22, v7  }
0xf5: {  	v10 =	vmul.f32 v10, v6;
	v17 =	vadd.f32 v19, v18;
	v18 =	vld [tilespmem:s14+$0xC870]  }
0xf6: {  	v19 =	vld [tilespmem:s14+$0xC000];
	v11 =	vadd.f32 v14, v11;
	v14 =	vmul.f32 v25, v7;
	v15 =	vadd.f32 v12, v15  }
0xf7: {  	v8 =	vmul.f32 v8, v6;
	v9 =	vld [tilespmem:s1+$0xC010];
	[tilespmem:s14+$0xC830] =	vst v17  }
0xf8: {  	v12 =	vld [tilespmem:s1+$0x6010];
	[tilespmem:s14+$0xC840] =	vst v11;
	v11 =	vadd.f32 v14, v21;
	v14 =	vmul.f32 v16, v7;
	v10 =	vadd.f32 v10, v15  }
0xf9: {  	v15 =	vld [tilespmem:s1+$0xC020]  }
0xfa: {  	v5 =	vmul.f32 v5, v6;
	v17 =	vld [tilespmem:s1+$0x6020];
	v8 =	vadd.f32 v8, v11;
	[tilespmem:s14+$0xC850] =	vst v10;
	v10 =	vadd.f32 v14, v18;
	_ =	sdelay $0x1  }
0xfb: {  	v7 =	vmul.f32 v13, v7;
	v20 =	vld [tilespmem:s1+$0xC030];
	[tilespmem:s14+$0xC860] =	vst v8;
	v5 =	vadd.f32 v5, v10  }
0xfc: {  	v23 =	vld [tilespmem:s1+$0x6030]  }
0xfd: {  	v4 =	vmul.f32 v4, v6;
	v6 =	vadd.f32 v7, v19;
	v25 =	vld [tilespmem:s1+$0xC040];
	[tilespmem:s14+$0xC870] =	vst v5  }
0xfe: {  	v26 =	vld [tilespmem:s1+$0x6040]  }
0xff: {  	v4 =	vadd.f32 v4, v6;
	v27 =	vld [tilespmem:s1+$0xC050]  }
0x100: {  	v31 =	vld [tilespmem:s1+$0xC060]  }
0x101: {  	[tilespmem:s14+$0xC000] =	vst v4;
	v34 =	vld [tilespmem:s1+$0xC070]  }
0x102: {  	v30 =	vld [tilespmem:s1+$0x6050]  }
0x103: {  	v32 =	vld [tilespmem:s1+$0x6060]  }
0x104: {  	v35 =	vld [tilespmem:s1+$0x6070]  }
0x105: {  	v38 =	vld [tilespmem:s1+$0xC400]  }
0x106: {  	v36 =	vld [tilespmem:s1+$0x6400]  }
0x107: {  	v18 =	vld [tilespmem:s1+$0xC410]  }
0x108: {  	v22 =	vld [tilespmem:s1+$0x6410]  }
0x109: {  	v40 =	vld [tilespmem:s1+$0x6420]  }
0x10a: {  	v24 =	vld [tilespmem:s1+$0x6430]  }
0x10b: {  	v21 =	vld [tilespmem:s1+$0x6440]  }
0x10c: {  	v19 =	vld [tilespmem:s1+$0x6450]  }
0x10d: {  	v16 =	vld [tilespmem:s1+$0x6460]  }
0x10e: {  	v14 =	vld [tilespmem:s1+$0x6470]  }
0x10f: {  	v13 =	vld [tilespmem:s1+$0x6800]  }
0x110: {  	v11 =	vld [tilespmem:s1+$0x6810]  }
0x111: {  	v10 =	vld [tilespmem:s1+$0x6820]  }
0x112: {  	v8 =	vld [tilespmem:s1+$0x6830]  }
0x113: {  	v7 =	vld [tilespmem:s1+$0x6840]  }
0x114: {  	v6 =	vld [tilespmem:s1+$0x6850]  }
0x115: {  	v5 =	vld [tilespmem:s1+$0x6860]  }
0x116: {  	v4 =	vld [tilespmem:s1+$0x6870]  }
0x117: {  	v33 =	vld [tilespmem:s1+$0x10]  }
0x118: {  	v37 =	vld [tilespmem:s1+$0x20]  }
0x119: {  	v39 =	vld [tilespmem:s1+$0x30]  }
0x11a: {  	v41 =	vld [tilespmem:s1+$0x40]  }
0x11b: {  	s14 =	simm.s32 $0x2;
	v42 =	vld [tilespmem:s1+$0x60]  }
.LBB2_2:
0x11c: {  	p0 =	sne.s32 s14, $0x3F;
	v43 =	vld [tilespmem:s1+$0x70]  }
0x11d: {  	v44 =	vld [tilespmem:s1+$0x400]  }
0x11e: {  	s30 =	sadd.s32 $0x80, s30;
	v45 =	vld [tilespmem:s1+$0x420]  }
0x11f: {  	v28 =	vld [tilespmem:s30+$0x0]  }
0x120: {  	s0 =	sadd.s32 $0x80, s0;
	v46 =	vld [tilespmem:s1+$0xC420]  }
0x121: {  	v29 =	vld [tilespmem:s0+$0x0]  }
0x122: {  	v47 =	vld [tilespmem:s1+$0x50]  }
0x123: {  	v48 =	vld [tilespmem:s1+$0x410]  }
0x124: {  	v44 =	vmul.f32 v44, v28;
	v45 =	vmul.f32 v45, v28;
	v49 =	vld [tilespmem:s1+$0x430]  }
0x125: {  	v42 =	vmul.f32 v42, v28;
	v43 =	vmul.f32 v43, v28;
	v50 =	vld [tilespmem:s1+$0x440]  }
0x126: {  	v38 =	vadd.f32 v44, v38;
	v44 =	vadd.f32 v45, v46;
	v40 =	vmul.f32 v40, v29;
	v45 =	vld [tilespmem:s1+$0x450]  }
0x127: {  	v34 =	vadd.f32 v43, v34;
	v35 =	vmul.f32 v35, v29;
	v36 =	vmul.f32 v36, v29;
	v43 =	vld [tilespmem:s1+$0x460]  }
0x128: {  	v31 =	vadd.f32 v42, v31;
	v32 =	vmul.f32 v32, v29;
	v40 =	vadd.f32 v40, v44;
	v42 =	vld [tilespmem:s1+$0x470]  }
0x129: {  	v44 =	vmul.f32 v47, v28;
	v34 =	vadd.f32 v35, v34;
	v35 =	vadd.f32 v36, v38;
	v36 =	vld [tilespmem:s1+$0x800]  }
0x12a: {  	v30 =	vmul.f32 v30, v29;
	v38 =	vmul.f32 v41, v28;
	v31 =	vadd.f32 v32, v31;
	[tilespmem:s1+$0xC420] =	vst v40;
	v32 =	vld [tilespmem:s1+$0x810]  }
0x12b: {  	v39 =	vmul.f32 v39, v28;
	v26 =	vmul.f32 v26, v29;
	v27 =	vadd.f32 v44, v27;
	[tilespmem:s1+$0xC400] =	vst v35;
	v35 =	vld [tilespmem:s1+$0x820]  }
0x12c: {  	v37 =	vmul.f32 v37, v28;
	v23 =	vmul.f32 v23, v29;
	v25 =	vadd.f32 v38, v25;
	[tilespmem:s1+$0xC070] =	vst v34;
	v34 =	vld [tilespmem:s1+$0xC430]  }
0x12d: {  	v17 =	vmul.f32 v17, v29;
	v20 =	vadd.f32 v39, v20;
	v27 =	vadd.f32 v30, v27;
	[tilespmem:s1+$0xC060] =	vst v31;
	v30 =	vld [tilespmem:s1+$0x830]  }
0x12e: {  	v15 =	vadd.f32 v37, v15;
	v25 =	vadd.f32 v26, v25;
	v31 =	vmul.f32 v33, v28;
	v26 =	vld [tilespmem:s1+$0x840]  }
0x12f: {  	v12 =	vmul.f32 v12, v29;
	v20 =	vadd.f32 v23, v20;
	v23 =	vmul.f32 v49, v28;
	[tilespmem:s1+$0xC050] =	vst v27;
	v27 =	vld [tilespmem:s1+$0xC440]  }
0x130: {  	v15 =	vadd.f32 v17, v15;
	v17 =	vmul.f32 v24, v29;
	v9 =	vadd.f32 v31, v9;
	[tilespmem:s1+$0xC040] =	vst v25;
	v24 =	vld [tilespmem:s1+$0xC450]  }
0x131: {  	v22 =	vmul.f32 v22, v29;
	[tilespmem:s1+$0xC030] =	vst v20;
	v20 =	vmul.f32 v48, v28;
	v23 =	vadd.f32 v23, v34;
	v25 =	vld [tilespmem:s1+$0xC460]  }
0x132: {  	v9 =	vadd.f32 v12, v9;
	v12 =	vmul.f32 v50, v28;
	[tilespmem:s1+$0xC020] =	vst v15;
	v15 =	vmul.f32 v21, v29;
	v21 =	vld [tilespmem:s1+$0x850]  }
0x133: {  	v18 =	vadd.f32 v20, v18;
	v17 =	vadd.f32 v17, v23;
	v20 =	vmul.f32 v45, v28;
	v23 =	vld [tilespmem:s1+$0xC470]  }
0x134: {  	[tilespmem:s1+$0xC010] =	vst v9;
	v9 =	vadd.f32 v12, v27;
	v12 =	vmul.f32 v19, v29;
	v19 =	vmul.f32 v43, v28;
	v27 =	vld [tilespmem:s1+$0xC800]  }
0x135: {  	v16 =	vmul.f32 v16, v29;
	v18 =	vadd.f32 v22, v18;
	[tilespmem:s1+$0xC430] =	vst v17;
	v17 =	vadd.f32 v20, v24;
	v20 =	vld [tilespmem:s1+$0x860]  }
0x136: {  	v9 =	vadd.f32 v15, v9;
	v15 =	vadd.f32 v19, v25;
	v19 =	vmul.f32 v42, v28;
	v22 =	vld [tilespmem:s1+$0xC810]  }
0x137: {  	v14 =	vmul.f32 v14, v29;
	[tilespmem:s1+$0xC410] =	vst v18;
	v12 =	vadd.f32 v12, v17;
	v17 =	vmul.f32 v36, v28;
	v18 =	vld [tilespmem:s1+$0xC820]  }
0x138: {  	v13 =	vmul.f32 v13, v29;
	[tilespmem:s1+$0xC440] =	vst v9;
	v9 =	vadd.f32 v16, v15;
	v15 =	vadd.f32 v19, v23;
	v16 =	vld [tilespmem:s1+$0xC830]  }
0x139: {  	v11 =	vmul.f32 v11, v29;
	[tilespmem:s1+$0xC450] =	vst v12;
	v12 =	vadd.f32 v17, v27;
	v17 =	vmul.f32 v32, v28;
	v19 =	vld [tilespmem:s1+$0xC840]  }
0x13a: {  	v10 =	vmul.f32 v10, v29;
	[tilespmem:s1+$0xC460] =	vst v9;
	v9 =	vadd.f32 v14, v15;
	v14 =	vmul.f32 v35, v28;
	v15 =	vld [tilespmem:s1+$0x870]  }
0x13b: {  	v12 =	vadd.f32 v13, v12;
	v13 =	vadd.f32 v17, v22;
	v17 =	vmul.f32 v30, v28;
	v22 =	vld [tilespmem:s1+$0xC850]  }
0x13c: {  	s15 =	sshrl.u32 s14, $0x3;
	v8 =	vmul.f32 v8, v29;
	[tilespmem:s1+$0xC470] =	vst v9;
	v9 =	vadd.f32 v14, v18;
	v14 =	vmul.f32 v26, v28;
	v18 =	vld [tilespmem:s1+$0xC860]  }
0x13d: {  	s12 =	sadd.s32 $0x80, s12;
	s15 =	smul.u32 $0xC00, s15;
	v7 =	vmul.f32 v7, v29;
	v23 =	vld [tilespmem:s1+$0x0];
	[tilespmem:s1+$0xC800] =	vst v12;
	v11 =	vadd.f32 v11, v13;
	v12 =	vadd.f32 v17, v16  }
0x13e: {  	s16 =	sand.u32 $0x380, s12;
	v13 =	vmul.f32 v21, v28;
	v9 =	vadd.f32 v10, v9;
	v10 =	vadd.f32 v14, v19;
	v14 =	vld [tilespmem:s1+$0xC870]  }
0x13f: {  	s15 =	sor.u32 s16, s15;
	v6 =	vmul.f32 v6, v29;
	v16 =	vld [tilespmem:s1+$0xC000];
	[tilespmem:s1+$0xC810] =	vst v11;
	v8 =	vadd.f32 v8, v12;
	v11 =	vmul.f32 v20, v28  }
0x140: {  	v5 =	vmul.f32 v5, v29;
	v19 =	vld [tilespmem:s15+$0x6000];
	[tilespmem:s1+$0xC820] =	vst v9;
	v7 =	vadd.f32 v7, v10;
	v10 =	vadd.f32 v13, v22  }
0x141: {  	v4 =	vmul.f32 v4, v29;
	v9 =	vld [tilespmem:s15+$0xC010];
	[tilespmem:s1+$0xC830] =	vst v8;
	v8 =	vadd.f32 v11, v18;
	v11 =	vmul.f32 v15, v28  }
0x142: {  	v18 =	vmul.f32 v3, v29;
	v12 =	vld [tilespmem:s15+$0x6010];
	v13 =	vmul.f32 v23, v28;
	[tilespmem:s1+$0xC840] =	vst v7;
	v10 =	vadd.f32 v6, v10  }
0x143: {  	v15 =	vld [tilespmem:s15+$0xC020];
	v5 =	vadd.f32 v5, v8;
	v6 =	vadd.f32 v11, v14  }
0x144: {  	v17 =	vld [tilespmem:s15+$0x6020];
	v7 =	vadd.f32 v13, v16;
	[tilespmem:s1+$0xC850] =	vst v10  }
0x145: {  	v20 =	vld [tilespmem:s15+$0xC030];
	[tilespmem:s1+$0xC860] =	vst v5;
	v4 =	vadd.f32 v4, v6;
	v3 =	vmov v19  }
0x146: {  	v23 =	vld [tilespmem:s15+$0x6030];
	v5 =	vadd.f32 v18, v7  }
0x147: {  	v25 =	vld [tilespmem:s15+$0xC040];
	[tilespmem:s1+$0xC870] =	vst v4  }
0x148: {  	v26 =	vld [tilespmem:s15+$0x6040];
	[tilespmem:s1+$0xC000] =	vst v5;
	s1 =	smov.u32 s15  }
0x149: {  	v27 =	vld [tilespmem:s1+$0xC050]  }
0x14a: {  	v30 =	vld [tilespmem:s1+$0x6050]  }
0x14b: {  	v31 =	vld [tilespmem:s1+$0xC060]  }
0x14c: {  	v32 =	vld [tilespmem:s1+$0x6060]  }
0x14d: {  	v34 =	vld [tilespmem:s1+$0xC070]  }
0x14e: {  	v35 =	vld [tilespmem:s1+$0x6070]  }
0x14f: {  	v38 =	vld [tilespmem:s1+$0xC400]  }
0x150: {  	v36 =	vld [tilespmem:s1+$0x6400]  }
0x151: {  	v18 =	vld [tilespmem:s1+$0xC410]  }
0x152: {  	v22 =	vld [tilespmem:s1+$0x6410]  }
0x153: {  	v40 =	vld [tilespmem:s1+$0x6420]  }
0x154: {  	v24 =	vld [tilespmem:s1+$0x6430]  }
0x155: {  	v21 =	vld [tilespmem:s1+$0x6440]  }
0x156: {  	v19 =	vld [tilespmem:s1+$0x6450]  }
0x157: {  	v16 =	vld [tilespmem:s1+$0x6460]  }
0x158: {  	v14 =	vld [tilespmem:s1+$0x6470]  }
0x159: {  	v13 =	vld [tilespmem:s1+$0x6800]  }
0x15a: {  	v11 =	vld [tilespmem:s1+$0x6810]  }
0x15b: {  	v10 =	vld [tilespmem:s1+$0x6820]  }
0x15c: {  	v8 =	vld [tilespmem:s1+$0x6830]  }
0x15d: {  	v7 =	vld [tilespmem:s1+$0x6840]  }
0x15e: {  	v6 =	vld [tilespmem:s1+$0x6850]  }
0x15f: {  	v5 =	vld [tilespmem:s1+$0x6860]  }
0x160: {  	v4 =	vld [tilespmem:s1+$0x6870]  }
.Ltmp0:
0x161: {  	v33 =	vld [tilespmem:s1+$0x10];
	(pc) =	sbr.rel @p0 .LBB2_2-.Ltmp0, $4  }
0x162: {  	v37 =	vld [tilespmem:s1+$0x20]  }
0x163: {  	v39 =	vld [tilespmem:s1+$0x30]  }
0x164: {  	v41 =	vld [tilespmem:s1+$0x40]  }
0x165: {  	s14 =	sadd.s32 $0x1, s14;
	v42 =	vld [tilespmem:s1+$0x60]  }
0x166: {  	v43 =	vld [tilespmem:s1+$0x70]  }
0x167: {  	v44 =	vld [tilespmem:s1+$0x400]  }
0x168: {  	v45 =	vld [tilespmem:s1+$0x420];
	s12 =	sadd.s32 $0x80, s30  }
0x169: {  	s0 =	sadd.s32 $0x80, s0;
	v29 =	vld [tilespmem:s12+$0x0]  }
0x16a: {  	v28 =	vld [tilespmem:s0+$0x0];
	_ =	sdelay $0x2  }
0x16b: {  	v47 =	vld [tilespmem:s1+$0x50]  }
0x16c: {  	v46 =	vld [tilespmem:s1+$0xC420];
	v45 =	vmul.f32 v45, v29;
	v44 =	vmul.f32 v44, v29  }
0x16d: {  	v48 =	vld [tilespmem:s1+$0x410];
	v40 =	vmul.f32 v40, v28;
	v43 =	vmul.f32 v43, v29  }
0x16e: {  	v49 =	vld [tilespmem:s1+$0x430];
	v36 =	vmul.f32 v36, v28;
	v42 =	vmul.f32 v42, v29  }
0x16f: {  	v50 =	vld [tilespmem:s1+$0x440];
	v35 =	vmul.f32 v35, v28;
	v32 =	vmul.f32 v32, v28  }
0x170: {  	v51 =	vld [tilespmem:s1+$0x460];
	v62 =	vmul.f32 v47, v29;
	v63 =	vmul.f32 v41, v29  }
0x171: {  	v52 =	vld [tilespmem:s1+$0xC450];
	v30 =	vmul.f32 v30, v28;
	v41 =	vmul.f32 v39, v29  }
0x172: {  	v54 =	vld [tilespmem:s1+$0xC460];
	v26 =	vmul.f32 v26, v28;
	v23 =	vmul.f32 v23, v28  }
0x173: {  	v56 =	vld [tilespmem:s1+$0x850];
	v17 =	vmul.f32 v17, v28;
	v47 =	vmul.f32 v33, v29  }
0x174: {  	v58 =	vld [tilespmem:s1+$0xC470];
	v12 =	vmul.f32 v12, v28;
	v53 =	vmul.f32 v49, v29  }
0x175: {  	v61 =	vld [tilespmem:s1+$0xC800];
	v55 =	vmul.f32 v24, v28;
	v57 =	vmul.f32 v48, v29  }
0x176: {  	v59 =	vmul.f32 v22, v28;
	v60 =	vmul.f32 v50, v29;
	v39 =	vld [tilespmem:s1+$0xC830]  }
0x177: {  	v21 =	vmul.f32 v21, v28;
	v50 =	vld [tilespmem:s1+$0xC860];
	v45 =	vadd.f32 v45, v46;
	v38 =	vadd.f32 v44, v38  }
0x178: {  	v33 =	vmul.f32 v51, v29;
	v46 =	vld [tilespmem:s1+$0x450];
	v34 =	vadd.f32 v43, v34;
	v31 =	vadd.f32 v42, v31  }
0x179: {  	v16 =	vmul.f32 v16, v28;
	v44 =	vld [tilespmem:s1+$0x470];
	v27 =	vadd.f32 v62, v27;
	v40 =	vadd.f32 v40, v45  }
0x17a: {  	v14 =	vmul.f32 v14, v28;
	v25 =	vadd.f32 v63, v25;
	v43 =	vld [tilespmem:s1+$0xC440];
	v36 =	vadd.f32 v36, v38  }
0x17b: {  	v13 =	vmul.f32 v13, v28;
	v20 =	vadd.f32 v41, v20;
	v63 =	vld [tilespmem:s1+$0x860];
	v34 =	vadd.f32 v35, v34;
	[tilespmem:s1+$0xC420] =	vst v40  }
0x17c: {  	v42 =	vmul.f32 v37, v29;
	v9 =	vadd.f32 v47, v9;
	v41 =	vld [tilespmem:s1+$0xC840];
	v31 =	vadd.f32 v32, v31;
	[tilespmem:s1+$0xC400] =	vst v36  }
0x17d: {  	v11 =	vmul.f32 v11, v28;
	v18 =	vadd.f32 v57, v18;
	v45 =	vld [tilespmem:s1+$0x800];
	v27 =	vadd.f32 v30, v27;
	[tilespmem:s1+$0xC070] =	vst v34  }
0x17e: {  	v10 =	vmul.f32 v10, v28;
	v15 =	vadd.f32 v42, v15;
	v20 =	vadd.f32 v23, v20;
	v40 =	vld [tilespmem:s1+$0xC430];
	[tilespmem:s1+$0xC060] =	vst v31  }
0x17f: {  	v8 =	vmul.f32 v8, v28;
	v38 =	vld [tilespmem:s1+$0x810];
	v25 =	vadd.f32 v26, v25;
	v9 =	vadd.f32 v12, v9;
	[tilespmem:s1+$0xC050] =	vst v27  }
0x180: {  	v7 =	vmul.f32 v7, v28;
	v32 =	vld [tilespmem:s1+$0x820];
	v15 =	vadd.f32 v17, v15;
	[tilespmem:s1+$0xC030] =	vst v20;
	v20 =	vadd.f32 v33, v54  }
0x181: {  	v5 =	vmul.f32 v5, v28;
	[tilespmem:s1+$0xC010] =	vst v9;
	v9 =	vadd.f32 v59, v18;
	v31 =	vld [tilespmem:s1+$0xC810];
	v22 =	vadd.f32 v60, v43  }
0x182: {  	v30 =	vld [tilespmem:s1+$0x830];
	[tilespmem:s1+$0xC040] =	vst v25;
	v37 =	vmul.f32 v44, v29;
	v57 =	vmul.f32 v63, v29;
	v16 =	vadd.f32 v16, v20  }
0x183: {  	v36 =	vld [tilespmem:s1+$0xC820];
	[tilespmem:s1+$0xC020] =	vst v15;
	v34 =	vadd.f32 v21, v22;
	v42 =	vmul.f32 v45, v29;
	v23 =	vadd.f32 v53, v40  }
0x184: {  	v35 =	vld [tilespmem:s1+$0x840];
	[tilespmem:s1+$0xC410] =	vst v9;
	v45 =	vmul.f32 v38, v29;
	v60 =	vadd.f32 v57, v50;
	v40 =	vadd.f32 v37, v58  }
0x185: {  	v62 =	vmul.f32 v46, v29;
	v46 =	vld [tilespmem:s1+$0xC850];
	[tilespmem:s1+$0xC460] =	vst v16;
	v44 =	vadd.f32 v42, v61;
	v15 =	vadd.f32 v55, v23  }
0x186: {  	v43 =	vld [tilespmem:s1+$0x870];
	v47 =	vmul.f32 v32, v29;
	[tilespmem:s1+$0xC440] =	vst v34;
	v48 =	vadd.f32 v45, v31;
	v5 =	vadd.f32 v5, v60  }
0x187: {  	v49 =	vmul.f32 v30, v29;
	v14 =	vadd.f32 v14, v40;
	[tilespmem:s1+$0xC430] =	vst v15;
	v15 =	vadd.f32 v62, v52;
	v52 =	vld [tilespmem:s1+$0x0]  }
0x188: {  	v12 =	vmul.f32 v56, v29;
	v54 =	vld [tilespmem:s1+$0xC870];
	v9 =	vadd.f32 v47, v36;
	v13 =	vadd.f32 v13, v44;
	[tilespmem:s1+$0xC860] =	vst v5  }
0x189: {  	v56 =	vld [tilespmem:s1+$0xC000];
	v51 =	vmul.f32 v35, v29;
	v53 =	vadd.f32 v49, v39;
	v11 =	vadd.f32 v11, v48;
	[tilespmem:s1+$0xC470] =	vst v14  }
0x18a: {  	v6 =	vmul.f32 v6, v28;
	v58 =	vadd.f32 v12, v46;
	v9 =	vadd.f32 v10, v9;
	[tilespmem:s1+$0xC800] =	vst v13  }
0x18b: {  	v59 =	vmul.f32 v43, v29;
	v55 =	vadd.f32 v51, v41;
	v8 =	vadd.f32 v8, v53;
	[tilespmem:s1+$0xC810] =	vst v11  }
0x18c: {  	v19 =	vmul.f32 v19, v28;
	v6 =	vadd.f32 v6, v58;
	[tilespmem:s1+$0xC820] =	vst v9;
	v61 =	vmul.f32 v52, v29  }
0x18d: {  	v4 =	vmul.f32 v4, v28;
	v7 =	vadd.f32 v7, v55;
	[tilespmem:s1+$0xC830] =	vst v8;
	v62 =	vadd.f32 v59, v54  }
0x18e: {  	v3 =	vmul.f32 v3, v28;
	[tilespmem:s1+$0xC850] =	vst v6;
	v15 =	vadd.f32 v19, v15;
	v63 =	vadd.f32 v61, v56  }
0x18f: {  	[tilespmem:s1+$0xC840] =	vst v7;
	v4 =	vadd.f32 v4, v62  }
0x190: {  	s29 =	sadd.s32 $0x1, s29;
	[tilespmem:s1+$0xC450] =	vst v15;
	v3 =	vadd.f32 v3, v63  }
0x191: {  	p0 =	sne.s32 s29, s11;
	[tilespmem:s1+$0xC870] =	vst v4  }
.Ltmp1:
0x192: {  	[tilespmem:s1+$0xC000] =	vst v3;
	(pc) =	sbr.rel @p0 .LBB2_1-.Ltmp1, $4  }
0x193: {  	[hbm4b:s10+s2] =	stream.linear.scatter [tilespmem:s28], [sflag:$0x2], $0x6000, $0x38;
	[tilespmem:$0x16100] =	vst v63  }
0x194: {  	_ =	swait.ge [sflag:s13], $0x6000  }
0x195: {  	[sflag:s13] =	ssyncset.done $0x0  }
0x196: {  	[sflag:s13] =	ssyncadd.s32 $0xFFFFA000  }
0x197: {  	_ =	sfence.sel $0x180000  }
0x198: {  	[bflag:$0x0] =	sbarrier.arrive $0xFFFF  }
0x199: {  	_ =	strace $0x9000004A  }
0x19a: {  	s0 =	stileid.u32;
	[bflag:$0x2] =	sbarrier.arrive $0xFFFF  }
0x19b: {  	p0 =	sne.s32 s0, $0x0;
	s0 =	rddreg [dreg:$0x2]  }
0x19c: {  	s0 =	sadd.s32 @!p0 $0x100000, s0  }
0x19d: {  	[sflag:s0] =	ssyncadd.tile.s32 @!p0 $0x1;
	_ =	shalt  }
.Lfunc_end2:
_tile_overlayer_lowered:
.L_overlay_start_2:
0x19e: {  	(tag) =	ssettag $0x2  }
0x19f: {  	s0 =	rddreg [dreg:$0x0];
	s2 =	stileid.u32  }
0x1a0: {  	s1 =	rddreg [dreg:$0x1];
	p0 =	sne.s32 s2, $0x0  }
0x1a1: {  	s3 =	rddreg [dreg:$0x2];
	[bflag:$0x3] =	sbarrier.arrive $0xFFFF;
	s2 =	simm.s32 @!p0 $0x1C02  }
0x1a2: {  	[timem:s3], [sflag:s2] =	dma.local @!p0 [hbm:s0], s1  }
0x1a3: {  	s0 =	simm.s32 @!p0 $0x2  }
0x1a4: {  	_ =	swait.ge @!p0 [sflag:s0], s1  }
0x1a5: {  	s1 =	ssub.s32 @!p0 $0x0, s1;
	[sflag:s0] =	ssyncset.done @!p0 $0x0  }
0x1a6: {  	[sflag:s0] =	ssyncadd.s32 @!p0 s1  }
0x1a7: {  	[bflag:$0x3] =	sbarrier.arrive $0xFFFF  }
0x1a8: {  	_ =	shalt  }

</sc_bundles>
